<compile_context>
chip_gen: v7x
topology: tpu7x:2x2x1
jax: 0.10.2.dev20260603
libtpu: 0.0.44.dev20260713+nightly
codegen_flags: <defaults>
</compile_context>

<pallas_src>
import math

import jax
import jax.numpy as jnp
from jax.experimental import pallas as pl
from jax.experimental.pallas import tpu as pltpu

_D_MODEL = 96
_D_STATE = 16
_D_INNER = 96
_DT_RANK = 6
_KG = 4
_TOPK = 0.15
_SIZE = 16
_LN_EPS = 1e-5

_T = 64


def _silu(v):
    return v * jax.nn.sigmoid(v)


def _conv2d(v, w, b=None):
    out = jax.lax.conv_general_dilated(
        v, w, (1, 1), "SAME", dimension_numbers=("NCHW", "OIHW", "NCHW"))
    if b is not None:
        out = out + b[None, :, None, None]
    return out


def _scan_all_body(Bsz, T, N, d):
    G = 2 * Bsz * 2

    def body(xf_ref, xb_ref, wm_ref, wb_ref, wc_ref, a_ref, bias_ref, rev_ref,
             yf_ref, yb_ref, h_ref, da_ref, hb_ref):
        c = pl.program_id(0)

        @pl.when(c == 0)
        def _():
            h_ref[...] = jnp.zeros_like(h_ref)

        cc_all = [None] * G
        for dirn in range(2):
            x_ref = xf_ref if dirn == 0 else xb_ref
            for b in range(Bsz):
                X = x_ref[b]
                if dirn == 1:
                    X = jnp.dot(rev_ref[...], X,
                                preferred_element_type=jnp.float32)
                for j in range(2):
                    k = dirn * 2 + j
                    g = (dirn * Bsz + b) * 2 + j
                    sl = slice(g * N, (g + 1) * N)
                    raw = jnp.dot(X, wm_ref[k],
                                  preferred_element_type=jnp.float32)
                    zb = raw + bias_ref[k]
                    delta = (jnp.maximum(zb, 0.0)
                             + jnp.log1p(jnp.exp(-jnp.abs(zb))))
                    Bc = jnp.dot(X, wb_ref[k],
                                 preferred_element_type=jnp.float32)
                    Cc = jnp.dot(X, wc_ref[k],
                                 preferred_element_type=jnp.float32)
                    Gx = delta * X
                    da_ref[:, sl, :] = jnp.exp(
                        delta[:, None, :] * a_ref[k][None, :, :])
                    hb_ref[:, sl, :] = Bc[:, :, None] * Gx[:, None, :]
                    cc_all[g] = Cc

        def step(t, h):
            h = h * da_ref[t] + hb_ref[t]
            hb_ref[t] = h
            return h

        h_ref[...] = jax.lax.fori_loop(0, T, step, h_ref[...])

        for dirn in range(2):
            y_ref = yf_ref if dirn == 0 else yb_ref
            for b in range(Bsz):
                y = jnp.zeros((T, d), jnp.float32)
                for j in range(2):
                    g = (dirn * Bsz + b) * 2 + j
                    sl = slice(g * N, (g + 1) * N)
                    y = y + jnp.sum(hb_ref[:, sl, :]
                                    * cc_all[g][:, :, None], axis=1)
                if dirn == 1:
                    y = jnp.dot(rev_ref[...], y,
                                preferred_element_type=jnp.float32)
                y_ref[b] = y

    return body


def _scan_all(vals, M4, WB4, WC4, A4, bias4):
    Bsz, Lp, d = vals.shape
    T = _T
    NC = Lp // T
    N = _D_STATE
    G = 2 * Bsz * 2

    def fmap(c):
        return (0, c, 0)

    def bmap(c):
        return (0, NC - 1 - c, 0)

    def wmap(c):
        return (0, 0, 0)

    yf, yb = pl.pallas_call(
        _scan_all_body(Bsz, T, N, d),
        grid=(NC,),
        in_specs=[
            pl.BlockSpec((Bsz, T, d), fmap),
            pl.BlockSpec((Bsz, T, d), bmap),
            pl.BlockSpec((4, d, d), wmap),
            pl.BlockSpec((4, d, N), wmap),
            pl.BlockSpec((4, d, N), wmap),
            pl.BlockSpec((4, N, d), wmap),
            pl.BlockSpec((4, 1, d), wmap),
            pl.BlockSpec((T, T), lambda c: (0, 0)),
        ],
        out_specs=[
            pl.BlockSpec((Bsz, T, d), fmap),
            pl.BlockSpec((Bsz, T, d), bmap),
        ],
        out_shape=[
            jax.ShapeDtypeStruct((Bsz, Lp, d), jnp.float32),
            jax.ShapeDtypeStruct((Bsz, Lp, d), jnp.float32),
        ],
        scratch_shapes=[
            pltpu.VMEM((G * N, d), jnp.float32),
            pltpu.VMEM((T, G * N, d), jnp.float32),
            pltpu.VMEM((T, G * N, d), jnp.float32),
        ],
        compiler_params=pltpu.CompilerParams(
            dimension_semantics=("arbitrary",)),
    )(vals, vals, M4, WB4, WC4, A4, bias4,
      jnp.eye(T, dtype=jnp.float32)[::-1])
    return yf, yb


def _select_mask(xp):
    B, C, H, W = xp.shape
    gh, gw = H // _SIZE, W // _SIZE
    density = jax.nn.sigmoid(xp.mean(axis=1))
    density = density.reshape(B, gh, _SIZE, gw, _SIZE).mean(axis=(2, 4))
    sf = density.reshape(B, gh * gw)
    ths = []
    th = 0.3
    while th >= 0:
        ths.append(th)
        th = round(th - 0.05, 2)
    thr_arr = jnp.asarray(ths, dtype=jnp.float32)
    anys = sf[:, None, :] > thr_arr[None, :, None]
    anys = anys.any(axis=2)
    found = anys.any(axis=1)
    th_sel = thr_arr[jnp.argmax(anys, axis=1)]
    m = (sf > th_sel[:, None]).astype(jnp.float32)
    top10 = jax.lax.top_k(sf, 10)[0][:, -1]
    m_cap = (sf >= top10[:, None]).astype(jnp.float32)
    m = jnp.where(m.sum(axis=1, keepdims=True) > 10, m_cap, m)
    fallback = (sf >= sf.max(axis=1, keepdims=True)).astype(jnp.float32)
    return jnp.where(found[:, None], m, fallback)


def _build_indices(mask_cells, H, W, max_n):
    B = mask_cells.shape[0]
    gh, gw = H // _SIZE, W // _SIZE
    sel = mask_cells.reshape(B, gh, gw)
    sel = jnp.repeat(jnp.repeat(sel, _SIZE, axis=1), _SIZE, axis=2)
    sel = sel.reshape(B, H * W) > 0
    HW = H * W
    ar = jnp.arange(HW, dtype=jnp.int32)
    csum = jnp.cumsum(sel.astype(jnp.int32), axis=1)
    total = csum[:, -1]
    keep = sel & (csum <= max_n)
    keep = jnp.where((total > 0)[:, None], keep, (ar < 16)[None, :])
    kcs = jnp.cumsum(keep.astype(jnp.int32), axis=1)
    n_valid = kcs[:, -1]
    rank = jnp.where(keep, kcs - 1, n_valid[:, None] + ar[None, :] - kcs)

    def scat_one(rank_b):
        return jnp.zeros((max_n,), jnp.int32).at[rank_b].set(ar, mode="drop")

    idx = jax.vmap(scat_one)(rank)
    return idx, rank, keep, n_valid


def kernel(x, in_w, in_b, x_proj_weight, dt_projs_weight, dt_projs_bias,
           A_logs, Ds, proj_d_w, ln_g, ln_b, out_w):
    xact = _silu(_conv2d(x, in_w, in_b))
    xp, z = jnp.split(xact, 2, axis=1)
    B, D, H, W = xp.shape
    HW = H * W
    max_n = int(HW * _TOPK)
    Lp = ((max_n + _T - 1) // _T) * _T

    mask_cells = _select_mask(xp)
    idx, rank, keep, n_valid = _build_indices(mask_cells, H, W, max_n)
    validp = jnp.arange(Lp, dtype=jnp.int32)[None, :] < n_valid[:, None]

    xs_flat = xp.reshape(B, D, HW)
    idx_pad = jnp.pad(idx, ((0, 0), (0, Lp - max_n)))
    vals = jnp.take_along_axis(xs_flat, idx_pad[:, None, :], axis=2)
    vals = vals * validp[:, None, :].astype(vals.dtype)
    vals_t = jnp.swapaxes(vals, 1, 2)

    Ds_full = _silu(Ds @ proj_d_w.T)
    Ds_t = Ds_full[:_KG * _D_INNER].reshape(_KG, _D_INNER)
    Ds_b = Ds_full[_KG * _D_INNER:]
    dsum = Ds_t.sum(axis=0)

    W6 = x_proj_weight[:, :_DT_RANK, :]
    WB = x_proj_weight[:, _DT_RANK:_DT_RANK + _D_STATE, :]
    WC = x_proj_weight[:, _DT_RANK + _D_STATE:, :]
    M = jnp.einsum("krd,ker->kde", W6, dt_projs_weight)
    WBt = jnp.swapaxes(WB, 1, 2)
    WCt = jnp.swapaxes(WC, 1, 2)
    A = -jnp.exp(A_logs).reshape(_KG, _D_INNER, _D_STATE)
    At = jnp.swapaxes(A, 1, 2)
    bias = dt_projs_bias.reshape(_KG, 1, _D_INNER)

    y_f, y_b = _scan_all(vals_t, M, WBt, WCt, At, bias)

    y_sum = (y_f + y_b + vals_t * dsum[None, None, :]) * 0.5
    y_comb = jnp.swapaxes(y_sum[:, :max_n, :], 1, 2)

    base = Ds_b[None, :, None] * xs_flat
    valid = validp[:, :max_n]
    idx_m = jnp.where(valid, idx, HW)

    def scat_one(base_b, idx_b, vals_b):
        return base_b.at[:, idx_b].set(vals_b, mode="drop")

    out_flat = jax.vmap(scat_one)(base, idx_m, y_comb)
    out_y = out_flat.reshape(B, D, H, W)

    mu = out_y.mean(axis=1, keepdims=True)
    var = ((out_y - mu) ** 2).mean(axis=1, keepdims=True)
    oy = (out_y - mu) * jax.lax.rsqrt(var + _LN_EPS)
    oy = oy * ln_g[None, :, None, None] + ln_b[None, :, None, None]
    y = oy * z
    return _conv2d(y, out_w, None)

# --- scband reference (transcript-rebuilt; emitter-appended) ---
"""Pipeline reference for scband-mask-ssm-62818191671675 (READ-ONLY COPY).

The authoritative reference and input builder live on the scoring server;
editing this copy changes nothing except your own understanding.
"""

import jax, jax.numpy as jnp
import numpy as np
import math

D_MODEL = 96
D_STATE = 16
D_INNER = 96
DT_RANK = 6
K_GROUP = 4
TOPK = 0.15
SIZE = 16
LN_EPS = 1e-5
B_SZ, H_SZ, W_SZ = 2, 224, 224

def silu(v):
    return v * jax.nn.sigmoid(v)

def conv2d(v, w, b=None):
    out = jax.lax.conv_general_dilated(v, w, (1, 1), 'SAME', dimension_numbers=('NCHW', 'OIHW', 'NCHW'))
    if b is not None:
        out = out + b[None, :, None, None]
    return out

def setup_inputs(seed: int = 0):
    key = jax.random.key(seed)
    ks = jax.random.split(key, 8)
    x = jax.random.normal(ks[0], (B_SZ, D_MODEL, H_SZ, W_SZ), dtype=jnp.float32)
    in_w = jax.random.normal(ks[1], (2 * D_INNER, D_MODEL, 3, 3), dtype=jnp.float32) * (1.0 / math.sqrt(D_MODEL * 9))
    in_b = jnp.zeros((2 * D_INNER,), dtype=jnp.float32)
    lim = 1.0 / math.sqrt(D_INNER)
    x_proj_weight = jax.random.uniform(ks[2], (K_GROUP, DT_RANK + 2 * D_STATE, D_INNER), minval=-lim, maxval=lim, dtype=jnp.float32)
    dt_projs_weight = jnp.full((K_GROUP, D_INNER, DT_RANK), DT_RANK ** -0.5, dtype=jnp.float32)
    dt = jnp.exp(jax.random.uniform(ks[3], (K_GROUP, D_INNER)) * (math.log(0.1) - math.log(0.001)) + math.log(0.001))
    dt = jnp.maximum(dt, 0.0001)
    dt_projs_bias = (dt + jnp.log(-jnp.expm1(-dt))).astype(jnp.float32)
    A_logs = jnp.tile(jnp.log(jnp.arange(1, D_STATE + 1, dtype=jnp.float32))[None, :], (K_GROUP * D_INNER, 1))
    Ds = jnp.ones((D_INNER,), dtype=jnp.float32)
    proj_d_w = jax.random.uniform(ks[4], ((K_GROUP + 1) * D_INNER, D_INNER), minval=-lim, maxval=lim, dtype=jnp.float32)
    ln_g = jnp.ones((D_INNER,), dtype=jnp.float32)
    ln_b = jnp.zeros((D_INNER,), dtype=jnp.float32)
    out_w = jax.random.normal(ks[5], (D_MODEL, D_INNER, 3, 3), dtype=jnp.float32) * (1.0 / math.sqrt(D_INNER * 9))
    return {'x': x, 'in_w': in_w, 'in_b': in_b, 'x_proj_weight': x_proj_weight, 'dt_projs_weight': dt_projs_weight, 'dt_projs_bias': dt_projs_bias, 'A_logs': A_logs, 'Ds': Ds, 'proj_d_w': proj_d_w, 'ln_g': ln_g, 'ln_b': ln_b, 'out_w': out_w}

def adjust_target_np(xc, init_thresh=0.3, step=0.05, size=16, max_num=10):
    B, C, H, W = xc.shape
    density = 1.0 / (1.0 + jnp.exp(-xc.mean(axis=1, keepdims=True)))
    gh, gw = H // size, W // size
    density = density.reshape(B, 1, gh, size, gw, size).mean(axis=(3, 5))
    ths = []
    th = init_thresh
    while th >= 0:
        ths.append(th)
        th = round(th - step, 2)
    thr_arr = jnp.asarray(ths, dtype=jnp.float32)
    parts = []
    for b in range(B):
        sf = density[b:b + 1]
        anys = jnp.stack([(sf > t).any() for t in ths])
        found = anys.any()
        th_sel = thr_arr[jnp.argmax(anys)]
        m = (sf > th_sel).astype(jnp.float32)
        vals = jnp.sort(sf.reshape(-1))[::-1][:max_num]
        m_cap = (sf >= vals[-1]).astype(jnp.float32)
        m = jnp.where(m.sum() > max_num, m_cap, m)
        fallback = (sf >= sf.max()).astype(jnp.float32)
        parts.append(jnp.where(found, m, fallback))
    return jnp.concatenate(parts, axis=0)

def compute_indices(heart, H, W, max_n):
    idx_list = []
    ar = jnp.arange(H * W)
    for i in range(heart.shape[0]):
        flat = heart[i].reshape(-1)
        sel = flat > 0
        csum = jnp.cumsum(sel.astype(jnp.int32))
        keep = sel & (csum <= max_n)
        out_mask = jnp.where(sel.sum() > 0, keep, ar < 16)
        idx = jnp.argsort(jnp.logical_not(out_mask).astype(jnp.int32), stable=True)[:max_n]
        valid = out_mask[idx]
        idx_list.append((idx, valid))
    return idx_list

def selective_scan(u, delta, A, Bs, Cs, D, delta_bias, kmask):
    b, KD, L = u.shape
    K = Bs.shape[1]
    d = KD // K
    N = A.shape[1]
    delta = jax.nn.softplus(delta + delta_bias[None, :, None])
    u_k = u.reshape(b, K, d, L)
    delta_k = delta.reshape(b, K, d, L) * kmask[None, :, None, :]
    A_k = A.reshape(K, d, N)
    u_t = jnp.transpose(u_k, (3, 0, 1, 2))
    d_t = jnp.transpose(delta_k, (3, 0, 1, 2))
    B_t = jnp.transpose(Bs, (3, 0, 1, 2))
    C_t = jnp.transpose(Cs, (3, 0, 1, 2))

    def step(h, inp):
        ut, dt_, bt, ct = inp
        dA = jnp.exp(dt_[..., None] * A_k[None])
        dBu = dt_[..., None] * bt[:, :, None, :] * ut[..., None]
        h = h * dA + dBu
        y = jnp.sum(h * ct[:, :, None, :], axis=-1)
        return h, y

    h0 = jnp.zeros((b, K, d, N), dtype=u.dtype)
    _, ys = jax.lax.scan(step, h0, (u_t, d_t, B_t, C_t))
    y = jnp.transpose(ys, (1, 2, 3, 0)).reshape(b, KD, L)
    return y + D[None, :, None] * u

def ssm_forward(x_rc, Ds_t, x_proj_weight, dt_projs_weight, dt_projs_bias, A_logs, kmask):
    b, K2, d, L = x_rc.shape
    xs = jnp.concatenate([x_rc, jnp.flip(x_rc, axis=-1)], axis=1)
    x_dbl = jnp.einsum('bkdl,kcd->bkcl', xs, x_proj_weight)
    dts = x_dbl[:, :, :DT_RANK, :]
    Bs = x_dbl[:, :, DT_RANK:DT_RANK + D_STATE, :]
    Cs = x_dbl[:, :, DT_RANK + D_STATE:, :]
    dts = jnp.einsum('bkrl,kdr->bkdl', dts, dt_projs_weight)
    u = xs.reshape(b, K_GROUP * d, L)
    delta = dts.reshape(b, K_GROUP * d, L)
    As = -jnp.exp(A_logs)
    out_y = selective_scan(u, delta, As, Bs, Cs, Ds_t, dt_projs_bias.reshape(-1), kmask).reshape(b, K_GROUP, d, L)
    inv_y = jnp.flip(out_y[:, 2:4], axis=-1)
    return out_y[:, 0:2] + inv_y

def core(x, in_w, in_b, x_proj_weight, dt_projs_weight, dt_projs_bias, A_logs, Ds, proj_d_w, ln_g, ln_b, out_w, idx_list):
    xact = silu(conv2d(x, in_w, in_b))
    xp, z = jnp.split(xact, 2, axis=1)
    B, D, H, W = xp.shape
    Ds_full = silu(Ds @ proj_d_w.T)
    Ds_t = Ds_full[:K_GROUP * D_INNER]
    Ds_b = Ds_full[K_GROUP * D_INNER:]
    outs = []
    for i in range(B):
        idx, valid = idx_list[i]
        xs = xp[i]
        xs_flat = xs.reshape(D, H * W)
        vals = xs_flat[:, idx]
        xs_rc = jnp.stack([vals, vals], axis=0)[None]
        vmask = valid.astype(xs.dtype)
        kmask = jnp.stack([vmask, vmask, vmask[::-1], vmask[::-1]], axis=0)
        y_ssm = ssm_forward(xs_rc, Ds_t, x_proj_weight, dt_projs_weight, dt_projs_bias, A_logs, kmask)[0]
        base = Ds_b[:, None] * xs_flat
        y_comb = (y_ssm[0] + y_ssm[1]) / 2
        scat_vals = jnp.where(valid[None, :], y_comb, base[:, idx])
        xs_upd_flat = base.at[:, idx].set(scat_vals)
        outs.append(xs_upd_flat.reshape(1, D, H, W))
    out_y = jnp.concatenate(outs, axis=0)
    oy = jnp.transpose(out_y, (0, 2, 3, 1))
    mu = oy.mean(-1, keepdims=True)
    var = ((oy - mu) ** 2).mean(-1, keepdims=True)
    oy = (oy - mu) / jnp.sqrt(var + LN_EPS) * ln_g + ln_b
    y = jnp.transpose(oy, (0, 3, 1, 2)) * z
    return conv2d(y, out_w, None)

def reference(x, in_w, in_b, x_proj_weight, dt_projs_weight, dt_projs_bias, A_logs, Ds, proj_d_w, ln_g, ln_b, out_w):
    xact = silu(conv2d(x, in_w, in_b))
    xp = jnp.split(xact, 2, axis=1)[0]
    B, D, H, W = xp.shape
    max_n = int(H * W * TOPK)
    mask = adjust_target_np(xp)
    heart = jnp.repeat(jnp.repeat(mask, SIZE, axis=2), SIZE, axis=3)
    idx_list = compute_indices(heart, H, W, max_n)
    return core(x, in_w, in_b, x_proj_weight, dt_projs_weight, dt_projs_bias, A_logs, Ds, proj_d_w, ln_g, ln_b, out_w, idx_list)

if __name__ == "__main__":
    import jax
    _d = setup_inputs()
    print(jax.jit(kernel)(*tuple(_d.values())))

</pallas_src>

<mosaic_0001>
module attributes {stable_mosaic.version = 14 : i64} {
  func.func @body(%arg0: i32, %arg1: memref<2x64x96xf32, #tpu.memory_space<vmem>>, %arg2: memref<2x64x96xf32, #tpu.memory_space<vmem>>, %arg3: memref<4x96x96xf32, #tpu.memory_space<vmem>>, %arg4: memref<4x96x16xf32, #tpu.memory_space<vmem>>, %arg5: memref<4x96x16xf32, #tpu.memory_space<vmem>>, %arg6: memref<4x16x96xf32, #tpu.memory_space<vmem>>, %arg7: memref<4x1x96xf32, #tpu.memory_space<vmem>>, %arg8: memref<64x64xf32, #tpu.memory_space<vmem>>, %arg9: memref<2x64x96xf32, #tpu.memory_space<vmem>>, %arg10: memref<2x64x96xf32, #tpu.memory_space<vmem>>, %arg11: memref<128x96xf32, #tpu.memory_space<vmem>>, %arg12: memref<64x128x96xf32, #tpu.memory_space<vmem>>, %arg13: memref<64x128x96xf32, #tpu.memory_space<vmem>>) attributes {dimension_semantics = [#tpu.dimension_semantics<arbitrary>], iteration_bounds = array<i64: 118>, scalar_prefetch = 0 : i64, scratch_operands = 3 : i64, tpu.core_type = #tpu.core_type<tc>, window_params = [{transform_indices = @transform_0, window_bounds = array<i64: 2, 64, 96>}, {transform_indices = @transform_1, window_bounds = array<i64: 2, 64, 96>}, {pipeline_mode = #tpu.pipeline_mode<synchronous>, transform_indices = @transform_2, window_bounds = array<i64: 4, 96, 96>}, {pipeline_mode = #tpu.pipeline_mode<synchronous>, transform_indices = @transform_3, window_bounds = array<i64: 4, 96, 16>}, {pipeline_mode = #tpu.pipeline_mode<synchronous>, transform_indices = @transform_4, window_bounds = array<i64: 4, 96, 16>}, {pipeline_mode = #tpu.pipeline_mode<synchronous>, transform_indices = @transform_5, window_bounds = array<i64: 4, 16, 96>}, {pipeline_mode = #tpu.pipeline_mode<synchronous>, transform_indices = @transform_6, window_bounds = array<i64: 4, 1, 96>}, {pipeline_mode = #tpu.pipeline_mode<synchronous>, transform_indices = @transform_7, window_bounds = array<i64: 64, 64>}, {transform_indices = @transform_8, window_bounds = array<i64: 2, 64, 96>}, {transform_indices = @transform_9, window_bounds = array<i64: 2, 64, 96>}]} {
    %eq3A = arith.constant 0 : i32
    %eq3A_0 = arith.cmpi eq, %arg0, %eq3A : i32
    %convert_element_type3A = arith.extui %eq3A_0 : i1 to i32
    %cond3A = arith.constant 0 : i32
    %cond3A_1 = arith.cmpi ne, %convert_element_type3A, %cond3A : i32
    scf.if %cond3A_1 {
      %broadcast_in_dim3A_657 = arith.constant 0.000000e+00 : f32
      %broadcast_in_dim3A_658 = vector.broadcast %broadcast_in_dim3A_657 : f32 to vector<128x96xf32>
      %swap3A_659 = arith.constant 0 : index
      %swap3A_660 = arith.constant 0 : index
      %swap3A_661 = vector.load %arg11[%swap3A_659, %swap3A_660] : memref<128x96xf32, #tpu.memory_space<vmem>>, vector<128x96xf32>
      tpu.vector_store %arg11[%swap3A_659, %swap3A_660], %broadcast_in_dim3A_658 {strides = array<i32>} : memref<128x96xf32, #tpu.memory_space<vmem>>, vector<128x96xf32>,
    } else {
    }
    %get3A = arith.constant 0 : index
    %get3A_2 = arith.constant 0 : index
    %get3A_3 = arith.constant 0 : index
    %get3A_4 = vector.load %arg1[%get3A, %get3A_2, %get3A_3] : memref<2x64x96xf32, #tpu.memory_space<vmem>>, vector<1x64x96xf32>
    %get3A_5 = vector.shape_cast %get3A_4 : vector<1x64x96xf32> to vector<64x96xf32>
    %get3A_6 = arith.constant 0 : index
    %get3A_7 = arith.constant 0 : index
    %get3A_8 = arith.constant 0 : index
    %get3A_9 = vector.load %arg3[%get3A_6, %get3A_7, %get3A_8] : memref<4x96x96xf32, #tpu.memory_space<vmem>>, vector<1x96x96xf32>
    %get3A_10 = vector.shape_cast %get3A_9 : vector<1x96x96xf32> to vector<96x96xf32>
    %dot_general3A = arith.constant dense<0.000000e+00> : vector<64x96xf32>
    %dot_general3A_11 = tpu.matmul %get3A_5, %get3A_10, %dot_general3A {dimension_numbers = #tpu.dot_dimension_numbers<[1], [0], [0], [1], [0, 0, 1, 1], [], []>, transpose_lhs_hint = false} : vector<64x96xf32>, vector<96x96xf32>, vector<64x96xf32> -> vector<64x96xf32>
    %get3A_12 = arith.constant 0 : index
    %get3A_13 = arith.constant 0 : index
    %get3A_14 = arith.constant 0 : index
    %get3A_15 = vector.load %arg7[%get3A_12, %get3A_13, %get3A_14] : memref<4x1x96xf32, #tpu.memory_space<vmem>>, vector<1x1x96xf32>
    %get3A_16 = vector.shape_cast %get3A_15 : vector<1x1x96xf32> to vector<1x96xf32>
    %add3A = vector.broadcast %get3A_16 : vector<1x96xf32> to vector<64x96xf32>
    %add3A_17 = arith.addf %dot_general3A_11, %add3A : vector<64x96xf32>
    %max3A = arith.constant 0.000000e+00 : f32
    %max3A_18 = vector.broadcast %max3A : f32 to vector<64x96xf32>
    %max3A_19 = arith.maximumf %add3A_17, %max3A_18 : vector<64x96xf32>
    %abs3A = math.absf %add3A_17 : vector<64x96xf32>
    %neg3A = arith.constant 0.000000e+00 : f32
    %neg3A_20 = vector.broadcast %neg3A : f32 to vector<64x96xf32>
    %neg3A_21 = arith.subf %neg3A_20, %abs3A : vector<64x96xf32>
    %exp3A = math.exp %neg3A_21 : vector<64x96xf32>
    %log1p3A = math.log1p %exp3A : vector<64x96xf32>
    %add3A_22 = arith.addf %max3A_19, %log1p3A : vector<64x96xf32>
    %get3A_23 = arith.constant 0 : index
    %get3A_24 = arith.constant 0 : index
    %get3A_25 = arith.constant 0 : index
    %get3A_26 = vector.load %arg4[%get3A_23, %get3A_24, %get3A_25] : memref<4x96x16xf32, #tpu.memory_space<vmem>>, vector<1x96x16xf32>
    %get3A_27 = vector.shape_cast %get3A_26 : vector<1x96x16xf32> to vector<96x16xf32>
    %dot_general3A_28 = arith.constant dense<0.000000e+00> : vector<64x16xf32>
    %dot_general3A_29 = tpu.matmul %get3A_5, %get3A_27, %dot_general3A_28 {dimension_numbers = #tpu.dot_dimension_numbers<[1], [0], [0], [1], [0, 0, 1, 1], [], []>, transpose_lhs_hint = false} : vector<64x96xf32>, vector<96x16xf32>, vector<64x16xf32> -> vector<64x16xf32>
    %get3A_30 = arith.constant 0 : index
    %get3A_31 = arith.constant 0 : index
    %get3A_32 = arith.constant 0 : index
    %get3A_33 = vector.load %arg5[%get3A_30, %get3A_31, %get3A_32] : memref<4x96x16xf32, #tpu.memory_space<vmem>>, vector<1x96x16xf32>
    %get3A_34 = vector.shape_cast %get3A_33 : vector<1x96x16xf32> to vector<96x16xf32>
    %dot_general3A_35 = arith.constant dense<0.000000e+00> : vector<64x16xf32>
    %dot_general3A_36 = tpu.matmul %get3A_5, %get3A_34, %dot_general3A_35 {dimension_numbers = #tpu.dot_dimension_numbers<[1], [0], [0], [1], [0, 0, 1, 1], [], []>, transpose_lhs_hint = false} : vector<64x96xf32>, vector<96x16xf32>, vector<64x16xf32> -> vector<64x16xf32>
    %mul3A = arith.mulf %add3A_22, %get3A_5 : vector<64x96xf32>
    %broadcast_in_dim3A = vector.shape_cast %add3A_22 : vector<64x96xf32> to vector<64x1x96xf32>
    %get3A_37 = arith.constant 0 : index
    %get3A_38 = arith.constant 0 : index
    %get3A_39 = arith.constant 0 : index
    %get3A_40 = vector.load %arg6[%get3A_37, %get3A_38, %get3A_39] : memref<4x16x96xf32, #tpu.memory_space<vmem>>, vector<1x16x96xf32>
    %get3A_41 = vector.shape_cast %get3A_40 : vector<1x16x96xf32> to vector<16x96xf32>
    %broadcast_in_dim3A_42 = vector.shape_cast %get3A_41 : vector<16x96xf32> to vector<1x16x96xf32>
    %mul3A_43 = vector.broadcast %broadcast_in_dim3A : vector<64x1x96xf32> to vector<64x16x96xf32>
    %mul3A_44 = vector.broadcast %broadcast_in_dim3A_42 : vector<1x16x96xf32> to vector<64x16x96xf32>
    %mul3A_45 = arith.mulf %mul3A_43, %mul3A_44 : vector<64x16x96xf32>
    %exp3A_46 = math.exp %mul3A_45 : vector<64x16x96xf32>
    %swap3A = arith.constant 0 : index
    %swap3A_47 = arith.constant 0 : index
    %swap3A_48 = arith.constant 0 : index
    %swap3A_49 = vector.load %arg12[%swap3A, %swap3A_47, %swap3A_48] : memref<64x128x96xf32, #tpu.memory_space<vmem>>, vector<64x16x96xf32>
    tpu.vector_store %arg12[%swap3A, %swap3A_47, %swap3A_48], %exp3A_46 {strides = array<i32>} : memref<64x128x96xf32, #tpu.memory_space<vmem>>, vector<64x16x96xf32>,
    %broadcast_in_dim3A_50 = vector.shape_cast %dot_general3A_29 : vector<64x16xf32> to vector<64x16x1xf32>
    %broadcast_in_dim3A_51 = vector.shape_cast %mul3A : vector<64x96xf32> to vector<64x1x96xf32>
    %mul3A_52 = vector.broadcast %broadcast_in_dim3A_50 : vector<64x16x1xf32> to vector<64x16x96xf32>
    %mul3A_53 = vector.broadcast %broadcast_in_dim3A_51 : vector<64x1x96xf32> to vector<64x16x96xf32>
    %mul3A_54 = arith.mulf %mul3A_52, %mul3A_53 : vector<64x16x96xf32>
    %swap3A_55 = arith.constant 0 : index
    %swap3A_56 = arith.constant 0 : index
    %swap3A_57 = arith.constant 0 : index
    %swap3A_58 = vector.load %arg13[%swap3A_55, %swap3A_56, %swap3A_57] : memref<64x128x96xf32, #tpu.memory_space<vmem>>, vector<64x16x96xf32>
    tpu.vector_store %arg13[%swap3A_55, %swap3A_56, %swap3A_57], %mul3A_54 {strides = array<i32>} : memref<64x128x96xf32, #tpu.memory_space<vmem>>, vector<64x16x96xf32>,
    %get3A_59 = arith.constant 1 : index
    %get3A_60 = arith.constant 0 : index
    %get3A_61 = arith.constant 0 : index
    %get3A_62 = vector.load %arg3[%get3A_59, %get3A_60, %get3A_61] : memref<4x96x96xf32, #tpu.memory_space<vmem>>, vector<1x96x96xf32>
    %get3A_63 = vector.shape_cast %get3A_62 : vector<1x96x96xf32> to vector<96x96xf32>
    %dot_general3A_64 = arith.constant dense<0.000000e+00> : vector<64x96xf32>
    %dot_general3A_65 = tpu.matmul %get3A_5, %get3A_63, %dot_general3A_64 {dimension_numbers = #tpu.dot_dimension_numbers<[1], [0], [0], [1], [0, 0, 1, 1], [], []>, transpose_lhs_hint = false} : vector<64x96xf32>, vector<96x96xf32>, vector<64x96xf32> -> vector<64x96xf32>
    %get3A_66 = arith.constant 1 : index
    %get3A_67 = arith.constant 0 : index
    %get3A_68 = arith.constant 0 : index
    %get3A_69 = vector.load %arg7[%get3A_66, %get3A_67, %get3A_68] : memref<4x1x96xf32, #tpu.memory_space<vmem>>, vector<1x1x96xf32>
    %get3A_70 = vector.shape_cast %get3A_69 : vector<1x1x96xf32> to vector<1x96xf32>
    %add3A_71 = vector.broadcast %get3A_70 : vector<1x96xf32> to vector<64x96xf32>
    %add3A_72 = arith.addf %dot_general3A_65, %add3A_71 : vector<64x96xf32>
    %max3A_73 = arith.constant 0.000000e+00 : f32
    %max3A_74 = vector.broadcast %max3A_73 : f32 to vector<64x96xf32>
    %max3A_75 = arith.maximumf %add3A_72, %max3A_74 : vector<64x96xf32>
    %abs3A_76 = math.absf %add3A_72 : vector<64x96xf32>
    %neg3A_77 = arith.constant 0.000000e+00 : f32
    %neg3A_78 = vector.broadcast %neg3A_77 : f32 to vector<64x96xf32>
    %neg3A_79 = arith.subf %neg3A_78, %abs3A_76 : vector<64x96xf32>
    %exp3A_80 = math.exp %neg3A_79 : vector<64x96xf32>
    %log1p3A_81 = math.log1p %exp3A_80 : vector<64x96xf32>
    %add3A_82 = arith.addf %max3A_75, %log1p3A_81 : vector<64x96xf32>
    %get3A_83 = arith.constant 1 : index
    %get3A_84 = arith.constant 0 : index
    %get3A_85 = arith.constant 0 : index
    %get3A_86 = vector.load %arg4[%get3A_83, %get3A_84, %get3A_85] : memref<4x96x16xf32, #tpu.memory_space<vmem>>, vector<1x96x16xf32>
    %get3A_87 = vector.shape_cast %get3A_86 : vector<1x96x16xf32> to vector<96x16xf32>
    %dot_general3A_88 = arith.constant dense<0.000000e+00> : vector<64x16xf32>
    %dot_general3A_89 = tpu.matmul %get3A_5, %get3A_87, %dot_general3A_88 {dimension_numbers = #tpu.dot_dimension_numbers<[1], [0], [0], [1], [0, 0, 1, 1], [], []>, transpose_lhs_hint = false} : vector<64x96xf32>, vector<96x16xf32>, vector<64x16xf32> -> vector<64x16xf32>
    %get3A_90 = arith.constant 1 : index
    %get3A_91 = arith.constant 0 : index
    %get3A_92 = arith.constant 0 : index
    %get3A_93 = vector.load %arg5[%get3A_90, %get3A_91, %get3A_92] : memref<4x96x16xf32, #tpu.memory_space<vmem>>, vector<1x96x16xf32>
    %get3A_94 = vector.shape_cast %get3A_93 : vector<1x96x16xf32> to vector<96x16xf32>
    %dot_general3A_95 = arith.constant dense<0.000000e+00> : vector<64x16xf32>
    %dot_general3A_96 = tpu.matmul %get3A_5, %get3A_94, %dot_general3A_95 {dimension_numbers = #tpu.dot_dimension_numbers<[1], [0], [0], [1], [0, 0, 1, 1], [], []>, transpose_lhs_hint = false} : vector<64x96xf32>, vector<96x16xf32>, vector<64x16xf32> -> vector<64x16xf32>
    %mul3A_97 = arith.mulf %add3A_82, %get3A_5 : vector<64x96xf32>
    %broadcast_in_dim3A_98 = vector.shape_cast %add3A_82 : vector<64x96xf32> to vector<64x1x96xf32>
    %get3A_99 = arith.constant 1 : index
    %get3A_100 = arith.constant 0 : index
    %get3A_101 = arith.constant 0 : index
    %get3A_102 = vector.load %arg6[%get3A_99, %get3A_100, %get3A_101] : memref<4x16x96xf32, #tpu.memory_space<vmem>>, vector<1x16x96xf32>
    %get3A_103 = vector.shape_cast %get3A_102 : vector<1x16x96xf32> to vector<16x96xf32>
    %broadcast_in_dim3A_104 = vector.shape_cast %get3A_103 : vector<16x96xf32> to vector<1x16x96xf32>
    %mul3A_105 = vector.broadcast %broadcast_in_dim3A_98 : vector<64x1x96xf32> to vector<64x16x96xf32>
    %mul3A_106 = vector.broadcast %broadcast_in_dim3A_104 : vector<1x16x96xf32> to vector<64x16x96xf32>
    %mul3A_107 = arith.mulf %mul3A_105, %mul3A_106 : vector<64x16x96xf32>
    %exp3A_108 = math.exp %mul3A_107 : vector<64x16x96xf32>
    %swap3A_109 = arith.constant 0 : index
    %swap3A_110 = arith.constant 16 : index
    %swap3A_111 = arith.constant 0 : index
    %swap3A_112 = vector.load %arg12[%swap3A_109, %swap3A_110, %swap3A_111] : memref<64x128x96xf32, #tpu.memory_space<vmem>>, vector<64x16x96xf32>
    tpu.vector_store %arg12[%swap3A_109, %swap3A_110, %swap3A_111], %exp3A_108 {strides = array<i32>} : memref<64x128x96xf32, #tpu.memory_space<vmem>>, vector<64x16x96xf32>,
    %broadcast_in_dim3A_113 = vector.shape_cast %dot_general3A_89 : vector<64x16xf32> to vector<64x16x1xf32>
    %broadcast_in_dim3A_114 = vector.shape_cast %mul3A_97 : vector<64x96xf32> to vector<64x1x96xf32>
    %mul3A_115 = vector.broadcast %broadcast_in_dim3A_113 : vector<64x16x1xf32> to vector<64x16x96xf32>
    %mul3A_116 = vector.broadcast %broadcast_in_dim3A_114 : vector<64x1x96xf32> to vector<64x16x96xf32>
    %mul3A_117 = arith.mulf %mul3A_115, %mul3A_116 : vector<64x16x96xf32>
    %swap3A_118 = arith.constant 0 : index
    %swap3A_119 = arith.constant 16 : index
    %swap3A_120 = arith.constant 0 : index
    %swap3A_121 = vector.load %arg13[%swap3A_118, %swap3A_119, %swap3A_120] : memref<64x128x96xf32, #tpu.memory_space<vmem>>, vector<64x16x96xf32>
    tpu.vector_store %arg13[%swap3A_118, %swap3A_119, %swap3A_120], %mul3A_117 {strides = array<i32>} : memref<64x128x96xf32, #tpu.memory_space<vmem>>, vector<64x16x96xf32>,
    %get3A_122 = arith.constant 1 : index
    %get3A_123 = arith.constant 0 : index
    %get3A_124 = arith.constant 0 : index
    %get3A_125 = vector.load %arg1[%get3A_122, %get3A_123, %get3A_124] : memref<2x64x96xf32, #tpu.memory_space<vmem>>, vector<1x64x96xf32>
    %get3A_126 = vector.shape_cast %get3A_125 : vector<1x64x96xf32> to vector<64x96xf32>
    %get3A_127 = arith.constant 0 : index
    %get3A_128 = arith.constant 0 : index
    %get3A_129 = arith.constant 0 : index
    %get3A_130 = vector.load %arg3[%get3A_127, %get3A_128, %get3A_129] : memref<4x96x96xf32, #tpu.memory_space<vmem>>, vector<1x96x96xf32>
    %get3A_131 = vector.shape_cast %get3A_130 : vector<1x96x96xf32> to vector<96x96xf32>
    %dot_general3A_132 = arith.constant dense<0.000000e+00> : vector<64x96xf32>
    %dot_general3A_133 = tpu.matmul %get3A_126, %get3A_131, %dot_general3A_132 {dimension_numbers = #tpu.dot_dimension_numbers<[1], [0], [0], [1], [0, 0, 1, 1], [], []>, transpose_lhs_hint = false} : vector<64x96xf32>, vector<96x96xf32>, vector<64x96xf32> -> vector<64x96xf32>
    %get3A_134 = arith.constant 0 : index
    %get3A_135 = arith.constant 0 : index
    %get3A_136 = arith.constant 0 : index
    %get3A_137 = vector.load %arg7[%get3A_134, %get3A_135, %get3A_136] : memref<4x1x96xf32, #tpu.memory_space<vmem>>, vector<1x1x96xf32>
    %get3A_138 = vector.shape_cast %get3A_137 : vector<1x1x96xf32> to vector<1x96xf32>
    %add3A_139 = vector.broadcast %get3A_138 : vector<1x96xf32> to vector<64x96xf32>
    %add3A_140 = arith.addf %dot_general3A_133, %add3A_139 : vector<64x96xf32>
    %max3A_141 = arith.constant 0.000000e+00 : f32
    %max3A_142 = vector.broadcast %max3A_141 : f32 to vector<64x96xf32>
    %max3A_143 = arith.maximumf %add3A_140, %max3A_142 : vector<64x96xf32>
    %abs3A_144 = math.absf %add3A_140 : vector<64x96xf32>
    %neg3A_145 = arith.constant 0.000000e+00 : f32
    %neg3A_146 = vector.broadcast %neg3A_145 : f32 to vector<64x96xf32>
    %neg3A_147 = arith.subf %neg3A_146, %abs3A_144 : vector<64x96xf32>
    %exp3A_148 = math.exp %neg3A_147 : vector<64x96xf32>
    %log1p3A_149 = math.log1p %exp3A_148 : vector<64x96xf32>
    %add3A_150 = arith.addf %max3A_143, %log1p3A_149 : vector<64x96xf32>
    %get3A_151 = arith.constant 0 : index
    %get3A_152 = arith.constant 0 : index
    %get3A_153 = arith.constant 0 : index
    %get3A_154 = vector.load %arg4[%get3A_151, %get3A_152, %get3A_153] : memref<4x96x16xf32, #tpu.memory_space<vmem>>, vector<1x96x16xf32>
    %get3A_155 = vector.shape_cast %get3A_154 : vector<1x96x16xf32> to vector<96x16xf32>
    %dot_general3A_156 = arith.constant dense<0.000000e+00> : vector<64x16xf32>
    %dot_general3A_157 = tpu.matmul %get3A_126, %get3A_155, %dot_general3A_156 {dimension_numbers = #tpu.dot_dimension_numbers<[1], [0], [0], [1], [0, 0, 1, 1], [], []>, transpose_lhs_hint = false} : vector<64x96xf32>, vector<96x16xf32>, vector<64x16xf32> -> vector<64x16xf32>
    %get3A_158 = arith.constant 0 : index
    %get3A_159 = arith.constant 0 : index
    %get3A_160 = arith.constant 0 : index
    %get3A_161 = vector.load %arg5[%get3A_158, %get3A_159, %get3A_160] : memref<4x96x16xf32, #tpu.memory_space<vmem>>, vector<1x96x16xf32>
    %get3A_162 = vector.shape_cast %get3A_161 : vector<1x96x16xf32> to vector<96x16xf32>
    %dot_general3A_163 = arith.constant dense<0.000000e+00> : vector<64x16xf32>
    %dot_general3A_164 = tpu.matmul %get3A_126, %get3A_162, %dot_general3A_163 {dimension_numbers = #tpu.dot_dimension_numbers<[1], [0], [0], [1], [0, 0, 1, 1], [], []>, transpose_lhs_hint = false} : vector<64x96xf32>, vector<96x16xf32>, vector<64x16xf32> -> vector<64x16xf32>
    %mul3A_165 = arith.mulf %add3A_150, %get3A_126 : vector<64x96xf32>
    %broadcast_in_dim3A_166 = vector.shape_cast %add3A_150 : vector<64x96xf32> to vector<64x1x96xf32>
    %get3A_167 = arith.constant 0 : index
    %get3A_168 = arith.constant 0 : index
    %get3A_169 = arith.constant 0 : index
    %get3A_170 = vector.load %arg6[%get3A_167, %get3A_168, %get3A_169] : memref<4x16x96xf32, #tpu.memory_space<vmem>>, vector<1x16x96xf32>
    %get3A_171 = vector.shape_cast %get3A_170 : vector<1x16x96xf32> to vector<16x96xf32>
    %broadcast_in_dim3A_172 = vector.shape_cast %get3A_171 : vector<16x96xf32> to vector<1x16x96xf32>
    %mul3A_173 = vector.broadcast %broadcast_in_dim3A_166 : vector<64x1x96xf32> to vector<64x16x96xf32>
    %mul3A_174 = vector.broadcast %broadcast_in_dim3A_172 : vector<1x16x96xf32> to vector<64x16x96xf32>
    %mul3A_175 = arith.mulf %mul3A_173, %mul3A_174 : vector<64x16x96xf32>
    %exp3A_176 = math.exp %mul3A_175 : vector<64x16x96xf32>
    %swap3A_177 = arith.constant 0 : index
    %swap3A_178 = arith.constant 32 : index
    %swap3A_179 = arith.constant 0 : index
    %swap3A_180 = vector.load %arg12[%swap3A_177, %swap3A_178, %swap3A_179] : memref<64x128x96xf32, #tpu.memory_space<vmem>>, vector<64x16x96xf32>
    tpu.vector_store %arg12[%swap3A_177, %swap3A_178, %swap3A_179], %exp3A_176 {strides = array<i32>} : memref<64x128x96xf32, #tpu.memory_space<vmem>>, vector<64x16x96xf32>,
    %broadcast_in_dim3A_181 = vector.shape_cast %dot_general3A_157 : vector<64x16xf32> to vector<64x16x1xf32>
    %broadcast_in_dim3A_182 = vector.shape_cast %mul3A_165 : vector<64x96xf32> to vector<64x1x96xf32>
    %mul3A_183 = vector.broadcast %broadcast_in_dim3A_181 : vector<64x16x1xf32> to vector<64x16x96xf32>
    %mul3A_184 = vector.broadcast %broadcast_in_dim3A_182 : vector<64x1x96xf32> to vector<64x16x96xf32>
    %mul3A_185 = arith.mulf %mul3A_183, %mul3A_184 : vector<64x16x96xf32>
    %swap3A_186 = arith.constant 0 : index
    %swap3A_187 = arith.constant 32 : index
    %swap3A_188 = arith.constant 0 : index
    %swap3A_189 = vector.load %arg13[%swap3A_186, %swap3A_187, %swap3A_188] : memref<64x128x96xf32, #tpu.memory_space<vmem>>, vector<64x16x96xf32>
    tpu.vector_store %arg13[%swap3A_186, %swap3A_187, %swap3A_188], %mul3A_185 {strides = array<i32>} : memref<64x128x96xf32, #tpu.memory_space<vmem>>, vector<64x16x96xf32>,
    %get3A_190 = arith.constant 1 : index
    %get3A_191 = arith.constant 0 : index
    %get3A_192 = arith.constant 0 : index
    %get3A_193 = vector.load %arg3[%get3A_190, %get3A_191, %get3A_192] : memref<4x96x96xf32, #tpu.memory_space<vmem>>, vector<1x96x96xf32>
    %get3A_194 = vector.shape_cast %get3A_193 : vector<1x96x96xf32> to vector<96x96xf32>
    %dot_general3A_195 = arith.constant dense<0.000000e+00> : vector<64x96xf32>
    %dot_general3A_196 = tpu.matmul %get3A_126, %get3A_194, %dot_general3A_195 {dimension_numbers = #tpu.dot_dimension_numbers<[1], [0], [0], [1], [0, 0, 1, 1], [], []>, transpose_lhs_hint = false} : vector<64x96xf32>, vector<96x96xf32>, vector<64x96xf32> -> vector<64x96xf32>
    %get3A_197 = arith.constant 1 : index
    %get3A_198 = arith.constant 0 : index
    %get3A_199 = arith.constant 0 : index
    %get3A_200 = vector.load %arg7[%get3A_197, %get3A_198, %get3A_199] : memref<4x1x96xf32, #tpu.memory_space<vmem>>, vector<1x1x96xf32>
    %get3A_201 = vector.shape_cast %get3A_200 : vector<1x1x96xf32> to vector<1x96xf32>
    %add3A_202 = vector.broadcast %get3A_201 : vector<1x96xf32> to vector<64x96xf32>
    %add3A_203 = arith.addf %dot_general3A_196, %add3A_202 : vector<64x96xf32>
    %max3A_204 = arith.constant 0.000000e+00 : f32
    %max3A_205 = vector.broadcast %max3A_204 : f32 to vector<64x96xf32>
    %max3A_206 = arith.maximumf %add3A_203, %max3A_205 : vector<64x96xf32>
    %abs3A_207 = math.absf %add3A_203 : vector<64x96xf32>
    %neg3A_208 = arith.constant 0.000000e+00 : f32
    %neg3A_209 = vector.broadcast %neg3A_208 : f32 to vector<64x96xf32>
    %neg3A_210 = arith.subf %neg3A_209, %abs3A_207 : vector<64x96xf32>
    %exp3A_211 = math.exp %neg3A_210 : vector<64x96xf32>
    %log1p3A_212 = math.log1p %exp3A_211 : vector<64x96xf32>
    %add3A_213 = arith.addf %max3A_206, %log1p3A_212 : vector<64x96xf32>
    %get3A_214 = arith.constant 1 : index
    %get3A_215 = arith.constant 0 : index
    %get3A_216 = arith.constant 0 : index
    %get3A_217 = vector.load %arg4[%get3A_214, %get3A_215, %get3A_216] : memref<4x96x16xf32, #tpu.memory_space<vmem>>, vector<1x96x16xf32>
    %get3A_218 = vector.shape_cast %get3A_217 : vector<1x96x16xf32> to vector<96x16xf32>
    %dot_general3A_219 = arith.constant dense<0.000000e+00> : vector<64x16xf32>
    %dot_general3A_220 = tpu.matmul %get3A_126, %get3A_218, %dot_general3A_219 {dimension_numbers = #tpu.dot_dimension_numbers<[1], [0], [0], [1], [0, 0, 1, 1], [], []>, transpose_lhs_hint = false} : vector<64x96xf32>, vector<96x16xf32>, vector<64x16xf32> -> vector<64x16xf32>
    %get3A_221 = arith.constant 1 : index
    %get3A_222 = arith.constant 0 : index
    %get3A_223 = arith.constant 0 : index
    %get3A_224 = vector.load %arg5[%get3A_221, %get3A_222, %get3A_223] : memref<4x96x16xf32, #tpu.memory_space<vmem>>, vector<1x96x16xf32>
    %get3A_225 = vector.shape_cast %get3A_224 : vector<1x96x16xf32> to vector<96x16xf32>
    %dot_general3A_226 = arith.constant dense<0.000000e+00> : vector<64x16xf32>
    %dot_general3A_227 = tpu.matmul %get3A_126, %get3A_225, %dot_general3A_226 {dimension_numbers = #tpu.dot_dimension_numbers<[1], [0], [0], [1], [0, 0, 1, 1], [], []>, transpose_lhs_hint = false} : vector<64x96xf32>, vector<96x16xf32>, vector<64x16xf32> -> vector<64x16xf32>
    %mul3A_228 = arith.mulf %add3A_213, %get3A_126 : vector<64x96xf32>
    %broadcast_in_dim3A_229 = vector.shape_cast %add3A_213 : vector<64x96xf32> to vector<64x1x96xf32>
    %get3A_230 = arith.constant 1 : index
    %get3A_231 = arith.constant 0 : index
    %get3A_232 = arith.constant 0 : index
    %get3A_233 = vector.load %arg6[%get3A_230, %get3A_231, %get3A_232] : memref<4x16x96xf32, #tpu.memory_space<vmem>>, vector<1x16x96xf32>
    %get3A_234 = vector.shape_cast %get3A_233 : vector<1x16x96xf32> to vector<16x96xf32>
    %broadcast_in_dim3A_235 = vector.shape_cast %get3A_234 : vector<16x96xf32> to vector<1x16x96xf32>
    %mul3A_236 = vector.broadcast %broadcast_in_dim3A_229 : vector<64x1x96xf32> to vector<64x16x96xf32>
    %mul3A_237 = vector.broadcast %broadcast_in_dim3A_235 : vector<1x16x96xf32> to vector<64x16x96xf32>
    %mul3A_238 = arith.mulf %mul3A_236, %mul3A_237 : vector<64x16x96xf32>
    %exp3A_239 = math.exp %mul3A_238 : vector<64x16x96xf32>
    %swap3A_240 = arith.constant 0 : index
    %swap3A_241 = arith.constant 48 : index
    %swap3A_242 = arith.constant 0 : index
    %swap3A_243 = vector.load %arg12[%swap3A_240, %swap3A_241, %swap3A_242] : memref<64x128x96xf32, #tpu.memory_space<vmem>>, vector<64x16x96xf32>
    tpu.vector_store %arg12[%swap3A_240, %swap3A_241, %swap3A_242], %exp3A_239 {strides = array<i32>} : memref<64x128x96xf32, #tpu.memory_space<vmem>>, vector<64x16x96xf32>,
    %broadcast_in_dim3A_244 = vector.shape_cast %dot_general3A_220 : vector<64x16xf32> to vector<64x16x1xf32>
    %broadcast_in_dim3A_245 = vector.shape_cast %mul3A_228 : vector<64x96xf32> to vector<64x1x96xf32>
    %mul3A_246 = vector.broadcast %broadcast_in_dim3A_244 : vector<64x16x1xf32> to vector<64x16x96xf32>
    %mul3A_247 = vector.broadcast %broadcast_in_dim3A_245 : vector<64x1x96xf32> to vector<64x16x96xf32>
    %mul3A_248 = arith.mulf %mul3A_246, %mul3A_247 : vector<64x16x96xf32>
    %swap3A_249 = arith.constant 0 : index
    %swap3A_250 = arith.constant 48 : index
    %swap3A_251 = arith.constant 0 : index
    %swap3A_252 = vector.load %arg13[%swap3A_249, %swap3A_250, %swap3A_251] : memref<64x128x96xf32, #tpu.memory_space<vmem>>, vector<64x16x96xf32>
    tpu.vector_store %arg13[%swap3A_249, %swap3A_250, %swap3A_251], %mul3A_248 {strides = array<i32>} : memref<64x128x96xf32, #tpu.memory_space<vmem>>, vector<64x16x96xf32>,
    %get3A_253 = arith.constant 0 : index
    %get3A_254 = arith.constant 0 : index
    %get3A_255 = arith.constant 0 : index
    %get3A_256 = vector.load %arg2[%get3A_253, %get3A_254, %get3A_255] : memref<2x64x96xf32, #tpu.memory_space<vmem>>, vector<1x64x96xf32>
    %get3A_257 = vector.shape_cast %get3A_256 : vector<1x64x96xf32> to vector<64x96xf32>
    %get3A_258 = arith.constant 0 : index
    %get3A_259 = arith.constant 0 : index
    %get3A_260 = vector.load %arg8[%get3A_258, %get3A_259] : memref<64x64xf32, #tpu.memory_space<vmem>>, vector<64x64xf32>
    %dot_general3A_261 = arith.constant dense<0.000000e+00> : vector<64x96xf32>
    %dot_general3A_262 = tpu.matmul %get3A_260, %get3A_257, %dot_general3A_261 {dimension_numbers = #tpu.dot_dimension_numbers<[1], [0], [0], [1], [0, 0, 1, 1], [], []>, transpose_lhs_hint = false} : vector<64x64xf32>, vector<64x96xf32>, vector<64x96xf32> -> vector<64x96xf32>
    %get3A_263 = arith.constant 2 : index
    %get3A_264 = arith.constant 0 : index
    %get3A_265 = arith.constant 0 : index
    %get3A_266 = vector.load %arg3[%get3A_263, %get3A_264, %get3A_265] : memref<4x96x96xf32, #tpu.memory_space<vmem>>, vector<1x96x96xf32>
    %get3A_267 = vector.shape_cast %get3A_266 : vector<1x96x96xf32> to vector<96x96xf32>
    %dot_general3A_268 = arith.constant dense<0.000000e+00> : vector<64x96xf32>
    %dot_general3A_269 = tpu.matmul %dot_general3A_262, %get3A_267, %dot_general3A_268 {dimension_numbers = #tpu.dot_dimension_numbers<[1], [0], [0], [1], [0, 0, 1, 1], [], []>, transpose_lhs_hint = false} : vector<64x96xf32>, vector<96x96xf32>, vector<64x96xf32> -> vector<64x96xf32>
    %get3A_270 = arith.constant 2 : index
    %get3A_271 = arith.constant 0 : index
    %get3A_272 = arith.constant 0 : index
    %get3A_273 = vector.load %arg7[%get3A_270, %get3A_271, %get3A_272] : memref<4x1x96xf32, #tpu.memory_space<vmem>>, vector<1x1x96xf32>
    %get3A_274 = vector.shape_cast %get3A_273 : vector<1x1x96xf32> to vector<1x96xf32>
    %add3A_275 = vector.broadcast %get3A_274 : vector<1x96xf32> to vector<64x96xf32>
    %add3A_276 = arith.addf %dot_general3A_269, %add3A_275 : vector<64x96xf32>
    %max3A_277 = arith.constant 0.000000e+00 : f32
    %max3A_278 = vector.broadcast %max3A_277 : f32 to vector<64x96xf32>
    %max3A_279 = arith.maximumf %add3A_276, %max3A_278 : vector<64x96xf32>
    %abs3A_280 = math.absf %add3A_276 : vector<64x96xf32>
    %neg3A_281 = arith.constant 0.000000e+00 : f32
    %neg3A_282 = vector.broadcast %neg3A_281 : f32 to vector<64x96xf32>
    %neg3A_283 = arith.subf %neg3A_282, %abs3A_280 : vector<64x96xf32>
    %exp3A_284 = math.exp %neg3A_283 : vector<64x96xf32>
    %log1p3A_285 = math.log1p %exp3A_284 : vector<64x96xf32>
    %add3A_286 = arith.addf %max3A_279, %log1p3A_285 : vector<64x96xf32>
    %get3A_287 = arith.constant 2 : index
    %get3A_288 = arith.constant 0 : index
    %get3A_289 = arith.constant 0 : index
    %get3A_290 = vector.load %arg4[%get3A_287, %get3A_288, %get3A_289] : memref<4x96x16xf32, #tpu.memory_space<vmem>>, vector<1x96x16xf32>
    %get3A_291 = vector.shape_cast %get3A_290 : vector<1x96x16xf32> to vector<96x16xf32>
    %dot_general3A_292 = arith.constant dense<0.000000e+00> : vector<64x16xf32>
    %dot_general3A_293 = tpu.matmul %dot_general3A_262, %get3A_291, %dot_general3A_292 {dimension_numbers = #tpu.dot_dimension_numbers<[1], [0], [0], [1], [0, 0, 1, 1], [], []>, transpose_lhs_hint = false} : vector<64x96xf32>, vector<96x16xf32>, vector<64x16xf32> -> vector<64x16xf32>
    %get3A_294 = arith.constant 2 : index
    %get3A_295 = arith.constant 0 : index
    %get3A_296 = arith.constant 0 : index
    %get3A_297 = vector.load %arg5[%get3A_294, %get3A_295, %get3A_296] : memref<4x96x16xf32, #tpu.memory_space<vmem>>, vector<1x96x16xf32>
    %get3A_298 = vector.shape_cast %get3A_297 : vector<1x96x16xf32> to vector<96x16xf32>
    %dot_general3A_299 = arith.constant dense<0.000000e+00> : vector<64x16xf32>
    %dot_general3A_300 = tpu.matmul %dot_general3A_262, %get3A_298, %dot_general3A_299 {dimension_numbers = #tpu.dot_dimension_numbers<[1], [0], [0], [1], [0, 0, 1, 1], [], []>, transpose_lhs_hint = false} : vector<64x96xf32>, vector<96x16xf32>, vector<64x16xf32> -> vector<64x16xf32>
    %mul3A_301 = arith.mulf %add3A_286, %dot_general3A_262 : vector<64x96xf32>
    %broadcast_in_dim3A_302 = vector.shape_cast %add3A_286 : vector<64x96xf32> to vector<64x1x96xf32>
    %get3A_303 = arith.constant 2 : index
    %get3A_304 = arith.constant 0 : index
    %get3A_305 = arith.constant 0 : index
    %get3A_306 = vector.load %arg6[%get3A_303, %get3A_304, %get3A_305] : memref<4x16x96xf32, #tpu.memory_space<vmem>>, vector<1x16x96xf32>
    %get3A_307 = vector.shape_cast %get3A_306 : vector<1x16x96xf32> to vector<16x96xf32>
    %broadcast_in_dim3A_308 = vector.shape_cast %get3A_307 : vector<16x96xf32> to vector<1x16x96xf32>
    %mul3A_309 = vector.broadcast %broadcast_in_dim3A_302 : vector<64x1x96xf32> to vector<64x16x96xf32>
    %mul3A_310 = vector.broadcast %broadcast_in_dim3A_308 : vector<1x16x96xf32> to vector<64x16x96xf32>
    %mul3A_311 = arith.mulf %mul3A_309, %mul3A_310 : vector<64x16x96xf32>
    %exp3A_312 = math.exp %mul3A_311 : vector<64x16x96xf32>
    %swap3A_313 = arith.constant 0 : index
    %swap3A_314 = arith.constant 64 : index
    %swap3A_315 = arith.constant 0 : index
    %swap3A_316 = vector.load %arg12[%swap3A_313, %swap3A_314, %swap3A_315] : memref<64x128x96xf32, #tpu.memory_space<vmem>>, vector<64x16x96xf32>
    tpu.vector_store %arg12[%swap3A_313, %swap3A_314, %swap3A_315], %exp3A_312 {strides = array<i32>} : memref<64x128x96xf32, #tpu.memory_space<vmem>>, vector<64x16x96xf32>,
    %broadcast_in_dim3A_317 = vector.shape_cast %dot_general3A_293 : vector<64x16xf32> to vector<64x16x1xf32>
    %broadcast_in_dim3A_318 = vector.shape_cast %mul3A_301 : vector<64x96xf32> to vector<64x1x96xf32>
    %mul3A_319 = vector.broadcast %broadcast_in_dim3A_317 : vector<64x16x1xf32> to vector<64x16x96xf32>
    %mul3A_320 = vector.broadcast %broadcast_in_dim3A_318 : vector<64x1x96xf32> to vector<64x16x96xf32>
    %mul3A_321 = arith.mulf %mul3A_319, %mul3A_320 : vector<64x16x96xf32>
    %swap3A_322 = arith.constant 0 : index
    %swap3A_323 = arith.constant 64 : index
    %swap3A_324 = arith.constant 0 : index
    %swap3A_325 = vector.load %arg13[%swap3A_322, %swap3A_323, %swap3A_324] : memref<64x128x96xf32, #tpu.memory_space<vmem>>, vector<64x16x96xf32>
    tpu.vector_store %arg13[%swap3A_322, %swap3A_323, %swap3A_324], %mul3A_321 {strides = array<i32>} : memref<64x128x96xf32, #tpu.memory_space<vmem>>, vector<64x16x96xf32>,
    %get3A_326 = arith.constant 3 : index
    %get3A_327 = arith.constant 0 : index
    %get3A_328 = arith.constant 0 : index
    %get3A_329 = vector.load %arg3[%get3A_326, %get3A_327, %get3A_328] : memref<4x96x96xf32, #tpu.memory_space<vmem>>, vector<1x96x96xf32>
    %get3A_330 = vector.shape_cast %get3A_329 : vector<1x96x96xf32> to vector<96x96xf32>
    %dot_general3A_331 = arith.constant dense<0.000000e+00> : vector<64x96xf32>
    %dot_general3A_332 = tpu.matmul %dot_general3A_262, %get3A_330, %dot_general3A_331 {dimension_numbers = #tpu.dot_dimension_numbers<[1], [0], [0], [1], [0, 0, 1, 1], [], []>, transpose_lhs_hint = false} : vector<64x96xf32>, vector<96x96xf32>, vector<64x96xf32> -> vector<64x96xf32>
    %get3A_333 = arith.constant 3 : index
    %get3A_334 = arith.constant 0 : index
    %get3A_335 = arith.constant 0 : index
    %get3A_336 = vector.load %arg7[%get3A_333, %get3A_334, %get3A_335] : memref<4x1x96xf32, #tpu.memory_space<vmem>>, vector<1x1x96xf32>
    %get3A_337 = vector.shape_cast %get3A_336 : vector<1x1x96xf32> to vector<1x96xf32>
    %add3A_338 = vector.broadcast %get3A_337 : vector<1x96xf32> to vector<64x96xf32>
    %add3A_339 = arith.addf %dot_general3A_332, %add3A_338 : vector<64x96xf32>
    %max3A_340 = arith.constant 0.000000e+00 : f32
    %max3A_341 = vector.broadcast %max3A_340 : f32 to vector<64x96xf32>
    %max3A_342 = arith.maximumf %add3A_339, %max3A_341 : vector<64x96xf32>
    %abs3A_343 = math.absf %add3A_339 : vector<64x96xf32>
    %neg3A_344 = arith.constant 0.000000e+00 : f32
    %neg3A_345 = vector.broadcast %neg3A_344 : f32 to vector<64x96xf32>
    %neg3A_346 = arith.subf %neg3A_345, %abs3A_343 : vector<64x96xf32>
    %exp3A_347 = math.exp %neg3A_346 : vector<64x96xf32>
    %log1p3A_348 = math.log1p %exp3A_347 : vector<64x96xf32>
    %add3A_349 = arith.addf %max3A_342, %log1p3A_348 : vector<64x96xf32>
    %get3A_350 = arith.constant 3 : index
    %get3A_351 = arith.constant 0 : index
    %get3A_352 = arith.constant 0 : index
    %get3A_353 = vector.load %arg4[%get3A_350, %get3A_351, %get3A_352] : memref<4x96x16xf32, #tpu.memory_space<vmem>>, vector<1x96x16xf32>
    %get3A_354 = vector.shape_cast %get3A_353 : vector<1x96x16xf32> to vector<96x16xf32>
    %dot_general3A_355 = arith.constant dense<0.000000e+00> : vector<64x16xf32>
    %dot_general3A_356 = tpu.matmul %dot_general3A_262, %get3A_354, %dot_general3A_355 {dimension_numbers = #tpu.dot_dimension_numbers<[1], [0], [0], [1], [0, 0, 1, 1], [], []>, transpose_lhs_hint = false} : vector<64x96xf32>, vector<96x16xf32>, vector<64x16xf32> -> vector<64x16xf32>
    %get3A_357 = arith.constant 3 : index
    %get3A_358 = arith.constant 0 : index
    %get3A_359 = arith.constant 0 : index
    %get3A_360 = vector.load %arg5[%get3A_357, %get3A_358, %get3A_359] : memref<4x96x16xf32, #tpu.memory_space<vmem>>, vector<1x96x16xf32>
    %get3A_361 = vector.shape_cast %get3A_360 : vector<1x96x16xf32> to vector<96x16xf32>
    %dot_general3A_362 = arith.constant dense<0.000000e+00> : vector<64x16xf32>
    %dot_general3A_363 = tpu.matmul %dot_general3A_262, %get3A_361, %dot_general3A_362 {dimension_numbers = #tpu.dot_dimension_numbers<[1], [0], [0], [1], [0, 0, 1, 1], [], []>, transpose_lhs_hint = false} : vector<64x96xf32>, vector<96x16xf32>, vector<64x16xf32> -> vector<64x16xf32>
    %mul3A_364 = arith.mulf %add3A_349, %dot_general3A_262 : vector<64x96xf32>
    %broadcast_in_dim3A_365 = vector.shape_cast %add3A_349 : vector<64x96xf32> to vector<64x1x96xf32>
    %get3A_366 = arith.constant 3 : index
    %get3A_367 = arith.constant 0 : index
    %get3A_368 = arith.constant 0 : index
    %get3A_369 = vector.load %arg6[%get3A_366, %get3A_367, %get3A_368] : memref<4x16x96xf32, #tpu.memory_space<vmem>>, vector<1x16x96xf32>
    %get3A_370 = vector.shape_cast %get3A_369 : vector<1x16x96xf32> to vector<16x96xf32>
    %broadcast_in_dim3A_371 = vector.shape_cast %get3A_370 : vector<16x96xf32> to vector<1x16x96xf32>
    %mul3A_372 = vector.broadcast %broadcast_in_dim3A_365 : vector<64x1x96xf32> to vector<64x16x96xf32>
    %mul3A_373 = vector.broadcast %broadcast_in_dim3A_371 : vector<1x16x96xf32> to vector<64x16x96xf32>
    %mul3A_374 = arith.mulf %mul3A_372, %mul3A_373 : vector<64x16x96xf32>
    %exp3A_375 = math.exp %mul3A_374 : vector<64x16x96xf32>
    %swap3A_376 = arith.constant 0 : index
    %swap3A_377 = arith.constant 80 : index
    %swap3A_378 = arith.constant 0 : index
    %swap3A_379 = vector.load %arg12[%swap3A_376, %swap3A_377, %swap3A_378] : memref<64x128x96xf32, #tpu.memory_space<vmem>>, vector<64x16x96xf32>
    tpu.vector_store %arg12[%swap3A_376, %swap3A_377, %swap3A_378], %exp3A_375 {strides = array<i32>} : memref<64x128x96xf32, #tpu.memory_space<vmem>>, vector<64x16x96xf32>,
    %broadcast_in_dim3A_380 = vector.shape_cast %dot_general3A_356 : vector<64x16xf32> to vector<64x16x1xf32>
    %broadcast_in_dim3A_381 = vector.shape_cast %mul3A_364 : vector<64x96xf32> to vector<64x1x96xf32>
    %mul3A_382 = vector.broadcast %broadcast_in_dim3A_380 : vector<64x16x1xf32> to vector<64x16x96xf32>
    %mul3A_383 = vector.broadcast %broadcast_in_dim3A_381 : vector<64x1x96xf32> to vector<64x16x96xf32>
    %mul3A_384 = arith.mulf %mul3A_382, %mul3A_383 : vector<64x16x96xf32>
    %swap3A_385 = arith.constant 0 : index
    %swap3A_386 = arith.constant 80 : index
    %swap3A_387 = arith.constant 0 : index
    %swap3A_388 = vector.load %arg13[%swap3A_385, %swap3A_386, %swap3A_387] : memref<64x128x96xf32, #tpu.memory_space<vmem>>, vector<64x16x96xf32>
    tpu.vector_store %arg13[%swap3A_385, %swap3A_386, %swap3A_387], %mul3A_384 {strides = array<i32>} : memref<64x128x96xf32, #tpu.memory_space<vmem>>, vector<64x16x96xf32>,
    %get3A_389 = arith.constant 1 : index
    %get3A_390 = arith.constant 0 : index
    %get3A_391 = arith.constant 0 : index
    %get3A_392 = vector.load %arg2[%get3A_389, %get3A_390, %get3A_391] : memref<2x64x96xf32, #tpu.memory_space<vmem>>, vector<1x64x96xf32>
    %get3A_393 = vector.shape_cast %get3A_392 : vector<1x64x96xf32> to vector<64x96xf32>
    %get3A_394 = arith.constant 0 : index
    %get3A_395 = arith.constant 0 : index
    %get3A_396 = vector.load %arg8[%get3A_394, %get3A_395] : memref<64x64xf32, #tpu.memory_space<vmem>>, vector<64x64xf32>
    %dot_general3A_397 = arith.constant dense<0.000000e+00> : vector<64x96xf32>
    %dot_general3A_398 = tpu.matmul %get3A_396, %get3A_393, %dot_general3A_397 {dimension_numbers = #tpu.dot_dimension_numbers<[1], [0], [0], [1], [0, 0, 1, 1], [], []>, transpose_lhs_hint = false} : vector<64x64xf32>, vector<64x96xf32>, vector<64x96xf32> -> vector<64x96xf32>
    %get3A_399 = arith.constant 2 : index
    %get3A_400 = arith.constant 0 : index
    %get3A_401 = arith.constant 0 : index
    %get3A_402 = vector.load %arg3[%get3A_399, %get3A_400, %get3A_401] : memref<4x96x96xf32, #tpu.memory_space<vmem>>, vector<1x96x96xf32>
    %get3A_403 = vector.shape_cast %get3A_402 : vector<1x96x96xf32> to vector<96x96xf32>
    %dot_general3A_404 = arith.constant dense<0.000000e+00> : vector<64x96xf32>
    %dot_general3A_405 = tpu.matmul %dot_general3A_398, %get3A_403, %dot_general3A_404 {dimension_numbers = #tpu.dot_dimension_numbers<[1], [0], [0], [1], [0, 0, 1, 1], [], []>, transpose_lhs_hint = false} : vector<64x96xf32>, vector<96x96xf32>, vector<64x96xf32> -> vector<64x96xf32>
    %get3A_406 = arith.constant 2 : index
    %get3A_407 = arith.constant 0 : index
    %get3A_408 = arith.constant 0 : index
    %get3A_409 = vector.load %arg7[%get3A_406, %get3A_407, %get3A_408] : memref<4x1x96xf32, #tpu.memory_space<vmem>>, vector<1x1x96xf32>
    %get3A_410 = vector.shape_cast %get3A_409 : vector<1x1x96xf32> to vector<1x96xf32>
    %add3A_411 = vector.broadcast %get3A_410 : vector<1x96xf32> to vector<64x96xf32>
    %add3A_412 = arith.addf %dot_general3A_405, %add3A_411 : vector<64x96xf32>
    %max3A_413 = arith.constant 0.000000e+00 : f32
    %max3A_414 = vector.broadcast %max3A_413 : f32 to vector<64x96xf32>
    %max3A_415 = arith.maximumf %add3A_412, %max3A_414 : vector<64x96xf32>
    %abs3A_416 = math.absf %add3A_412 : vector<64x96xf32>
    %neg3A_417 = arith.constant 0.000000e+00 : f32
    %neg3A_418 = vector.broadcast %neg3A_417 : f32 to vector<64x96xf32>
    %neg3A_419 = arith.subf %neg3A_418, %abs3A_416 : vector<64x96xf32>
    %exp3A_420 = math.exp %neg3A_419 : vector<64x96xf32>
    %log1p3A_421 = math.log1p %exp3A_420 : vector<64x96xf32>
    %add3A_422 = arith.addf %max3A_415, %log1p3A_421 : vector<64x96xf32>
    %get3A_423 = arith.constant 2 : index
    %get3A_424 = arith.constant 0 : index
    %get3A_425 = arith.constant 0 : index
    %get3A_426 = vector.load %arg4[%get3A_423, %get3A_424, %get3A_425] : memref<4x96x16xf32, #tpu.memory_space<vmem>>, vector<1x96x16xf32>
    %get3A_427 = vector.shape_cast %get3A_426 : vector<1x96x16xf32> to vector<96x16xf32>
    %dot_general3A_428 = arith.constant dense<0.000000e+00> : vector<64x16xf32>
    %dot_general3A_429 = tpu.matmul %dot_general3A_398, %get3A_427, %dot_general3A_428 {dimension_numbers = #tpu.dot_dimension_numbers<[1], [0], [0], [1], [0, 0, 1, 1], [], []>, transpose_lhs_hint = false} : vector<64x96xf32>, vector<96x16xf32>, vector<64x16xf32> -> vector<64x16xf32>
    %get3A_430 = arith.constant 2 : index
    %get3A_431 = arith.constant 0 : index
    %get3A_432 = arith.constant 0 : index
    %get3A_433 = vector.load %arg5[%get3A_430, %get3A_431, %get3A_432] : memref<4x96x16xf32, #tpu.memory_space<vmem>>, vector<1x96x16xf32>
    %get3A_434 = vector.shape_cast %get3A_433 : vector<1x96x16xf32> to vector<96x16xf32>
    %dot_general3A_435 = arith.constant dense<0.000000e+00> : vector<64x16xf32>
    %dot_general3A_436 = tpu.matmul %dot_general3A_398, %get3A_434, %dot_general3A_435 {dimension_numbers = #tpu.dot_dimension_numbers<[1], [0], [0], [1], [0, 0, 1, 1], [], []>, transpose_lhs_hint = false} : vector<64x96xf32>, vector<96x16xf32>, vector<64x16xf32> -> vector<64x16xf32>
    %mul3A_437 = arith.mulf %add3A_422, %dot_general3A_398 : vector<64x96xf32>
    %broadcast_in_dim3A_438 = vector.shape_cast %add3A_422 : vector<64x96xf32> to vector<64x1x96xf32>
    %get3A_439 = arith.constant 2 : index
    %get3A_440 = arith.constant 0 : index
    %get3A_441 = arith.constant 0 : index
    %get3A_442 = vector.load %arg6[%get3A_439, %get3A_440, %get3A_441] : memref<4x16x96xf32, #tpu.memory_space<vmem>>, vector<1x16x96xf32>
    %get3A_443 = vector.shape_cast %get3A_442 : vector<1x16x96xf32> to vector<16x96xf32>
    %broadcast_in_dim3A_444 = vector.shape_cast %get3A_443 : vector<16x96xf32> to vector<1x16x96xf32>
    %mul3A_445 = vector.broadcast %broadcast_in_dim3A_438 : vector<64x1x96xf32> to vector<64x16x96xf32>
    %mul3A_446 = vector.broadcast %broadcast_in_dim3A_444 : vector<1x16x96xf32> to vector<64x16x96xf32>
    %mul3A_447 = arith.mulf %mul3A_445, %mul3A_446 : vector<64x16x96xf32>
    %exp3A_448 = math.exp %mul3A_447 : vector<64x16x96xf32>
    %swap3A_449 = arith.constant 0 : index
    %swap3A_450 = arith.constant 96 : index
    %swap3A_451 = arith.constant 0 : index
    %swap3A_452 = vector.load %arg12[%swap3A_449, %swap3A_450, %swap3A_451] : memref<64x128x96xf32, #tpu.memory_space<vmem>>, vector<64x16x96xf32>
    tpu.vector_store %arg12[%swap3A_449, %swap3A_450, %swap3A_451], %exp3A_448 {strides = array<i32>} : memref<64x128x96xf32, #tpu.memory_space<vmem>>, vector<64x16x96xf32>,
    %broadcast_in_dim3A_453 = vector.shape_cast %dot_general3A_429 : vector<64x16xf32> to vector<64x16x1xf32>
    %broadcast_in_dim3A_454 = vector.shape_cast %mul3A_437 : vector<64x96xf32> to vector<64x1x96xf32>
    %mul3A_455 = vector.broadcast %broadcast_in_dim3A_453 : vector<64x16x1xf32> to vector<64x16x96xf32>
    %mul3A_456 = vector.broadcast %broadcast_in_dim3A_454 : vector<64x1x96xf32> to vector<64x16x96xf32>
    %mul3A_457 = arith.mulf %mul3A_455, %mul3A_456 : vector<64x16x96xf32>
    %swap3A_458 = arith.constant 0 : index
    %swap3A_459 = arith.constant 96 : index
    %swap3A_460 = arith.constant 0 : index
    %swap3A_461 = vector.load %arg13[%swap3A_458, %swap3A_459, %swap3A_460] : memref<64x128x96xf32, #tpu.memory_space<vmem>>, vector<64x16x96xf32>
    tpu.vector_store %arg13[%swap3A_458, %swap3A_459, %swap3A_460], %mul3A_457 {strides = array<i32>} : memref<64x128x96xf32, #tpu.memory_space<vmem>>, vector<64x16x96xf32>,
    %get3A_462 = arith.constant 3 : index
    %get3A_463 = arith.constant 0 : index
    %get3A_464 = arith.constant 0 : index
    %get3A_465 = vector.load %arg3[%get3A_462, %get3A_463, %get3A_464] : memref<4x96x96xf32, #tpu.memory_space<vmem>>, vector<1x96x96xf32>
    %get3A_466 = vector.shape_cast %get3A_465 : vector<1x96x96xf32> to vector<96x96xf32>
    %dot_general3A_467 = arith.constant dense<0.000000e+00> : vector<64x96xf32>
    %dot_general3A_468 = tpu.matmul %dot_general3A_398, %get3A_466, %dot_general3A_467 {dimension_numbers = #tpu.dot_dimension_numbers<[1], [0], [0], [1], [0, 0, 1, 1], [], []>, transpose_lhs_hint = false} : vector<64x96xf32>, vector<96x96xf32>, vector<64x96xf32> -> vector<64x96xf32>
    %get3A_469 = arith.constant 3 : index
    %get3A_470 = arith.constant 0 : index
    %get3A_471 = arith.constant 0 : index
    %get3A_472 = vector.load %arg7[%get3A_469, %get3A_470, %get3A_471] : memref<4x1x96xf32, #tpu.memory_space<vmem>>, vector<1x1x96xf32>
    %get3A_473 = vector.shape_cast %get3A_472 : vector<1x1x96xf32> to vector<1x96xf32>
    %add3A_474 = vector.broadcast %get3A_473 : vector<1x96xf32> to vector<64x96xf32>
    %add3A_475 = arith.addf %dot_general3A_468, %add3A_474 : vector<64x96xf32>
    %max3A_476 = arith.constant 0.000000e+00 : f32
    %max3A_477 = vector.broadcast %max3A_476 : f32 to vector<64x96xf32>
    %max3A_478 = arith.maximumf %add3A_475, %max3A_477 : vector<64x96xf32>
    %abs3A_479 = math.absf %add3A_475 : vector<64x96xf32>
    %neg3A_480 = arith.constant 0.000000e+00 : f32
    %neg3A_481 = vector.broadcast %neg3A_480 : f32 to vector<64x96xf32>
    %neg3A_482 = arith.subf %neg3A_481, %abs3A_479 : vector<64x96xf32>
    %exp3A_483 = math.exp %neg3A_482 : vector<64x96xf32>
    %log1p3A_484 = math.log1p %exp3A_483 : vector<64x96xf32>
    %add3A_485 = arith.addf %max3A_478, %log1p3A_484 : vector<64x96xf32>
    %get3A_486 = arith.constant 3 : index
    %get3A_487 = arith.constant 0 : index
    %get3A_488 = arith.constant 0 : index
    %get3A_489 = vector.load %arg4[%get3A_486, %get3A_487, %get3A_488] : memref<4x96x16xf32, #tpu.memory_space<vmem>>, vector<1x96x16xf32>
    %get3A_490 = vector.shape_cast %get3A_489 : vector<1x96x16xf32> to vector<96x16xf32>
    %dot_general3A_491 = arith.constant dense<0.000000e+00> : vector<64x16xf32>
    %dot_general3A_492 = tpu.matmul %dot_general3A_398, %get3A_490, %dot_general3A_491 {dimension_numbers = #tpu.dot_dimension_numbers<[1], [0], [0], [1], [0, 0, 1, 1], [], []>, transpose_lhs_hint = false} : vector<64x96xf32>, vector<96x16xf32>, vector<64x16xf32> -> vector<64x16xf32>
    %get3A_493 = arith.constant 3 : index
    %get3A_494 = arith.constant 0 : index
    %get3A_495 = arith.constant 0 : index
    %get3A_496 = vector.load %arg5[%get3A_493, %get3A_494, %get3A_495] : memref<4x96x16xf32, #tpu.memory_space<vmem>>, vector<1x96x16xf32>
    %get3A_497 = vector.shape_cast %get3A_496 : vector<1x96x16xf32> to vector<96x16xf32>
    %dot_general3A_498 = arith.constant dense<0.000000e+00> : vector<64x16xf32>
    %dot_general3A_499 = tpu.matmul %dot_general3A_398, %get3A_497, %dot_general3A_498 {dimension_numbers = #tpu.dot_dimension_numbers<[1], [0], [0], [1], [0, 0, 1, 1], [], []>, transpose_lhs_hint = false} : vector<64x96xf32>, vector<96x16xf32>, vector<64x16xf32> -> vector<64x16xf32>
    %mul3A_500 = arith.mulf %add3A_485, %dot_general3A_398 : vector<64x96xf32>
    %broadcast_in_dim3A_501 = vector.shape_cast %add3A_485 : vector<64x96xf32> to vector<64x1x96xf32>
    %get3A_502 = arith.constant 3 : index
    %get3A_503 = arith.constant 0 : index
    %get3A_504 = arith.constant 0 : index
    %get3A_505 = vector.load %arg6[%get3A_502, %get3A_503, %get3A_504] : memref<4x16x96xf32, #tpu.memory_space<vmem>>, vector<1x16x96xf32>
    %get3A_506 = vector.shape_cast %get3A_505 : vector<1x16x96xf32> to vector<16x96xf32>
    %broadcast_in_dim3A_507 = vector.shape_cast %get3A_506 : vector<16x96xf32> to vector<1x16x96xf32>
    %mul3A_508 = vector.broadcast %broadcast_in_dim3A_501 : vector<64x1x96xf32> to vector<64x16x96xf32>
    %mul3A_509 = vector.broadcast %broadcast_in_dim3A_507 : vector<1x16x96xf32> to vector<64x16x96xf32>
    %mul3A_510 = arith.mulf %mul3A_508, %mul3A_509 : vector<64x16x96xf32>
    %exp3A_511 = math.exp %mul3A_510 : vector<64x16x96xf32>
    %swap3A_512 = arith.constant 0 : index
    %swap3A_513 = arith.constant 112 : index
    %swap3A_514 = arith.constant 0 : index
    %swap3A_515 = vector.load %arg12[%swap3A_512, %swap3A_513, %swap3A_514] : memref<64x128x96xf32, #tpu.memory_space<vmem>>, vector<64x16x96xf32>
    tpu.vector_store %arg12[%swap3A_512, %swap3A_513, %swap3A_514], %exp3A_511 {strides = array<i32>} : memref<64x128x96xf32, #tpu.memory_space<vmem>>, vector<64x16x96xf32>,
    %broadcast_in_dim3A_516 = vector.shape_cast %dot_general3A_492 : vector<64x16xf32> to vector<64x16x1xf32>
    %broadcast_in_dim3A_517 = vector.shape_cast %mul3A_500 : vector<64x96xf32> to vector<64x1x96xf32>
    %mul3A_518 = vector.broadcast %broadcast_in_dim3A_516 : vector<64x16x1xf32> to vector<64x16x96xf32>
    %mul3A_519 = vector.broadcast %broadcast_in_dim3A_517 : vector<64x1x96xf32> to vector<64x16x96xf32>
    %mul3A_520 = arith.mulf %mul3A_518, %mul3A_519 : vector<64x16x96xf32>
    %swap3A_521 = arith.constant 0 : index
    %swap3A_522 = arith.constant 112 : index
    %swap3A_523 = arith.constant 0 : index
    %swap3A_524 = vector.load %arg13[%swap3A_521, %swap3A_522, %swap3A_523] : memref<64x128x96xf32, #tpu.memory_space<vmem>>, vector<64x16x96xf32>
    tpu.vector_store %arg13[%swap3A_521, %swap3A_522, %swap3A_523], %mul3A_520 {strides = array<i32>} : memref<64x128x96xf32, #tpu.memory_space<vmem>>, vector<64x16x96xf32>,
    %get3A_525 = arith.constant 0 : index
    %get3A_526 = arith.constant 0 : index
    %get3A_527 = vector.load %arg11[%get3A_525, %get3A_526] : memref<128x96xf32, #tpu.memory_space<vmem>>, vector<128x96xf32>
    %scan3A = arith.constant 0 : i32
    %scan3A_528 = arith.constant 64 : i32
    %scan3A_529 = arith.addi %scan3A, %scan3A_528 : i32
    %scan3A_530 = arith.constant 1 : i32
    %scan3A_531 = scf.for %scan3A_657 = %scan3A to %scan3A_529 step %scan3A_530 iter_args(%scan3A_658 = %get3A_527) -> (vector<128x96xf32>)  : i32 {
      %get3A_659 = arith.index_cast %scan3A_657 : i32 to index
      %get3A_660 = arith.constant 0 : index
      %get3A_661 = arith.constant 0 : index
      %get3A_662 = vector.load %arg12[%get3A_659, %get3A_660, %get3A_661] : memref<64x128x96xf32, #tpu.memory_space<vmem>>, vector<1x128x96xf32>
      %get3A_663 = vector.shape_cast %get3A_662 : vector<1x128x96xf32> to vector<128x96xf32>
      %mul3A_664 = arith.mulf %scan3A_658, %get3A_663 : vector<128x96xf32>
      %get3A_665 = arith.index_cast %scan3A_657 : i32 to index
      %get3A_666 = arith.constant 0 : index
      %get3A_667 = arith.constant 0 : index
      %get3A_668 = vector.load %arg13[%get3A_665, %get3A_666, %get3A_667] : memref<64x128x96xf32, #tpu.memory_space<vmem>>, vector<1x128x96xf32>
      %get3A_669 = vector.shape_cast %get3A_668 : vector<1x128x96xf32> to vector<128x96xf32>
      %add3A_670 = arith.addf %mul3A_664, %get3A_669 : vector<128x96xf32>
      %swap3A_671 = arith.index_cast %scan3A_657 : i32 to index
      %swap3A_672 = arith.constant 0 : index
      %swap3A_673 = arith.constant 0 : index
      %swap3A_674 = vector.load %arg13[%swap3A_671, %swap3A_672, %swap3A_673] : memref<64x128x96xf32, #tpu.memory_space<vmem>>, vector<1x128x96xf32>
      %swap3A_675 = vector.shape_cast %swap3A_674 : vector<1x128x96xf32> to vector<128x96xf32>
      %swap3A_676 = vector.shape_cast %add3A_670 : vector<128x96xf32> to vector<1x128x96xf32>
      tpu.vector_store %arg13[%swap3A_671, %swap3A_672, %swap3A_673], %swap3A_676 {strides = array<i32>} : memref<64x128x96xf32, #tpu.memory_space<vmem>>, vector<1x128x96xf32>,
      scf.yield %add3A_670 : vector<128x96xf32>
    }
    %scan3A_532 = arith.constant 64 : i32
    %swap3A_533 = arith.constant 0 : index
    %swap3A_534 = arith.constant 0 : index
    %swap3A_535 = vector.load %arg11[%swap3A_533, %swap3A_534] : memref<128x96xf32, #tpu.memory_space<vmem>>, vector<128x96xf32>
    tpu.vector_store %arg11[%swap3A_533, %swap3A_534], %scan3A_531 {strides = array<i32>} : memref<128x96xf32, #tpu.memory_space<vmem>>, vector<128x96xf32>,
    %broadcast_in_dim3A_536 = arith.constant 0.000000e+00 : f32
    %broadcast_in_dim3A_537 = vector.broadcast %broadcast_in_dim3A_536 : f32 to vector<64x96xf32>
    %get3A_538 = arith.constant 0 : index
    %get3A_539 = arith.constant 0 : index
    %get3A_540 = arith.constant 0 : index
    %get3A_541 = vector.load %arg13[%get3A_538, %get3A_539, %get3A_540] : memref<64x128x96xf32, #tpu.memory_space<vmem>>, vector<64x16x96xf32>
    %broadcast_in_dim3A_542 = vector.shape_cast %dot_general3A_36 : vector<64x16xf32> to vector<64x16x1xf32>
    %mul3A_543 = vector.broadcast %broadcast_in_dim3A_542 : vector<64x16x1xf32> to vector<64x16x96xf32>
    %mul3A_544 = arith.mulf %get3A_541, %mul3A_543 : vector<64x16x96xf32>
    %reduce_sum3A = arith.constant dense<0.000000e+00> : vector<64x96xf32>
    %reduce_sum3A_545 = vector.multi_reduction <add>, %mul3A_544, %reduce_sum3A [1] : vector<64x16x96xf32> to vector<64x96xf32>
    %add3A_546 = arith.addf %broadcast_in_dim3A_537, %reduce_sum3A_545 : vector<64x96xf32>
    %get3A_547 = arith.constant 0 : index
    %get3A_548 = arith.constant 16 : index
    %get3A_549 = arith.constant 0 : index
    %get3A_550 = vector.load %arg13[%get3A_547, %get3A_548, %get3A_549] : memref<64x128x96xf32, #tpu.memory_space<vmem>>, vector<64x16x96xf32>
    %broadcast_in_dim3A_551 = vector.shape_cast %dot_general3A_96 : vector<64x16xf32> to vector<64x16x1xf32>
    %mul3A_552 = vector.broadcast %broadcast_in_dim3A_551 : vector<64x16x1xf32> to vector<64x16x96xf32>
    %mul3A_553 = arith.mulf %get3A_550, %mul3A_552 : vector<64x16x96xf32>
    %reduce_sum3A_554 = arith.constant dense<0.000000e+00> : vector<64x96xf32>
    %reduce_sum3A_555 = vector.multi_reduction <add>, %mul3A_553, %reduce_sum3A_554 [1] : vector<64x16x96xf32> to vector<64x96xf32>
    %add3A_556 = arith.addf %add3A_546, %reduce_sum3A_555 : vector<64x96xf32>
    %swap3A_557 = arith.constant 0 : index
    %swap3A_558 = arith.constant 0 : index
    %swap3A_559 = arith.constant 0 : index
    %swap3A_560 = vector.load %arg9[%swap3A_557, %swap3A_558, %swap3A_559] : memref<2x64x96xf32, #tpu.memory_space<vmem>>, vector<1x64x96xf32>
    %swap3A_561 = vector.shape_cast %swap3A_560 : vector<1x64x96xf32> to vector<64x96xf32>
    %swap3A_562 = vector.shape_cast %add3A_556 : vector<64x96xf32> to vector<1x64x96xf32>
    tpu.vector_store %arg9[%swap3A_557, %swap3A_558, %swap3A_559], %swap3A_562 {strides = array<i32>} : memref<2x64x96xf32, #tpu.memory_space<vmem>>, vector<1x64x96xf32>,
    %broadcast_in_dim3A_563 = arith.constant 0.000000e+00 : f32
    %broadcast_in_dim3A_564 = vector.broadcast %broadcast_in_dim3A_563 : f32 to vector<64x96xf32>
    %get3A_565 = arith.constant 0 : index
    %get3A_566 = arith.constant 32 : index
    %get3A_567 = arith.constant 0 : index
    %get3A_568 = vector.load %arg13[%get3A_565, %get3A_566, %get3A_567] : memref<64x128x96xf32, #tpu.memory_space<vmem>>, vector<64x16x96xf32>
    %broadcast_in_dim3A_569 = vector.shape_cast %dot_general3A_164 : vector<64x16xf32> to vector<64x16x1xf32>
    %mul3A_570 = vector.broadcast %broadcast_in_dim3A_569 : vector<64x16x1xf32> to vector<64x16x96xf32>
    %mul3A_571 = arith.mulf %get3A_568, %mul3A_570 : vector<64x16x96xf32>
    %reduce_sum3A_572 = arith.constant dense<0.000000e+00> : vector<64x96xf32>
    %reduce_sum3A_573 = vector.multi_reduction <add>, %mul3A_571, %reduce_sum3A_572 [1] : vector<64x16x96xf32> to vector<64x96xf32>
    %add3A_574 = arith.addf %broadcast_in_dim3A_564, %reduce_sum3A_573 : vector<64x96xf32>
    %get3A_575 = arith.constant 0 : index
    %get3A_576 = arith.constant 48 : index
    %get3A_577 = arith.constant 0 : index
    %get3A_578 = vector.load %arg13[%get3A_575, %get3A_576, %get3A_577] : memref<64x128x96xf32, #tpu.memory_space<vmem>>, vector<64x16x96xf32>
    %broadcast_in_dim3A_579 = vector.shape_cast %dot_general3A_227 : vector<64x16xf32> to vector<64x16x1xf32>
    %mul3A_580 = vector.broadcast %broadcast_in_dim3A_579 : vector<64x16x1xf32> to vector<64x16x96xf32>
    %mul3A_581 = arith.mulf %get3A_578, %mul3A_580 : vector<64x16x96xf32>
    %reduce_sum3A_582 = arith.constant dense<0.000000e+00> : vector<64x96xf32>
    %reduce_sum3A_583 = vector.multi_reduction <add>, %mul3A_581, %reduce_sum3A_582 [1] : vector<64x16x96xf32> to vector<64x96xf32>
    %add3A_584 = arith.addf %add3A_574, %reduce_sum3A_583 : vector<64x96xf32>
    %swap3A_585 = arith.constant 1 : index
    %swap3A_586 = arith.constant 0 : index
    %swap3A_587 = arith.constant 0 : index
    %swap3A_588 = vector.load %arg9[%swap3A_585, %swap3A_586, %swap3A_587] : memref<2x64x96xf32, #tpu.memory_space<vmem>>, vector<1x64x96xf32>
    %swap3A_589 = vector.shape_cast %swap3A_588 : vector<1x64x96xf32> to vector<64x96xf32>
    %swap3A_590 = vector.shape_cast %add3A_584 : vector<64x96xf32> to vector<1x64x96xf32>
    tpu.vector_store %arg9[%swap3A_585, %swap3A_586, %swap3A_587], %swap3A_590 {strides = array<i32>} : memref<2x64x96xf32, #tpu.memory_space<vmem>>, vector<1x64x96xf32>,
    %broadcast_in_dim3A_591 = arith.constant 0.000000e+00 : f32
    %broadcast_in_dim3A_592 = vector.broadcast %broadcast_in_dim3A_591 : f32 to vector<64x96xf32>
    %get3A_593 = arith.constant 0 : index
    %get3A_594 = arith.constant 64 : index
    %get3A_595 = arith.constant 0 : index
    %get3A_596 = vector.load %arg13[%get3A_593, %get3A_594, %get3A_595] : memref<64x128x96xf32, #tpu.memory_space<vmem>>, vector<64x16x96xf32>
    %broadcast_in_dim3A_597 = vector.shape_cast %dot_general3A_300 : vector<64x16xf32> to vector<64x16x1xf32>
    %mul3A_598 = vector.broadcast %broadcast_in_dim3A_597 : vector<64x16x1xf32> to vector<64x16x96xf32>
    %mul3A_599 = arith.mulf %get3A_596, %mul3A_598 : vector<64x16x96xf32>
    %reduce_sum3A_600 = arith.constant dense<0.000000e+00> : vector<64x96xf32>
    %reduce_sum3A_601 = vector.multi_reduction <add>, %mul3A_599, %reduce_sum3A_600 [1] : vector<64x16x96xf32> to vector<64x96xf32>
    %add3A_602 = arith.addf %broadcast_in_dim3A_592, %reduce_sum3A_601 : vector<64x96xf32>
    %get3A_603 = arith.constant 0 : index
    %get3A_604 = arith.constant 80 : index
    %get3A_605 = arith.constant 0 : index
    %get3A_606 = vector.load %arg13[%get3A_603, %get3A_604, %get3A_605] : memref<64x128x96xf32, #tpu.memory_space<vmem>>, vector<64x16x96xf32>
    %broadcast_in_dim3A_607 = vector.shape_cast %dot_general3A_363 : vector<64x16xf32> to vector<64x16x1xf32>
    %mul3A_608 = vector.broadcast %broadcast_in_dim3A_607 : vector<64x16x1xf32> to vector<64x16x96xf32>
    %mul3A_609 = arith.mulf %get3A_606, %mul3A_608 : vector<64x16x96xf32>
    %reduce_sum3A_610 = arith.constant dense<0.000000e+00> : vector<64x96xf32>
    %reduce_sum3A_611 = vector.multi_reduction <add>, %mul3A_609, %reduce_sum3A_610 [1] : vector<64x16x96xf32> to vector<64x96xf32>
    %add3A_612 = arith.addf %add3A_602, %reduce_sum3A_611 : vector<64x96xf32>
    %get3A_613 = arith.constant 0 : index
    %get3A_614 = arith.constant 0 : index
    %get3A_615 = vector.load %arg8[%get3A_613, %get3A_614] : memref<64x64xf32, #tpu.memory_space<vmem>>, vector<64x64xf32>
    %dot_general3A_616 = arith.constant dense<0.000000e+00> : vector<64x96xf32>
    %dot_general3A_617 = tpu.matmul %get3A_615, %add3A_612, %dot_general3A_616 {dimension_numbers = #tpu.dot_dimension_numbers<[1], [0], [0], [1], [0, 0, 1, 1], [], []>, transpose_lhs_hint = false} : vector<64x64xf32>, vector<64x96xf32>, vector<64x96xf32> -> vector<64x96xf32>
    %swap3A_618 = arith.constant 0 : index
    %swap3A_619 = arith.constant 0 : index
    %swap3A_620 = arith.constant 0 : index
    %swap3A_621 = vector.load %arg10[%swap3A_618, %swap3A_619, %swap3A_620] : memref<2x64x96xf32, #tpu.memory_space<vmem>>, vector<1x64x96xf32>
    %swap3A_622 = vector.shape_cast %swap3A_621 : vector<1x64x96xf32> to vector<64x96xf32>
    %swap3A_623 = vector.shape_cast %dot_general3A_617 : vector<64x96xf32> to vector<1x64x96xf32>
    tpu.vector_store %arg10[%swap3A_618, %swap3A_619, %swap3A_620], %swap3A_623 {strides = array<i32>} : memref<2x64x96xf32, #tpu.memory_space<vmem>>, vector<1x64x96xf32>,
    %broadcast_in_dim3A_624 = arith.constant 0.000000e+00 : f32
    %broadcast_in_dim3A_625 = vector.broadcast %broadcast_in_dim3A_624 : f32 to vector<64x96xf32>
    %get3A_626 = arith.constant 0 : index
    %get3A_627 = arith.constant 96 : index
    %get3A_628 = arith.constant 0 : index
    %get3A_629 = vector.load %arg13[%get3A_626, %get3A_627, %get3A_628] : memref<64x128x96xf32, #tpu.memory_space<vmem>>, vector<64x16x96xf32>
    %broadcast_in_dim3A_630 = vector.shape_cast %dot_general3A_436 : vector<64x16xf32> to vector<64x16x1xf32>
    %mul3A_631 = vector.broadcast %broadcast_in_dim3A_630 : vector<64x16x1xf32> to vector<64x16x96xf32>
    %mul3A_632 = arith.mulf %get3A_629, %mul3A_631 : vector<64x16x96xf32>
    %reduce_sum3A_633 = arith.constant dense<0.000000e+00> : vector<64x96xf32>
    %reduce_sum3A_634 = vector.multi_reduction <add>, %mul3A_632, %reduce_sum3A_633 [1] : vector<64x16x96xf32> to vector<64x96xf32>
    %add3A_635 = arith.addf %broadcast_in_dim3A_625, %reduce_sum3A_634 : vector<64x96xf32>
    %get3A_636 = arith.constant 0 : index
    %get3A_637 = arith.constant 112 : index
    %get3A_638 = arith.constant 0 : index
    %get3A_639 = vector.load %arg13[%get3A_636, %get3A_637, %get3A_638] : memref<64x128x96xf32, #tpu.memory_space<vmem>>, vector<64x16x96xf32>
    %broadcast_in_dim3A_640 = vector.shape_cast %dot_general3A_499 : vector<64x16xf32> to vector<64x16x1xf32>
    %mul3A_641 = vector.broadcast %broadcast_in_dim3A_640 : vector<64x16x1xf32> to vector<64x16x96xf32>
    %mul3A_642 = arith.mulf %get3A_639, %mul3A_641 : vector<64x16x96xf32>
    %reduce_sum3A_643 = arith.constant dense<0.000000e+00> : vector<64x96xf32>
    %reduce_sum3A_644 = vector.multi_reduction <add>, %mul3A_642, %reduce_sum3A_643 [1] : vector<64x16x96xf32> to vector<64x96xf32>
    %add3A_645 = arith.addf %add3A_635, %reduce_sum3A_644 : vector<64x96xf32>
    %get3A_646 = arith.constant 0 : index
    %get3A_647 = arith.constant 0 : index
    %get3A_648 = vector.load %arg8[%get3A_646, %get3A_647] : memref<64x64xf32, #tpu.memory_space<vmem>>, vector<64x64xf32>
    %dot_general3A_649 = arith.constant dense<0.000000e+00> : vector<64x96xf32>
    %dot_general3A_650 = tpu.matmul %get3A_648, %add3A_645, %dot_general3A_649 {dimension_numbers = #tpu.dot_dimension_numbers<[1], [0], [0], [1], [0, 0, 1, 1], [], []>, transpose_lhs_hint = false} : vector<64x64xf32>, vector<64x96xf32>, vector<64x96xf32> -> vector<64x96xf32>
    %swap3A_651 = arith.constant 1 : index
    %swap3A_652 = arith.constant 0 : index
    %swap3A_653 = arith.constant 0 : index
    %swap3A_654 = vector.load %arg10[%swap3A_651, %swap3A_652, %swap3A_653] : memref<2x64x96xf32, #tpu.memory_space<vmem>>, vector<1x64x96xf32>
    %swap3A_655 = vector.shape_cast %swap3A_654 : vector<1x64x96xf32> to vector<64x96xf32>
    %swap3A_656 = vector.shape_cast %dot_general3A_650 : vector<64x96xf32> to vector<1x64x96xf32>
    tpu.vector_store %arg10[%swap3A_651, %swap3A_652, %swap3A_653], %swap3A_656 {strides = array<i32>} : memref<2x64x96xf32, #tpu.memory_space<vmem>>, vector<1x64x96xf32>,
    return
  }
  func.func @transform_0(%arg0: i32) -> (i32, i32, i32) {
    %c0_i32 = arith.constant 0 : i32
    %c0_i32_0 = arith.constant 0 : i32
    %c0_i32_1 = arith.constant 0 : i32
    return %c0_i32, %arg0, %c0_i32_0 : i32, i32, i32
  }
  func.func @transform_1(%arg0: i32) -> (i32, i32, i32) {
    %sub3A = arith.constant 117 : i32
    %sub3A_0 = arith.subi %sub3A, %arg0 : i32
    %c0_i32 = arith.constant 0 : i32
    %c0_i32_1 = arith.constant 0 : i32
    %c0_i32_2 = arith.constant 0 : i32
    return %c0_i32, %sub3A_0, %c0_i32_1 : i32, i32, i32
  }
  func.func @transform_2(%arg0: i32) -> (i32, i32, i32) {
    %c0_i32 = arith.constant 0 : i32
    %c0_i32_0 = arith.constant 0 : i32
    %c0_i32_1 = arith.constant 0 : i32
    %c0_i32_2 = arith.constant 0 : i32
    return %c0_i32, %c0_i32_0, %c0_i32_1 : i32, i32, i32
  }
  func.func @transform_3(%arg0: i32) -> (i32, i32, i32) {
    %c0_i32 = arith.constant 0 : i32
    %c0_i32_0 = arith.constant 0 : i32
    %c0_i32_1 = arith.constant 0 : i32
    %c0_i32_2 = arith.constant 0 : i32
    return %c0_i32, %c0_i32_0, %c0_i32_1 : i32, i32, i32
  }
  func.func @transform_4(%arg0: i32) -> (i32, i32, i32) {
    %c0_i32 = arith.constant 0 : i32
    %c0_i32_0 = arith.constant 0 : i32
    %c0_i32_1 = arith.constant 0 : i32
    %c0_i32_2 = arith.constant 0 : i32
    return %c0_i32, %c0_i32_0, %c0_i32_1 : i32, i32, i32
  }
  func.func @transform_5(%arg0: i32) -> (i32, i32, i32) {
    %c0_i32 = arith.constant 0 : i32
    %c0_i32_0 = arith.constant 0 : i32
    %c0_i32_1 = arith.constant 0 : i32
    %c0_i32_2 = arith.constant 0 : i32
    return %c0_i32, %c0_i32_0, %c0_i32_1 : i32, i32, i32
  }
  func.func @transform_6(%arg0: i32) -> (i32, i32, i32) {
    %c0_i32 = arith.constant 0 : i32
    %c0_i32_0 = arith.constant 0 : i32
    %c0_i32_1 = arith.constant 0 : i32
    %c0_i32_2 = arith.constant 0 : i32
    return %c0_i32, %c0_i32_0, %c0_i32_1 : i32, i32, i32
  }
  func.func @transform_7(%arg0: i32) -> (i32, i32) {
    %c0_i32 = arith.constant 0 : i32
    %c0_i32_0 = arith.constant 0 : i32
    %c0_i32_1 = arith.constant 0 : i32
    return %c0_i32, %c0_i32_0 : i32, i32
  }
  func.func @transform_8(%arg0: i32) -> (i32, i32, i32) {
    %c0_i32 = arith.constant 0 : i32
    %c0_i32_0 = arith.constant 0 : i32
    %c0_i32_1 = arith.constant 0 : i32
    return %c0_i32, %arg0, %c0_i32_0 : i32, i32, i32
  }
  func.func @transform_9(%arg0: i32) -> (i32, i32, i32) {
    %sub3A = arith.constant 117 : i32
    %sub3A_0 = arith.subi %sub3A, %arg0 : i32
    %c0_i32 = arith.constant 0 : i32
    %c0_i32_1 = arith.constant 0 : i32
    %c0_i32_2 = arith.constant 0 : i32
    return %c0_i32, %sub3A_0, %c0_i32_1 : i32, i32, i32
  }
}

</mosaic_0001>

<sc_bundles>
// kernel: gather_offload_async_start
scs
__scs_entry_jumppad:
0x0: {  	(pc) =	sbr.rel $0x88, $3  }
0x1: {  	(tag) =	ssettag $0x0;
	lr =	simm.s32 $0x1  }
0x2: {  	[smem:$0x3F95] =	sst lr;
	_ =	strace $0xD0000000  }
0x3: {  	_ = 	snop  }
0x4: {  	_ = 	snop  }
0x5: {  	_ = 	snop  }
0x6: {  	_ = 	snop  }
0x7: {  	_ = 	snop  }
__scs_overlays_trampoline_lowered:
0x8: {  	[smem:$0x3FA4] =	sst s0  }
0x9: {  	[smem:$0x3FA5] =	sst s1  }
0xa: {  	[smem:$0x3FA6] =	sst s2  }
0xb: {  	[smem:$0x3FA7] =	sst s3  }
0xc: {  	[smem:$0x3FA8] =	sst s4  }
0xd: {  	[smem:$0x3FA9] =	sst s5  }
0xe: {  	[smem:$0x3FAA] =	sst s6  }
0xf: {  	[smem:$0x3FAB] =	sst s7  }
0x10: {  	[smem:$0x3FAC] =	sst s8  }
0x11: {  	[smem:$0x3FAD] =	sst s9;
	s0 =	simm.s32 @!p0 $0x0  }
0x12: {  	s1 =	sld [smem:$0x3F93];
	s0 =	simm.s32 @p0 $0x1  }
0x13: {  	[smem:$0x3FAE] =	sst s0;
	s0 =	simm.s32 @!p1 $0x0  }
0x14: {  	s2 =	sld [smem:$0x3F92];
	s0 =	simm.s32 @p1 $0x1  }
0x15: {  	[smem:$0x3FAF] =	sst s0;
	s0 =	simm.s32 @!p2 $0x0  }
0x16: {  	s3 =	sld [smem:$0x3FDB];
	s0 =	simm.s32 @p2 $0x1  }
0x17: {  	s4 =	simm.s32 $0x1BF5;
	[smem:$0x3FB1] =	sst s0  }
0x18: {  	s0 =	sld [smem:$0x3F94];
	_ =	swait.ge [sflag:s4], $0x0  }
0x19: {  	s7 =	sld [smem:$0x3F95]  }
0x1a: {  	s8 =	sadd.s32 $0xFFFFE003, lr  }
0x1b: {  	s9 =	sadd.s32 $0xFFFFFEF7, lr;
	s5 =	simm.s32 $0xFFFFFFFF;
	p2 =	slt.u32 s8, $0xFFFFF086  }
0x1c: {  	p1 =	slt.u32 s9, $0xF7A;
	s5 =	simm.s32 @!p2 $0x0  }
0x1d: {  	s5 =	simm.s32 @p1 $0x1;
	p0 =	seq.s32 s7, s2  }
0x1e: {  	s7 =	smul.u32 @!p0 $0xF7A, s2;
	p2 =	seq.s32 @!p0 s5, $0x0  }
0x1f: {  	s9 =	smul.u32 $0xF7A, s1;
	s8 =	simm.s32 @!p0 $0x1BF5;
	p2 =	por !p2, p0  }
0x20: {  	[sflag:s8] =	ssyncset.s32 @!p0 $0xFFFFF086;
	s6 =	sadd.s32 @!p0 s3, s7;
	s7 =	simm.s32 @!p0 $0x108  }
0x21: {  	s3 =	sadd.s32 s3, s9;
	s6 =	sadd.s32 @!p0 $0x88, s6;
	s7 =	simm.s32 @p2 $0x1082  }
0x22: {  	[simem:s7], [sflag:s8] =	dma.local @!p0 [hbm:s6], $0xF7A  }
0x23: {  	s9 =	sor.u32 $0xD0000000, s2;
	s6 =	simm.s32 $0x108;
	_ =	swait.ge @!p0 [sflag:s8], $0x0  }
0x24: {  	s3 =	sadd.s32 $0x88, s3;
	s6 =	simm.s32 @!p1 $0x1082;
	[sflag:s4] =	ssyncset.s32 $0xFFFFF086  }
0x25: {  	[simem:s6], [sflag:s4] =	dma.local [hbm:s3], $0xF7A  }
0x26: {  	[smem:$0x3F95] =	sst s1;
	(tag) =	ssettag s2;
	_ =	strace s9  }
0x27: {  	s1 =	sld [smem:$0x3FA5]  }
0x28: {  	s2 =	sld [smem:$0x3FA6]  }
0x29: {  	s4 =	sld [smem:$0x3FA8]  }
0x2a: {  	p0 =	seq.s32 s5, $0x0;
	s5 =	sld [smem:$0x3FA9]  }
0x2b: {  	s6 =	sld [smem:$0x3FAA]  }
0x2c: {  	s7 =	sld [smem:$0x3FAB]  }
0x2d: {  	s3 =	simm.s32 $0x108;
	s8 =	sld [smem:$0x3FAC]  }
0x2e: {  	s3 =	simm.s32 @!p0 $0x1082;
	s9 =	sld [smem:$0x3FAD]  }
0x2f: {  	lr =	sadd.s32 s0, s3;
	s0 =	sld [smem:$0x3FA4]  }
0x30: {  	s3 =	sld [smem:$0x3FA7]  }
0x31: {  	[smem:$0x3FB0] =	sst s10  }
0x32: {  	s10 =	sld [smem:$0x3FAE];
	_ =	sdelay $0x3  }
0x33: {  	p0 =	seq.s32 s10, $0x1;
	s10 =	sld [smem:$0x3FB0];
	_ =	sdelay $0x3  }
0x34: {  	[smem:$0x3FB0] =	sst s10  }
0x35: {  	s10 =	sld [smem:$0x3FAF];
	_ =	sdelay $0x3  }
0x36: {  	p1 =	seq.s32 s10, $0x1;
	s10 =	sld [smem:$0x3FB0];
	_ =	sdelay $0x3  }
0x37: {  	[smem:$0x3FB0] =	sst s10  }
0x38: {  	s10 =	sld [smem:$0x3FB1]  }
0x39: {  	_ = 	snop;
	(pc) =	sbr.ind lr, $3  }
0x3a: {  	_ = 	snop  }
0x3b: {  	_ = 	snop  }
0x3c: {  	p2 =	seq.s32 s10, $0x1;
	s10 =	sld [smem:$0x3FB0]  }
0x3d: {  	_ =	shalt  }
0x3e: {  	_ =	shalt  }
0x3f: {  	_ =	shalt  }
0x40: {  	_ =	shalt  }
0x41: {  	_ =	shalt  }
0x42: {  	_ =	shalt  }
0x43: {  	_ =	shalt  }
0x44: {  	_ =	shalt  }
0x45: {  	_ =	shalt  }
0x46: {  	_ =	shalt  }
0x47: {  	_ =	shalt  }
0x48: {  	_ =	shalt  }
0x49: {  	_ =	shalt  }
0x4a: {  	_ =	shalt  }
0x4b: {  	_ =	shalt  }
0x4c: {  	_ =	shalt  }
0x4d: {  	_ =	shalt  }
0x4e: {  	_ =	shalt  }
0x4f: {  	_ =	shalt  }
0x50: {  	_ =	shalt  }
0x51: {  	_ =	shalt  }
0x52: {  	_ =	shalt  }
0x53: {  	_ =	shalt  }
0x54: {  	_ =	shalt  }
0x55: {  	_ =	shalt  }
0x56: {  	_ =	shalt  }
0x57: {  	_ =	shalt  }
0x58: {  	_ =	shalt  }
0x59: {  	_ =	shalt  }
0x5a: {  	_ =	shalt  }
0x5b: {  	_ =	shalt  }
0x5c: {  	_ =	shalt  }
0x5d: {  	_ =	shalt  }
0x5e: {  	_ =	shalt  }
0x5f: {  	_ =	shalt  }
0x60: {  	_ =	shalt  }
0x61: {  	_ =	shalt  }
0x62: {  	_ =	shalt  }
0x63: {  	_ =	shalt  }
0x64: {  	_ =	shalt  }
0x65: {  	_ =	shalt  }
0x66: {  	_ =	shalt  }
0x67: {  	_ =	shalt  }
0x68: {  	_ =	shalt  }
0x69: {  	_ =	shalt  }
0x6a: {  	_ =	shalt  }
0x6b: {  	_ =	shalt  }
0x6c: {  	_ =	shalt  }
0x6d: {  	_ =	shalt  }
0x6e: {  	_ =	shalt  }
0x6f: {  	_ =	shalt  }
0x70: {  	_ =	shalt  }
0x71: {  	_ =	shalt  }
0x72: {  	_ =	shalt  }
0x73: {  	_ =	shalt  }
0x74: {  	_ =	shalt  }
0x75: {  	_ =	shalt  }
0x76: {  	_ =	shalt  }
0x77: {  	_ =	shalt  }
0x78: {  	_ =	shalt  }
0x79: {  	_ =	shalt  }
0x7a: {  	_ =	shalt  }
0x7b: {  	_ =	shalt  }
0x7c: {  	_ =	shalt  }
0x7d: {  	_ =	shalt  }
0x7e: {  	_ =	shalt  }
0x7f: {  	_ =	shalt  }
0x80: {  	_ =	shalt  }
0x81: {  	_ =	shalt  }
0x82: {  	_ =	shalt  }
0x83: {  	_ =	shalt  }
0x84: {  	_ =	shalt  }
0x85: {  	_ =	shalt  }
0x86: {  	_ =	shalt  }
0x87: {  	_ =	shalt  }
.Lfunc_end0:
.L_simem_size_0:
called_computation.7_lowered:
.L_overlay_start_0:
0x88: {  	s2 =	sld [smem:$0x3FD9]  }
0x89: {  	s3 =	sld [smem:$0x3FFE];
	_ =	sdelay $0x1  }
0x8a: {  	s1 =	srdreg.scid  }
0x8b: {  	s0 =	sand.u32 $0x1, s1  }
0x8c: {  	s17 =	sshll.u32 s0, $0xA;
	s2 =	sadd.s32 s3, s2  }
0x8d: {  	s2 =	sadd.s32 s2, s17  }
0x8e: {  	[smem:$0x3FBC] =	sst s2  }
0x8f: {  	_ = 	snop  }
0x90: {  	(tm) =	ssettm $0x1  }
0x91: {  	s18 =	sld [smem:$0x3FFB];
	_ =	sdelay $0x3  }
0x92: {  	_ =	strace s18  }
0x93: {  	s2 =	sld [smem:$0x3FFC];
	_ =	sdelay $0x3  }
0x94: {  	_ =	strace s2  }
0x95: {  	s2 =	sld [smem:$0x3FFD];
	_ =	sdelay $0x3  }
0x96: {  	_ =	strace s2  }
0x97: {  	_ =	strace $0x8FFFFFFF  }
0x98: {  	s19 =	sld [smem:$0x3FDB];
	_ =	sdelay $0x1  }
0x99: {  	s20 =	simm.s32 $_scs_section_size  }
0x9a: {  	s4 =	simm.s32 $_size__tile_overlayer_lowered;
	s5 =	simm.s32 $_tile_overlayer_lowered  }
0x9b: {  	s6 =	simm.s32 $0x1BFF;
	s21 =	sshll.u32 s5, $0x1;
	s3 =	sadd.s32 s20, s19  }
0x9c: {  	s22 =	simm.s32 $0x0;
	s4 =	sshll.u32 s4, $0x1;
	s5 =	sadd.s32 s21, s3  }
0x9d: {  	[timem:s22], [sflag:s6] =	dma.local [hbm:s5], s4  }
0x9e: {  	_ =	swait.ge [sflag:s6], s4  }
0x9f: {  	s4 =	ssub.s32 $0x0, s4;
	[sflag:s6] =	ssyncset.done $0x0  }
0xa0: {  	[sflag:s6] =	ssyncadd.s32 s4;
	_ =	sdelay $0x1  }
0xa1: {  	s23 =	simm.s32 $0x1B8B  }
0xa2: {  	_ =	swait.ge [sflag:s23], $0x1  }
0xa3: {  	[sflag:s23] =	ssyncset.done $0x0  }
0xa4: {  	[sflag:s23] =	ssyncadd.s32 $0xFFFFFFFF  }
0xa5: {  	s4 =	sld [smem:$0x0]  }
0xa6: {  	s5 =	sand.u32 $0xFFFFFFFE, s1  }
0xa7: {  	p0 =	sne.s32 s1, s5  }
0xa8: {  	s5 =	sshll.u32 @p0 s5, $0xE  }
0xa9: {  	s5 =	sadd.s32 @p0 $0x11B8D, s5;
	s6 =	sshll.u32 @p0 s4, $0x11  }
0xaa: {  	s5 =	sor.u32 @p0 s6, s5  }
0xab: {  	[sflag:s5] =	ssyncadd.remote.s32 @p0 $0x1;
	_ =	sdelay $0x1  }
0xac: {  	s5 =	simm.s32 @p0 $0x1B8D  }
0xad: {  	_ =	swait.eq @p0 [sflag:s5], $0x1  }
0xae: {  	[sflag:s5] =	ssyncadd.s32 @p0 $0xFFFFFFFF  }
0xaf: {  	s6 =	sshll.u32 @!p0 s1, $0xE  }
0xb0: {  	s6 =	sor.u32 @!p0 $0x4000, s6;
	s5 =	simm.s32 @!p0 $0x1B8D  }
0xb1: {  	s4 =	sshll.u32 @!p0 s4, $0x11;
	s6 =	sadd.s32 @!p0 $0x11B8D, s6;
	_ =	swait.eq @!p0 [sflag:s5], $0x1  }
0xb2: {  	s4 =	sor.u32 @!p0 s4, s6;
	[sflag:s5] =	ssyncadd.s32 @!p0 $0xFFFFFFFF  }
0xb3: {  	s25 =	simm.s32 $0x1B8E;
	s24 =	sld [smem:$0x3FFE];
	[sflag:s4] =	ssyncadd.remote.s32 @!p0 $0x1  }
0xb4: {  	s26 =	simm.s32 $execute0_lowered;
	[smem:$0x3FD2] =	sst s25  }
0xb5: {  	s5 =	sshll.u32 s26, $0x1;
	_ =	strace $0x8000004C;
	[dreg:$0x1] =	wrdreg $0xFFFFFFFF  }
0xb6: {  	s28 =	simm.s32 $_size_execute0_lowered;
	s3 =	sadd.s32 s3, s5;
	[dreg:$0x0] =	wrdreg $0x0  }
0xb7: {  	s5 =	sshll.u32 s28, $0x1;
	[dreg:$0x2] =	wrdreg s3  }
0xb8: {  	[dreg:$0x3] =	wrdreg s5  }
0xb9: {  	[dreg:$0x4] =	wrdreg $0xC0  }
0xba: {  	_ =	task [dreg:s22], $0x5FFFF  }
0xbb: {  	[dreg:$0x1] =	wrdreg $0xFFFFFFFF  }
0xbc: {  	[dreg:$0x0] =	wrdreg $0x60  }
0xbd: {  	[dreg:$0x2] =	wrdreg s24  }
0xbe: {  	[dreg:$0x3] =	wrdreg $0xA  }
0xbf: {  	_ =	task.clear_ibuf [dreg:s22], $0x4FFFF;
	_ =	strace $0x9000004C  }
0xc0: {  	s29 =	simm.s32 $0xA;
	_ =	strace $0x8000004E  }
0xc1: {  	_ =	swait.ge [sflag:s29], $0x1  }
0xc2: {  	[sflag:s29] =	ssyncadd.s32 $0xFFFFFFFF  }
0xc3: {  	_ =	strace $0x9000004E  }
0xc4: {  	_ =	sfence  }
0xc5: {  	s30 =	sld [smem:$0x0];
	_ =	sdelay $0x2  }
0xc6: {  	s31 =	sshll.u32 s1, $0xD;
	s1 =	sshrl.u32 s1, $0x2  }
0xc7: {  	s4 =	sand.u32 $0x4000, s31;
	s1 =	sadd.s32 s1, s30  }
0xc8: {  	s0 =	sor.u32 s4, s0;
	s1 =	sshll.u32 s1, $0x11  }
0xc9: {  	s0 =	sor.u32 s1, s0  }
0xca: {  	s0 =	sadd.s32 $0x8F2B, s0  }
0xcb: {  	[sflag:s0] =	ssyncadd.remote.s32 $0x1  }
0xcc: {  	_ =	sfence.sel $0xFFFF  }
0xcd: {  	[dreg:$0x0] =	wrdreg $0xFFFFFFFF;
	(pc) =	sbr.abs _section_cstart, $3  }
0xce: {  	[dreg:$0x1] =	wrdreg $0xFFFFFFFF  }
0xcf: {  	_ =	task.clear_ibuf [dreg:s22], $0x2FFFF;
	_ =	strace $0x9FFFFFFF  }
0xd0: {  	(tm) =	ssettm $0x7FFFFFFF  }
0xd1: {  	_ =	shalt  }
tec
execute0_lowered:
.L_overlay_start_1:
0x0: {  	(tag) =	ssettag $0x1  }
0x1: {  	s0 =	srdreg.scid;
	s6 =	rddreg [dreg:$0x0]  }
0x2: {  	s1 =	stileid.u32;
	s4 =	simm.s32 $0x1;
	s7 =	simm.s32 $0x2  }
0x3: {  	s9 =	simm.s32 $0x3;
	s14 =	simm.s32 $0x0;
	s10 =	simm.s32 $0x3A8  }
0x4: {  	s11 =	simm.s32 $0x1D7B0;
	s2 =	sshll.u32 s0, $0x4;
	s0 =	rddreg [dreg:$0x1]  }
.Ltmp0:
0x5: {  	_ =	strace $0x8000004D;
	s3 =	sand.u32 $0x10, s2;
	(pc) =	sbr.rel .LBB2_1-.Ltmp0, $4  }
0x6: {  	s12 =	simm.s32 $0x0;
	[sflag:s4] =	ssyncpa.u1 $0x0;
	s5 =	sor.u32 s1, s3  }
0x7: {  	s2 =	sadd.s32 $0x498000, s6;
	[sflag:s7] =	ssyncpa.u1 $0x0;
	s5 =	smul.u32 $0x1D8, s5  }
0x8: {  	s3 =	sadd.s32 $0x620C00, s6;
	s6 =	sadd.s32 $0x627600, s6;
	[sflag:s9] =	ssyncpa.u1 $0x0  }
0x9: {  	v0 =	vimm.s32 $0x0;
	vm0 =	vmmov $0xff;
	vm1 =	vcmask $0x3F20;
	s9 =	simm.s32 $0x1D8;
	s8 =	sadd.s32 $0x1D8, s5;
	s13 =	smov.u32 s5  }
.LBB2_10:
0xa: {  	s14 =	sshrl.u32 s13, $0x3  }
0xb: {  	s15 =	sand.u32 $0x7, s13;
	s14 =	sadd.s32 s3, s14  }
0xc: {  	[tilespmem:s9], [sflag:$0x2] =	stream.linear.gather [hbm4b:s14+s15], $0x1D8, $0x38;
	[tilespmem:$0x1DBB0] =	vst v63  }
.LBB2_8:
0xd: {  	s14 =	sadd.s32 $0x1D8, s13  }
0xe: {  	s15 =	smov.u32 s5;
	p0 =	slt.s32 s14, s8  }
0xf: {  	s15 =	smov.u32 @p0 s14  }
0x10: {  	s12 =	sadd.s32 $0x1, s12;
	s14 =	smov.u32 s13;
	s13 =	smov.u32 s15  }
.LBB2_1:
0x11: {  	p0 =	seq.s32 s12, $0x0  }
.Ltmp1:
0x12: {  	_ = 	snop;
	(pc) =	sbr.rel @p0 .LBB2_10-.Ltmp1, $1  }
0x13: {  	_ =	sdelay $0x3  }
0x14: {  	p0 =	seq.s32 s12, $0x1  }
.Ltmp2:
0x15: {  	_ = 	snop;
	(pc) =	sbr.rel @!p0 .LBB2_9-.Ltmp2, $1  }
0x16: {  	_ =	sdelay $0x3  }
0x17: {  	_ =	swait.ge [sflag:s7], $0x1D8  }
0x18: {  	[sflag:s7] =	ssyncset.done $0x0  }
0x19: {  	s15 =	simm.s32 $0x0;
	[sflag:s7] =	ssyncadd.s32 $0xFFFFFE28  }
0x1a: {  	v1 =	vld.msk [tilespmem:s15+$0x1D8 ss:$0x1], $0xffff;
	_ =	sdelay $0x4  }
0x1b: {  	v2 =	vand.u32 $0x1, v1;
	v3 =	vshll.u32 v1, $0x6  }
0x1c: {  	vm2 =	veq.s32 v1, $0x80000000;
	vm3 =	veq.s32 v2, $0x1;
	v1 =	vand.u32 $0x7FFF80, v3  }
0x1d: {  	v2 =	vsel vm3, $0x620000, v0;
	v1 =	vsel vm2, $0xFFFFFF80, v1  }
0x1e: {  	v2 =	vsel vm2, $0xFF9E0000, v2;
	v3 =	vand.u32 $0xFFFFFC00, v1  }
0x1f: {  	v1 =	vand.u32 $0x380, v1;
	v2 =	vadd.s32 v2, v3  }
0x20: {  	v1 =	vor.u32 v1, v2  }
0x21: {  	v1 =	vshrl.u32 v1, $0x3;
	_ =	sdelay $0x3  }
0x22: {  	s15 =	simm.s32 $0xEFB0  }
0x23: {  	[tilespmem:s15], [sflag:$0x1] =	stream.indirect_vreg.gather [hbm:s2], $0x80, v1, vm0, $0x38;
	[tilespmem:$0x1DBB0] =	vst v63  }
0x24: {  	s16 =	simm.s32 $0xF3B0;
	s31 =	simm.s32 $0x10  }
0x25: {  	[tilespmem:s16], [sflag:$0x1] =	stream.indirect_vreg.gather [hbm:s2], $0x80, v1, vm1, $0x38;
	[tilespmem:$0x1DBB0] =	vst v63  }
0x26: {  	s16 =	simm.s32 $0x80;
	v1 =	vld.msk [tilespmem:s31+$0x1D8 ss:$0x1], $0xffff  }
.LBB2_4:
0x27: {  	p0 =	sne.s32 s16, $0x700;
	_ =	sdelay $0x4  }
0x28: {  	v2 =	vand.u32 $0x1, v1;
	v3 =	vshll.u32 v1, $0x6  }
0x29: {  	vm2 =	veq.s32 v1, $0x80000000;
	vm3 =	veq.s32 v2, $0x1;
	v1 =	vand.u32 $0x7FFF80, v3  }
0x2a: {  	v2 =	vsel vm3, $0x620000, v0;
	v1 =	vsel vm2, $0xFFFFFF80, v1  }
0x2b: {  	v2 =	vsel vm2, $0xFF9E0000, v2;
	v3 =	vand.u32 $0xFFFFFC00, v1  }
0x2c: {  	v1 =	vand.u32 $0x380, v1;
	v2 =	vadd.s32 v2, v3  }
0x2d: {  	v1 =	vor.u32 v1, v2  }
0x2e: {  	v1 =	vshrl.u32 v1, $0x3;
	_ =	sdelay $0x3  }
.Ltmp3:
0x2f: {  	s15 =	sadd.s32 $0x800, s15;
	(pc) =	sbr.rel @p0 .LBB2_4-.Ltmp3, $4  }
0x30: {  	[tilespmem:s15], [sflag:$0x1] =	stream.indirect_vreg.gather [hbm:s2], $0x80, v1, vm0, $0x38;
	[tilespmem:$0x1DBB0] =	vst v63  }
0x31: {  	s17 =	sshra.s32 s16, $0x2;
	s18 =	sadd.s32 $0x400, s15  }
0x32: {  	[tilespmem:s18], [sflag:$0x1] =	stream.indirect_vreg.gather [hbm:s2], $0x80, v1, vm1, $0x38;
	[tilespmem:$0x1DBB0] =	vst v63  }
0x33: {  	s16 =	sadd.s32 $0x40, s16;
	v1 =	vld.msk [tilespmem:s17+$0x1D8 ss:$0x1], $0xffff  }
0x34: {  	_ =	sdelay $0x3  }
0x35: {  	v2 =	vand.u32 $0x1, v1;
	v3 =	vshll.u32 v1, $0x6  }
0x36: {  	vm2 =	veq.s32 v1, $0x80000000;
	vm3 =	veq.s32 v2, $0x1;
	v1 =	vand.u32 $0x7FFF80, v3  }
0x37: {  	v2 =	vsel vm3, $0x620000, v0;
	v1 =	vsel vm2, $0xFFFFFF80, v1  }
0x38: {  	v2 =	vsel vm2, $0xFF9E0000, v2;
	v3 =	vand.u32 $0xFFFFFC00, v1  }
0x39: {  	v1 =	vand.u32 $0x380, v1;
	v2 =	vadd.s32 v2, v3  }
0x3a: {  	v1 =	vor.u32 v1, v2  }
0x3b: {  	v1 =	vshrl.u32 v1, $0x3;
	_ =	sdelay $0x3  }
0x3c: {  	s15 =	sadd.s32 $0x800, s15  }
0x3d: {  	[tilespmem:s15], [sflag:$0x1] =	stream.indirect_vreg.gather [hbm:s2], $0x80, v1, vm0, $0x38;
	[tilespmem:$0x1DBB0] =	vst v63  }
0x3e: {  	s15 =	sadd.s32 $0x400, s15  }
0x3f: {  	[tilespmem:s15], [sflag:$0x1] =	stream.indirect_vreg.gather [hbm:s2], $0x80, v1, vm1, $0x38;
	[tilespmem:$0x1DBB0] =	vst v63  }
0x40: {  	v1 =	vld.msk [tilespmem:s10+$0x0 ss:$0x1], $0xff;
	_ =	sdelay $0x4  }
0x41: {  	v2 =	vand.u32 $0x1, v1;
	v3 =	vshll.u32 v1, $0x6  }
0x42: {  	vm2 =	veq.s32 v1, $0x80000000;
	vm3 =	veq.s32 v2, $0x1;
	v1 =	vand.u32 $0x7FFF80, v3  }
0x43: {  	v2 =	vsel vm3, $0x620000, v0;
	v1 =	vsel vm2, $0xFFFFFF80, v1  }
0x44: {  	v2 =	vsel vm2, $0xFF9E0000, v2;
	v3 =	vand.u32 $0xFFFFFC00, v1  }
0x45: {  	v1 =	vand.u32 $0x380, v1;
	v2 =	vadd.s32 v2, v3  }
0x46: {  	v1 =	vor.u32 v1, v2  }
0x47: {  	v1 =	vshrl.u32 v1, $0x3;
	_ =	sdelay $0x4  }
0x48: {  	[tilespmem:s11], [sflag:$0x1] =	stream.indirect_vreg.gather [hbm:s2], $0x80, v1, vm0, $0x38;
	[tilespmem:$0x1DBB0] =	vst v63  }
0x49: {  	s14 =	sshll.u32 s14, $0x4;
	s16 =	simm.s32 $0x80;
	_ =	swait.ge [sflag:s4], $0xEC00  }
0x4a: {  	s17 =	simm.s32 $0xF3B0;
	s14 =	sadd.s32 s14, s6;
	[sflag:s4] =	ssyncset.done $0x0  }
0x4b: {  	s18 =	sadd.s32 $0x0, s14;
	s15 =	simm.s32 $0xEFB0;
	[sflag:s4] =	ssyncadd.s32 $0xFFFF1400  }
.LBB2_6:
0x4c: {  	[hbm:s18] =	stream.linear.scatter [tilespmem:s15], [sflag:$0x3], $0x400, $0x38;
	[tilespmem:$0x1DBB0] =	vst v63  }
0x4d: {  	s18 =	smov.u32 s16;
	s15 =	smov.u32 s17;
	p0 =	seq.s32 s16, $0x1D00  }
.Ltmp4:
0x4e: {  	s16 =	sadd.s32 $0x80, s16;
	(pc) =	sbr.rel @!p0 .LBB2_6-.Ltmp4, $2  }
0x4f: {  	_ =	sdelay $0x2  }
0x50: {  	s17 =	sadd.s32 $0x400, s17;
	s18 =	sadd.s32 s18, s14  }
.Ltmp5:
0x51: {  	(pc) =	sbr.rel .LBB2_8-.Ltmp5, $2  }
0x52: {  	_ =	sdelay $0x2  }
0x53: {  	[hbm:s18] =	stream.linear.scatter [tilespmem:s15], [sflag:$0x3], $0x400, $0x38;
	[tilespmem:$0x1DBB0] =	vst v63  }
.LBB2_9:
0x54: {  	s2 =	simm.s32 $0x3  }
0x55: {  	_ =	swait.ge [sflag:s2], $0xEC00  }
0x56: {  	[sflag:s2] =	ssyncset.done $0x0  }
0x57: {  	[sflag:s2] =	ssyncadd.s32 $0xFFFF1400  }
0x58: {  	_ =	sfence.sel $0x180000  }
0x59: {  	s3 =	simm.s32 $0x2;
	[bflag:$0x0] =	sbarrier.arrive $0xFFFF  }
0x5a: {  	[sflag:s3] =	ssyncpa.u1 $0x1  }
0x5b: {  	s31 =	simm.s32 $0x1;
	[sflag:s2] =	ssyncpa.u1 $0x1  }
0x5c: {  	[sflag:s31] =	ssyncpa.u1 $0x1  }
0x5d: {  	p0 =	sne.s32 s1, $0x0;
	_ =	strace $0x9000004D  }
0x5e: {  	s0 =	sadd.s32 @!p0 $0x100000, s0;
	[bflag:$0x2] =	sbarrier.arrive $0xFFFF  }
0x5f: {  	[sflag:s0] =	ssyncadd.tile.s32 @!p0 $0x1;
	_ =	shalt  }
.Lfunc_end2:
_tile_overlayer_lowered:
.L_overlay_start_2:
0x60: {  	(tag) =	ssettag $0x2  }
0x61: {  	s0 =	rddreg [dreg:$0x0];
	s2 =	stileid.u32  }
0x62: {  	s1 =	rddreg [dreg:$0x1];
	p0 =	sne.s32 s2, $0x0  }
0x63: {  	s3 =	rddreg [dreg:$0x2];
	[bflag:$0x3] =	sbarrier.arrive $0xFFFF;
	s2 =	simm.s32 @!p0 $0x1C01  }
0x64: {  	[timem:s3], [sflag:s2] =	dma.local @!p0 [hbm:s0], s1  }
0x65: {  	s0 =	simm.s32 @!p0 $0x1  }
0x66: {  	_ =	swait.ge @!p0 [sflag:s0], s1  }
0x67: {  	s1 =	ssub.s32 @!p0 $0x0, s1;
	[sflag:s0] =	ssyncset.done @!p0 $0x0  }
0x68: {  	[sflag:s0] =	ssyncadd.s32 @!p0 s1  }
0x69: {  	[bflag:$0x3] =	sbarrier.arrive $0xFFFF  }
0x6a: {  	_ =	shalt  }

// kernel: sparse-core-data-format-call.1.cloned.1.call-start
scs
called_computation.1_lowered:
.L_overlay_start_0:
0x0: {  	s1 =	sld [smem:$0x3FD9]  }
0x1: {  	s2 =	sld [smem:$0x3FFE];
	_ =	sdelay $0x1  }
0x2: {  	s3 =	srdreg.scid  }
0x3: {  	s0 =	sand.u32 $0x1, s3  }
0x4: {  	s17 =	sshll.u32 s0, $0xA;
	s1 =	sadd.s32 s2, s1  }
0x5: {  	s1 =	sadd.s32 s1, s17  }
0x6: {  	[smem:$0x3FBC] =	sst s1  }
0x7: {  	_ = 	snop  }
0x8: {  	(tm) =	ssettm $0x1  }
0x9: {  	s18 =	sld [smem:$0x3FFB];
	_ =	sdelay $0x3  }
0xa: {  	_ =	strace s18  }
0xb: {  	s1 =	sld [smem:$0x3FFC];
	_ =	sdelay $0x3  }
0xc: {  	_ =	strace s1  }
0xd: {  	s1 =	sld [smem:$0x3FFD];
	_ =	sdelay $0x3  }
0xe: {  	_ =	strace s1  }
0xf: {  	_ =	strace $0x8FFFFFFF  }
0x10: {  	s19 =	sld [smem:$0x3FDB];
	_ =	sdelay $0x1  }
0x11: {  	s20 =	simm.s32 $_scs_section_size  }
0x12: {  	s4 =	simm.s32 $_size__tile_overlayer_lowered;
	s5 =	simm.s32 $_tile_overlayer_lowered  }
0x13: {  	s23 =	simm.s32 $0x1BFF;
	s22 =	sshll.u32 s5, $0x1;
	s1 =	sadd.s32 s20, s19  }
0x14: {  	s6 =	simm.s32 $0x0;
	s21 =	sshll.u32 s4, $0x1;
	s4 =	sadd.s32 s22, s1  }
0x15: {  	[timem:s6], [sflag:s23] =	dma.local [hbm:s4], s21  }
0x16: {  	_ =	swait.ge [sflag:s23], s21  }
0x17: {  	s2 =	ssub.s32 $0x0, s21;
	[sflag:s23] =	ssyncset.done $0x0  }
0x18: {  	[sflag:s23] =	ssyncadd.s32 s2;
	_ =	sdelay $0x1  }
0x19: {  	s24 =	simm.s32 $0x1B8B  }
0x1a: {  	_ =	swait.ge [sflag:s24], $0x1  }
0x1b: {  	[sflag:s24] =	ssyncset.done $0x0  }
0x1c: {  	s26 =	simm.s32 $0x1B8E;
	s25 =	sld [smem:$0x3FFE];
	[sflag:s24] =	ssyncadd.s32 $0xFFFFFFFF  }
0x1d: {  	s27 =	simm.s32 $execute0_lowered;
	[smem:$0x3FD2] =	sst s26  }
0x1e: {  	s4 =	sshll.u32 s27, $0x1;
	_ =	strace $0x80000058;
	[dreg:$0x1] =	wrdreg $0xFFFFFFFF  }
0x1f: {  	s28 =	simm.s32 $_size_execute0_lowered;
	s1 =	sadd.s32 s1, s4;
	[dreg:$0x0] =	wrdreg $0x0  }
0x20: {  	s4 =	sshll.u32 s28, $0x1;
	[dreg:$0x2] =	wrdreg s1  }
0x21: {  	[dreg:$0x3] =	wrdreg s4  }
0x22: {  	[dreg:$0x4] =	wrdreg $0xC0  }
0x23: {  	_ =	task [dreg:s6], $0x5FFFF  }
0x24: {  	[dreg:$0x1] =	wrdreg $0xFFFFFFFF  }
0x25: {  	[dreg:$0x0] =	wrdreg $0x60  }
0x26: {  	[dreg:$0x2] =	wrdreg s25  }
0x27: {  	[dreg:$0x3] =	wrdreg $0x9  }
0x28: {  	_ =	task.clear_ibuf [dreg:s6], $0x4FFFF;
	_ =	strace $0x90000058  }
0x29: {  	s29 =	simm.s32 $0x9;
	_ =	strace $0x8000005A  }
0x2a: {  	_ =	swait.ge [sflag:s29], $0x1  }
0x2b: {  	[sflag:s29] =	ssyncadd.s32 $0xFFFFFFFF  }
0x2c: {  	_ =	strace $0x9000005A  }
0x2d: {  	_ =	sfence  }
0x2e: {  	s30 =	sld [smem:$0x0];
	_ =	sdelay $0x2  }
0x2f: {  	s31 =	sshll.u32 s3, $0xD;
	s3 =	sshrl.u32 s3, $0x2  }
0x30: {  	s2 =	sand.u32 $0x4000, s31;
	s1 =	sadd.s32 s3, s30  }
0x31: {  	s0 =	sor.u32 s2, s0;
	s1 =	sshll.u32 s1, $0x11  }
0x32: {  	s0 =	sor.u32 s1, s0  }
0x33: {  	s0 =	sadd.s32 $0x8F2B, s0  }
0x34: {  	[sflag:s0] =	ssyncadd.remote.s32 $0x1  }
0x35: {  	_ =	sfence.sel $0xFFFF  }
0x36: {  	[dreg:$0x0] =	wrdreg $0xFFFFFFFF;
	(pc) =	sbr.abs _section_cstart, $3  }
0x37: {  	[dreg:$0x1] =	wrdreg $0xFFFFFFFF  }
0x38: {  	_ =	task.clear_ibuf [dreg:s6], $0x2FFFF;
	_ =	strace $0x9FFFFFFF  }
0x39: {  	(tm) =	ssettm $0x7FFFFFFF  }
tec
execute0_lowered:
.L_overlay_start_1:
0x0: {  	(tag) =	ssettag $0x1  }
0x1: {  	s0 =	srdreg.scid  }
0x2: {  	s1 =	rddreg [dreg:$0x0];
	s2 =	stileid.u32;
	_ =	strace $0x80000059  }
0x3: {  	s29 =	simm.s32 $0x1;
	s30 =	simm.s32 $0x2;
	s14 =	simm.s32 $0x0  }
0x4: {  	p0 =	por $0x0, $0x0;
	s13 =	simm.s32 $0x0;
	s15 =	simm.s32 $0x0  }
0x5: {  	s9 =	simm.s32 $0x0;
	s10 =	simm.s32 $0x0;
	s0 =	sshll.u32 s0, $0x4  }
0x6: {  	s11 =	simm.s32 $0x0;
	s3 =	sadd.s32 $0x196000, s1;
	s0 =	sand.u32 $0x10, s0  }
.Ltmp0:
0x7: {  	s28 =	sshll.u32 s2, $0x7;
	s0 =	sor.u32 s2, s0;
	(pc) =	sbr.rel .LBB1_1-.Ltmp0, $4  }
0x8: {  	[dreg:$0x2] =	wrdreg s3;
	s6 =	sand.u32 $0x80, s28;
	s5 =	sshrl.u32 s0, $0x1  }
0x9: {  	s8 =	simm.s32 $0x0;
	[dreg:$0x4] =	wrdreg s6;
	s31 =	sshll.u32 s5, $0x4  }
0xa: {  	[sflag:s29] =	ssyncpa.u1 $0x0;
	[dreg:$0x3] =	wrdreg s5;
	s7 =	sadd.s32 s1, s31  }
0xb: {  	[sflag:s30] =	ssyncpa.u1 $0x0;
	s12 =	smov.u32 s6;
	[dreg:$0x5] =	wrdreg s7  }
.LBB1_10:
0xc: {  	p1 =	sgt.s32 s10, $0x80;
	s0 =	smov.u32 s10;
	s3 =	rddreg [dreg:$0x7]  }
0xd: {  	s1 =	sand.u32 $0x1, s8;
	s2 =	sshrl.u32 s10, $0x5;
	s27 =	rddreg [dreg:$0x8]  }
0xe: {  	s26 =	smul.u32 $0xC00, s9;
	s28 =	sshrl.u32 s10, $0x3;
	s5 =	rddreg [dreg:$0x6]  }
0xf: {  	s6 =	rddreg [dreg:$0x2];
	s0 =	simm.s32 @!p1 $0x80;
	s1 =	smul.u32 $0x4080, s1  }
0x10: {  	s2 =	sand.u32 $0xFFFFFC, s2;
	s5 =	smul.u32 $0x15C00, s5;
	s0 =	sadd.s32 s3, s0  }
0x11: {  	s29 =	sand.u32 $0x7, s10;
	s25 =	smulhi.u32 $0x2AAAAAB, s2;
	s4 =	ssub.s32 $0x100, s0  }
0x12: {  	s31 =	simm.s32 $0x800;
	s0 =	sadd.s32 $0xFFFFFF80, s0;
	s4 =	smul.u32 $0x60, s4  }
0x13: {  	s7 =	rddreg [dreg:$0x5];
	s3 =	smul.u32 $0x60, s25;
	p1 =	sgt.s32 s0, $0x7F  }
0x14: {  	s1 =	sor.u32 $0x8000, s1;
	s0 =	sadd.s32 s6, s26;
	s4 =	simm.s32 @p1 $0x0  }
0x15: {  	s2 =	ssub.s32 s2, s3;
	s3 =	smul.u32 s27, s4;
	s4 =	sand.u32 $0xF, s28  }
0x16: {  	s6 =	rddreg [dreg:$0x4];
	s2 =	sshll.u32 s2, $0x5;
	s0 =	sadd.s32 s4, s0  }
0x17: {  	s4 =	sshll.u32 s29, $0x12;
	s3 =	sand.u32 $0x3FFFFFE0, s3;
	s0 =	sadd.s32 s5, s0  }
0x18: {  	s30 =	sor.u32 $0x400, s4;
	s5 =	rddreg [dreg:$0x3];
	s0 =	sadd.s32 s2, s0  }
0x19: {  	[hbm4b:s0+s30] =	stream.strided.scatter [tilespmem:s1], [sflag:$0x2], s3, s31, s30, $0x20;
	[tilespmem:$0x10100] =	vst v63  }
.LBB1_11:
0x1a: {  	p1 =	slt.u32 s8, $0x2  }
0x1b: {  	s1 =	smov.u32 s14;
	s2 =	smov.u32 s13;
	p2 =	sgt.s32 @!p1 s14, $0x1C  }
0x1c: {  	s0 =	sshra.s32 @!p1 s14, $0x1F;
	p3 =	sgt.s32 @!p1 s13, $0x80;
	s3 =	sshra.s32 @!p1 s13, $0x1F  }
0x1d: {  	p2 =	por !p2, p1;
	s0 =	sand.u32 @!p1 s0, s14;
	p3 =	por !p3, p1  }
0x1e: {  	s3 =	sand.u32 @!p1 s3, s13;
	s1 =	simm.s32 @p2 $0x1C;
	s2 =	simm.s32 @p3 $0x80  }
0x1f: {  	s0 =	ssub.s32 @!p1 s1, s0;
	s1 =	ssub.s32 @!p1 s2, s3  }
0x20: {  	s2 =	sadd.s32 @!p1 $0xFFFFFFE4, s0;
	s0 =	ssub.s32 @!p1 $0x1D, s0;
	s3 =	sadd.s32 @!p1 $0xFFFFFF80, s1  }
0x21: {  	p2 =	sgt.s32 @!p1 s2, $0x0;
	s0 =	smul.u32 @!p1 $0x60, s0;
	p3 =	sgt.s32 @!p1 s3, $0x7F  }
0x22: {  	s1 =	ssub.s32 @!p1 $0x100, s1;
	p2 =	por !p2, p1;
	p3 =	por !p3, p1  }
0x23: {  	s0 =	simm.s32 @!p2 $0x0;
	s1 =	simm.s32 @!p3 $0x0  }
0x24: {  	s0 =	smul.u32 @!p1 s1, s0;
	s1 =	sadd.s32 $0x1, s11  }
0x25: {  	s4 =	smov.u32 s12;
	s3 =	sadd.s32 $0x100, s12;
	p2 =	sgt.s32 s1, $0x1C  }
0x26: {  	s4 =	smov.u32 @p2 s3  }
0x27: {  	s8 =	sadd.s32 $0x1, s8;
	s1 =	simm.s32 @p2 $0x0;
	p2 =	sgt.s32 s4, $0xDF  }
0x28: {  	s4 =	smov.u32 @p2 s6;
	p2 =	sne.s32 s8, $0x1F  }
.Ltmp1:
0x29: {  	p0 =	por !p0, !p0;
	s15 =	smov.u32 s5;
	(pc) =	sbr.rel @!p2 .LBB1_12-.Ltmp1, $4  }
0x2a: {  	s14 =	smov.u32 s9;
	s2 =	simm.s32 @!p1 $0x2;
	s0 =	sand.u32 @!p1 $0x3FFFFFE0, s0  }
0x2b: {  	s13 =	smov.u32 s10;
	s9 =	smov.u32 s11;
	_ =	swait.ge @!p1 [sflag:s2], s0  }
0x2c: {  	s10 =	smov.u32 s12;
	s0 =	ssub.s32 @!p1 $0x0, s0;
	[sflag:s2] =	ssyncset.done @!p1 $0x0  }
0x2d: {  	s11 =	smov.u32 s1;
	[sflag:s2] =	ssyncadd.s32 @!p1 s0;
	s12 =	smov.u32 s4  }
.LBB1_1:
0x2e: {  	p1 =	sgt.u32 s8, $0x1C  }
0x2f: {  	p2 =	sgt.s32 @!p1 s12, $0x60  }
0x30: {  	s0 =	smov.u32 s12;
	s2 =	smov.u32 s11;
	p2 =	por !p2, p1  }
0x31: {  	s1 =	sshra.s32 @!p1 s12, $0x1F;
	s0 =	simm.s32 @p2 $0x60;
	p2 =	sgt.s32 @!p1 s11, $0x1C  }
0x32: {  	s3 =	sshra.s32 @!p1 s11, $0x1F;
	s1 =	sand.u32 @!p1 s1, s12;
	p2 =	por !p2, p1  }
0x33: {  	s0 =	ssub.s32 @!p1 s0, s1;
	s1 =	sand.u32 @!p1 s3, s11;
	s2 =	simm.s32 @p2 $0x1C  }
0x34: {  	s0 =	sadd.s32 @!p1 $0xFFFFFFA0, s0;
	s1 =	ssub.s32 @!p1 s2, s1  }
0x35: {  	p2 =	sgt.s32 @!p1 s0, $0x7F;
	s2 =	sadd.s32 @!p1 $0xFFFFFFE4, s1  }
0x36: {  	s0 =	sshll.u32 @!p1 s0, $0x7;
	s1 =	ssub.s32 @!p1 $0x1D, s1;
	p3 =	sgt.s32 @!p1 s2, $0x0  }
0x37: {  	s0 =	ssub.s32 @!p1 $0x4000, s0;
	p2 =	por !p2, p1;
	p3 =	por !p3, p1  }
0x38: {  	s0 =	simm.s32 @!p2 $0x0;
	s1 =	simm.s32 @!p3 $0x0  }
0x39: {  	s2 =	sxor.u32 @!p1 $0xFFFFFFFF, s8;
	s0 =	smul.u32 @!p1 s1, s0  }
0x3a: {  	s1 =	sshll.u32 @!p1 s2, $0xE;
	s2 =	smul.u32 @!p1 $0x1D00, s12  }
0x3b: {  	s4 =	simm.s32 @!p1 $0xE800  }
0x3c: {  	s3 =	sshll.u32 @!p1 s11, $0x8;
	s1 =	sand.u32 @!p1 $0x4000, s1;
	s2 =	sadd.s32 @!p1 s2, s7  }
0x3d: {  	s0 =	sand.u32 @!p1 $0x3FFFFF80, s0;
	s2 =	sadd.s32 @!p1 s3, s2;
	s3 =	simm.s32 @!p1 $0x80  }
0x3e: {  	[tilespmem:s1], [sflag:$0x1] =	stream.strided.gather @!p1 [hbm4b:s2+s3], s0, s4, s3, $0x38;
	[tilespmem:$0x10100] =	vst v63  }
0x3f: {  	p1 =	seq.s32 s8, $0x0  }
0x40: {  	p2 =	seq.s32 @!p1 s8, $0x1E  }
0x41: {  	p1 =	por p1, p2  }
.Ltmp2:
0x42: {  	_ = 	snop;
	(pc) =	sbr.rel @p1 .LBB1_11-.Ltmp2, $1  }
0x43: {  	_ =	sdelay $0x3  }
0x44: {  	s0 =	ssub.s32 $0x0, s10;
	s1 =	sshra.s32 s10, $0x1F  }
0x45: {  	p1 =	sgt.s32 s10, $0x60;
	s3 =	sand.u32 s0, s1;
	s0 =	smov.u32 s10  }
0x46: {  	s2 =	sshra.s32 s9, $0x1F;
	s0 =	simm.s32 @!p1 $0x60  }
0x47: {  	s1 =	smov.u32 s9;
	p1 =	sgt.s32 s9, $0x1C;
	s0 =	sadd.s32 s3, s0  }
0x48: {  	s2 =	sand.u32 s2, s9;
	s1 =	simm.s32 @!p1 $0x1C;
	s0 =	sadd.s32 $0xFFFFFFA0, s0  }
0x49: {  	[dreg:$0x7] =	wrdreg s3;
	s1 =	ssub.s32 s1, s2;
	p1 =	sgt.s32 s0, $0x7F  }
0x4a: {  	s2 =	sadd.s32 $0xFFFFFFE4, s1;
	s3 =	ssub.s32 $0x1D, s1;
	s0 =	sshll.u32 s0, $0x7  }
0x4b: {  	s1 =	sadd.s32 $0x80, s10;
	p2 =	sgt.s32 s2, $0x0;
	s0 =	ssub.s32 $0x4000, s0  }
0x4c: {  	s2 =	sadd.s32 $0x1, s9;
	s0 =	simm.s32 @p1 $0x0;
	p1 =	slt.s32 s1, $0xE0  }
0x4d: {  	s1 =	simm.s32 @!p1 $0xE0;
	p1 =	slt.s32 s2, $0x1D  }
0x4e: {  	s18 =	ssub.s32 s1, s10;
	s2 =	simm.s32 @!p1 $0x1D  }
0x4f: {  	s19 =	ssub.s32 s2, s9;
	p1 =	slt.s32 s18, $0x1  }
0x50: {  	s3 =	simm.s32 @p2 $0x0;
	p2 =	slt.s32 @!p1 s19, $0x1  }
0x51: {  	s0 =	smul.u32 s3, s0;
	p1 =	por p1, p2  }
.Ltmp3:
0x52: {  	[dreg:$0x6] =	wrdreg s15;
	(pc) =	sbr.rel @p1 .LBB1_10-.Ltmp3, $4  }
0x53: {  	s31 =	simm.s32 $0x1;
	[dreg:$0x8] =	wrdreg s3;
	s0 =	sand.u32 $0x3FFFFF80, s0  }
0x54: {  	_ =	swait.ge [sflag:s31], s0  }
0x55: {  	s0 =	ssub.s32 $0x0, s0;
	[sflag:s31] =	ssyncset.done $0x0  }
0x56: {  	[sflag:s31] =	ssyncadd.s32 s0  }
0x57: {  	s0 =	simm.s32 $0x1  }
0x58: {  	s0 =	simm.s32 @!p0 $0x0  }
0x59: {  	s22 =	simm.s32 $0x0;
	s23 =	simm.s32 $0x800;
	s1 =	smul.u32 $0x10200, s0  }
0x5a: {  	s24 =	simm.s32 $0x1000;
	s25 =	simm.s32 $0x1800;
	s26 =	simm.s32 $0x2800  }
0x5b: {  	s27 =	simm.s32 $0x0;
	s0 =	sshll.u32 s0, $0xE;
	s1 =	sshrl.u32 s1, $0x2  }
0x5c: {  	s28 =	simm.s32 $0x0;
	s20 =	sor.u32 $0x30, s0;
	s21 =	sor.u32 $0x8000, s1  }
.LBB1_4:
0x5d: {  	s0 =	sshrl.u32 s22, $0xA;
	s1 =	sand.u32 $0x7F, s27;
	v5 =	vld [tilespmem:s20+$0x20]  }
0x5e: {  	s2 =	sshrl.u32 s23, $0xA;
	s3 =	sshrl.u32 s24, $0xA;
	s17 =	sshrl.u32 s25, $0xA;
	v0 =	vld [tilespmem:s20+$0xFFFFFFE0]  }
0x5f: {  	s5 =	sshrl.u32 s26, $0xA;
	s6 =	sshrl.u32 s28, $0x4;
	v4 =	vld [tilespmem:s20+$0xFFFFFFF0];
	s0 =	sand.u32 $0xF, s0  }
0x60: {  	v1 =	vld [tilespmem:s20+$0x0];
	p2 =	sne.s32 s19, $0x1;
	s2 =	sand.u32 $0xF, s2;
	s0 =	smul.u32 $0x1020, s0  }
0x61: {  	v2 =	vld [tilespmem:s20+$0x10];
	s4 =	sshll.u32 s1, $0x2;
	s16 =	sand.u32 $0xF, s3;
	s1 =	smul.u32 $0x1020, s2  }
0x62: {  	v3 =	vld [tilespmem:s20+$0xFFFFFFD0];
	s20 =	sadd.s32 $0x80, s20;
	s3 =	sand.u32 $0xF, s17;
	s2 =	smul.u32 $0x1020, s16  }
0x63: {  	s5 =	sand.u32 $0xF, s5;
	s7 =	sand.u32 $0x78, s6;
	s3 =	smul.u32 $0x1020, s3  }
0x64: {  	p1 =	por $0x0, $0x0;
	s29 =	smul.u32 $0x1020, s5;
	s15 =	sxor.u32 $0x40, s7  }
0x65: {  	s5 =	smul.u32 $0x204, s15;
	s0 =	sshrl.u32 s0, $0x2;
	s1 =	sshrl.u32 s1, $0x2  }
.Ltmp4:
0x66: {  	s2 =	sshrl.u32 s2, $0x2;
	s16 =	sshrl.u32 s3, $0x2;
	(pc) =	sbr.rel @!p2 .LBB1_5-.Ltmp4, $4  }
0x67: {  	s6 =	sadd.s32 s0, s21;
	s1 =	sadd.s32 s1, s21;
	s0 =	sshrl.u32 s29, $0x2  }
0x68: {  	s31 =	sadd.s32 s2, s21;
	s2 =	sadd.s32 s0, s21;
	s0 =	sshrl.u32 s4, $0x2  }
0x69: {  	s30 =	sadd.s32 s16, s21;
	s17 =	sshrl.u32 s5, $0x2;
	s29 =	sadd.s32 s0, s2  }
0x6a: {  	s3 =	sadd.s32 s17, s21;
	s4 =	sadd.s32 $0xFFFFFFFF, s19;
	s16 =	sadd.s32 s0, s1;
	[tilespmem:s29+$0x0 ss:$0x81] =	vst.msk $0xffff, v5  }
0x6b: {  	v5 =	vld [tilespmem:s20+$0x20];
	[tilespmem:s16+$0x0 ss:$0x81] =	vst.msk $0xffff, v0;
	s5 =	sadd.s32 s0, s31;
	p2 =	sne.s32 s4, $0x1  }
.Ltmp5:
0x6c: {  	v0 =	vld [tilespmem:s20+$0xFFFFFFE0];
	s17 =	sadd.s32 s0, s30;
	s7 =	sadd.s32 $0xFFFFFFFF, s4;
	[tilespmem:s5+$0x0 ss:$0x81] =	vst.msk $0xffff, v4;
	(pc) =	sbr.rel @!p2 .LBB1_7-.Ltmp5, $4  }
0x6d: {  	s15 =	sadd.s32 s0, s3;
	s16 =	sadd.s32 s0, s6;
	s2 =	sadd.s32 $0x4080, s2;
	v4 =	vld [tilespmem:s20+$0xFFFFFFF0];
	[tilespmem:s17+$0x0 ss:$0x81] =	vst.msk $0xffff, v1  }
0x6e: {  	s4 =	sadd.s32 $0x4080, s1;
	s31 =	sadd.s32 $0x4080, s31;
	s30 =	sadd.s32 $0x4080, s30;
	v1 =	vld [tilespmem:s20+$0x0];
	[tilespmem:s15+$0x0 ss:$0x81] =	vst.msk $0xffff, v2  }
0x6f: {  	p1 =	por $0x1, $0x1;
	s1 =	smov.u32 s3;
	v2 =	vld [tilespmem:s20+$0x10];
	s17 =	sadd.s32 s0, s2;
	[tilespmem:s16+$0x0 ss:$0x81] =	vst.msk $0xffff, v3  }
0x70: {  	s29 =	smov.u32 s6;
	s16 =	sadd.s32 s0, s4;
	v3 =	vld [tilespmem:s20+$0xFFFFFFD0];
	s5 =	sadd.s32 $0x80, s20;
	[tilespmem:s17+$0x0 ss:$0x81] =	vst.msk $0xffff, v5  }
.LBB1_8:
0x71: {  	v5 =	vld [tilespmem:s5+$0x20];
	p2 =	sne.s32 s7, $0x1;
	s7 =	sadd.s32 $0xFFFFFFFF, s7;
	[tilespmem:s16+$0x0 ss:$0x81] =	vst.msk $0xffff, v0;
	s16 =	sadd.s32 s0, s31  }
.Ltmp6:
0x72: {  	s1 =	sadd.s32 $0x4080, s1;
	v0 =	vld [tilespmem:s5+$0xFFFFFFE0];
	[tilespmem:s16+$0x0 ss:$0x81] =	vst.msk $0xffff, v4;
	s16 =	sadd.s32 s0, s30;
	(pc) =	sbr.rel @p2 .LBB1_8-.Ltmp6, $4  }
0x73: {  	s29 =	sadd.s32 $0x4080, s29;
	v4 =	vld [tilespmem:s5+$0xFFFFFFF0];
	[tilespmem:s16+$0x0 ss:$0x81] =	vst.msk $0xffff, v1;
	s16 =	sadd.s32 s0, s1  }
0x74: {  	s2 =	sadd.s32 $0x4080, s2;
	s17 =	sadd.s32 s0, s29;
	v1 =	vld [tilespmem:s5+$0x0];
	[tilespmem:s16+$0x0 ss:$0x81] =	vst.msk $0xffff, v2  }
0x75: {  	s4 =	sadd.s32 $0x4080, s4;
	s31 =	sadd.s32 $0x4080, s31;
	s15 =	sadd.s32 s0, s2;
	v2 =	vld [tilespmem:s5+$0x10];
	[tilespmem:s17+$0x0 ss:$0x81] =	vst.msk $0xffff, v3  }
0x76: {  	s30 =	sadd.s32 $0x4080, s30;
	s16 =	sadd.s32 s0, s4;
	v3 =	vld [tilespmem:s5+$0xFFFFFFD0];
	[tilespmem:s15+$0x0 ss:$0x81] =	vst.msk $0xffff, v5;
	s5 =	sadd.s32 $0x80, s5  }
.LBB1_9:
0x77: {  	s1 =	sadd.s32 @p1 $0x4080, s1  }
0x78: {  	s28 =	sadd.s32 $0x1, s28;
	s3 =	smov.u32 @p1 s1;
	s1 =	sadd.s32 @p1 $0x4080, s29  }
0x79: {  	s6 =	smov.u32 @p1 s1;
	p1 =	sne.s32 s28, s18  }
.Ltmp7:
0x7a: {  	[tilespmem:s16+$0x0 ss:$0x81] =	vst.msk $0xffff, v0;
	s2 =	sadd.s32 s0, s31;
	(pc) =	sbr.rel @p1 .LBB1_4-.Ltmp7, $4  }
.Ltmp8:
0x7b: {  	s30 =	sadd.s32 s0, s30;
	[tilespmem:s2+$0x0 ss:$0x81] =	vst.msk $0xffff, v4;
	(pc) =	sbr.rel @!p1 .LBB1_10-.Ltmp8, $4  }
0x7c: {  	s27 =	sadd.s32 $0x1, s27;
	s3 =	sadd.s32 s0, s3;
	[tilespmem:s30+$0x0 ss:$0x81] =	vst.msk $0xffff, v1  }
0x7d: {  	s22 =	sadd.s32 $0x8, s22;
	s23 =	sadd.s32 $0x8, s23;
	s31 =	sadd.s32 s0, s6;
	[tilespmem:s3+$0x0 ss:$0x81] =	vst.msk $0xffff, v2  }
0x7e: {  	s24 =	sadd.s32 $0x8, s24;
	s25 =	sadd.s32 $0x8, s25;
	s26 =	sadd.s32 $0x8, s26;
	[tilespmem:s31+$0x0 ss:$0x81] =	vst.msk $0xffff, v3  }
0x7f: {  	_ = 	snop  }
.LBB1_5:
.Ltmp9:
0x80: {  	(pc) =	sbr.rel .LBB1_9-.Ltmp9, $2  }
0x81: {  	_ =	sdelay $0x2  }
0x82: {  	s1 =	smov.u32 s3;
	s29 =	smov.u32 s6  }
.LBB1_7:
.Ltmp10:
0x83: {  	(pc) =	sbr.rel .LBB1_9-.Ltmp10, $2  }
0x84: {  	_ =	sdelay $0x2  }
0x85: {  	s1 =	smov.u32 s3;
	s29 =	smov.u32 s6  }
.LBB1_12:
0x86: {  	_ =	sfence.sel $0x180000  }
0x87: {  	s0 =	simm.s32 $0x1;
	[bflag:$0x0] =	sbarrier.arrive $0xFFFF  }
0x88: {  	s30 =	simm.s32 $0x2;
	[sflag:s0] =	ssyncpa.u1 $0x1  }
0x89: {  	[sflag:s30] =	ssyncpa.u1 $0x1  }
0x8a: {  	_ =	strace $0x90000059  }
0x8b: {  	s31 =	stileid.u32;
	[bflag:$0x2] =	sbarrier.arrive $0xFFFF  }
0x8c: {  	p0 =	sne.s32 s31, $0x0;
	s0 =	rddreg [dreg:$0x1]  }
0x8d: {  	s0 =	sadd.s32 @!p0 $0x100000, s0  }
0x8e: {  	[sflag:s0] =	ssyncadd.tile.s32 @!p0 $0x1;
	_ =	shalt  }
.Lfunc_end1:
_tile_overlayer_lowered:
.L_overlay_start_2:
0x8f: {  	(tag) =	ssettag $0x2  }
0x90: {  	s0 =	rddreg [dreg:$0x0];
	s2 =	stileid.u32  }
0x91: {  	s1 =	rddreg [dreg:$0x1];
	p0 =	sne.s32 s2, $0x0  }
0x92: {  	s3 =	rddreg [dreg:$0x2];
	[bflag:$0x3] =	sbarrier.arrive $0xFFFF;
	s2 =	simm.s32 @!p0 $0x1C01  }
0x93: {  	[timem:s3], [sflag:s2] =	dma.local @!p0 [hbm:s0], s1  }
0x94: {  	s0 =	simm.s32 @!p0 $0x1  }
0x95: {  	_ =	swait.ge @!p0 [sflag:s0], s1  }
0x96: {  	s1 =	ssub.s32 @!p0 $0x0, s1;
	[sflag:s0] =	ssyncset.done @!p0 $0x0  }
0x97: {  	[sflag:s0] =	ssyncadd.s32 @!p0 s1  }
0x98: {  	[bflag:$0x3] =	sbarrier.arrive $0xFFFF  }
0x99: {  	_ =	shalt  }

// kernel: sparse-core-data-format-call.2.cloned.1.call-start
scs
called_computation.2_lowered:
.L_overlay_start_0:
0x0: {  	s2 =	sld [smem:$0x3FD9]  }
0x1: {  	s3 =	sld [smem:$0x3FFE];
	_ =	sdelay $0x1  }
0x2: {  	s1 =	srdreg.scid  }
0x3: {  	s0 =	sand.u32 $0x1, s1  }
0x4: {  	s18 =	sshll.u32 s0, $0xA;
	s2 =	sadd.s32 s3, s2  }
0x5: {  	s2 =	sadd.s32 s2, s18  }
0x6: {  	[smem:$0x3FBC] =	sst s2  }
0x7: {  	_ = 	snop  }
0x8: {  	s2 =	sld [smem:$0x3FD0];
	(tm) =	ssettm $0x1  }
0x9: {  	s19 =	sld [smem:$0x3FFB];
	_ =	sdelay $0x3  }
0xa: {  	_ =	strace s19  }
0xb: {  	s3 =	sld [smem:$0x3FFC];
	_ =	sdelay $0x3  }
0xc: {  	_ =	strace s3  }
0xd: {  	s3 =	sld [smem:$0x3FFD];
	_ =	sdelay $0x3  }
0xe: {  	_ =	strace s3  }
0xf: {  	_ =	strace $0x8FFFFFFF  }
0x10: {  	s20 =	sld [smem:$0x3FDB];
	_ =	sdelay $0x1  }
0x11: {  	s4 =	simm.s32 $_scs_section_size  }
0x12: {  	s5 =	simm.s32 $_size__tile_overlayer_lowered;
	s6 =	simm.s32 $_tile_overlayer_lowered  }
0x13: {  	s23 =	simm.s32 $0x1BFF;
	s22 =	sshll.u32 s6, $0x1;
	s3 =	sadd.s32 s4, s20  }
0x14: {  	s7 =	simm.s32 $0x0;
	s21 =	sshll.u32 s5, $0x1;
	s5 =	sadd.s32 s22, s3  }
0x15: {  	[timem:s7], [sflag:s23] =	dma.local [hbm:s5], s21  }
0x16: {  	_ =	swait.ge [sflag:s23], s21  }
0x17: {  	s4 =	ssub.s32 $0x0, s21;
	[sflag:s23] =	ssyncset.done $0x0  }
0x18: {  	[sflag:s23] =	ssyncadd.s32 s4;
	_ =	sdelay $0x1  }
0x19: {  	s24 =	simm.s32 $0x1B8B  }
0x1a: {  	_ =	swait.ge [sflag:s24], $0x1  }
0x1b: {  	[sflag:s24] =	ssyncset.done $0x0  }
0x1c: {  	s26 =	simm.s32 $0x1B8E;
	s25 =	sld [smem:$0x3FFE];
	[sflag:s24] =	ssyncadd.s32 $0xFFFFFFFF  }
0x1d: {  	s27 =	simm.s32 $execute0_lowered;
	[smem:$0x3FD2] =	sst s26  }
0x1e: {  	s5 =	sshll.u32 s27, $0x1;
	_ =	strace $0x80000052;
	[dreg:$0x1] =	wrdreg $0xFFFFFFFF  }
0x1f: {  	s28 =	simm.s32 $_size_execute0_lowered;
	s3 =	sadd.s32 s3, s5;
	[dreg:$0x0] =	wrdreg $0x0  }
0x20: {  	s5 =	sshll.u32 s28, $0x1;
	[dreg:$0x2] =	wrdreg s3  }
0x21: {  	[dreg:$0x3] =	wrdreg s5  }
0x22: {  	[dreg:$0x4] =	wrdreg $0xC0  }
0x23: {  	_ =	task [dreg:s7], $0x5FFFF  }
0x24: {  	[dreg:$0x1] =	wrdreg $0xFFFFFFFF  }
0x25: {  	[dreg:$0x0] =	wrdreg $0x60  }
0x26: {  	[dreg:$0x2] =	wrdreg s25  }
0x27: {  	[dreg:$0x3] =	wrdreg s2  }
0x28: {  	[dreg:$0x4] =	wrdreg $0x9  }
0x29: {  	_ =	task.clear_ibuf [dreg:s7], $0x5FFFF;
	_ =	strace $0x90000052  }
0x2a: {  	s29 =	simm.s32 $0x9;
	_ =	strace $0x80000054  }
0x2b: {  	_ =	swait.ge [sflag:s29], $0x1  }
0x2c: {  	[sflag:s29] =	ssyncadd.s32 $0xFFFFFFFF  }
0x2d: {  	_ =	strace $0x90000054  }
0x2e: {  	_ =	sfence  }
0x2f: {  	s30 =	sld [smem:$0x0];
	_ =	sdelay $0x2  }
0x30: {  	s31 =	sshll.u32 s1, $0xD;
	s1 =	sshrl.u32 s1, $0x2  }
0x31: {  	s3 =	sand.u32 $0x4000, s31;
	s1 =	sadd.s32 s1, s30  }
0x32: {  	s0 =	sor.u32 s3, s0;
	s1 =	sshll.u32 s1, $0x11  }
0x33: {  	s0 =	sor.u32 s1, s0  }
0x34: {  	s0 =	sadd.s32 $0x8F2B, s0  }
0x35: {  	[sflag:s0] =	ssyncadd.remote.s32 $0x1  }
0x36: {  	_ =	sfence.sel $0xFFFF  }
0x37: {  	[dreg:$0x0] =	wrdreg $0xFFFFFFFF;
	(pc) =	sbr.abs _section_cstart, $3  }
0x38: {  	[dreg:$0x1] =	wrdreg $0xFFFFFFFF  }
0x39: {  	_ =	task.clear_ibuf [dreg:s7], $0x2FFFF;
	_ =	strace $0x9FFFFFFF  }
0x3a: {  	(tm) =	ssettm $0x7FFFFFFF  }
0x3b: {  	_ =	shalt  }
tec
execute0_lowered:
.L_overlay_start_1:
0x0: {  	(tag) =	ssettag $0x1  }
0x1: {  	s0 =	stileid.u32  }
0x2: {  	s1 =	srdreg.scid;
	s7 =	rddreg [dreg:$0x0]  }
0x3: {  	s4 =	rddreg [dreg:$0x1];
	s31 =	simm.s32 $0x2;
	s15 =	simm.s32 $0x0  }
0x4: {  	s16 =	simm.s32 $0x0;
	s2 =	sshll.u32 s0, $0x6;
	s1 =	sshll.u32 s1, $0xA  }
0x5: {  	s10 =	simm.s32 $0x0;
	s1 =	sor.u32 s2, s1;
	s2 =	sand.u32 $0x1, s0  }
0x6: {  	s11 =	simm.s32 $0x0;
	s1 =	sand.u32 $0x780, s1;
	s5 =	ssub.s32 $0x2, s2  }
0x7: {  	s14 =	simm.s32 $0x0;
	s3 =	ssub.s32 $0xC400, s1;
	s8 =	sshrl.u32 s5, $0x1  }
0x8: {  	s5 =	sand.u32 $0x1, s5;
	s6 =	sand.u32 $0x780, s3;
	s9 =	sshrl.u32 s3, $0xB  }
0x9: {  	s3 =	rddreg [dreg:$0x2];
	p0 =	sne.s32 s6, $0x0;
	s6 =	simm.s32 $0x1  }
.Ltmp0:
0xa: {  	s8 =	sadd.s32 s5, s8;
	s6 =	simm.s32 @!p0 $0x0;
	(pc) =	sbr.rel .LBB1_1-.Ltmp0, $4  }
0xb: {  	_ =	strace $0x80000053;
	s5 =	simm.s32 $0x1;
	s6 =	sadd.s32 s6, s9  }
0xc: {  	s7 =	sadd.s32 $0x310000, s7;
	[sflag:s5] =	ssyncpa.u1 $0x0;
	s6 =	smul.u32 s8, s6  }
0xd: {  	s13 =	smov.u32 s2;
	s12 =	smov.u32 s1;
	[sflag:s31] =	ssyncpa.u1 $0x0  }
0xe: {  	p0 =	por $0x0, $0x0;
	s9 =	simm.s32 $0x18800;
	s8 =	sadd.s32 $0x1, s6  }
.LBB1_4:
0xf: {  	s22 =	sshrl.u32 s11, $0x1;
	s23 =	sshll.u32 s10, $0x1;
	s24 =	sshll.u32 s11, $0x7  }
0x10: {  	s25 =	sand.u32 $0x7F, s10;
	s21 =	sshra.s32 s21, $0x2;
	p1 =	sgt.s32 s11, $0x1  }
0x11: {  	s31 =	sshra.s32 s11, $0x1F;
	s26 =	smov.u32 s10;
	s27 =	sshra.s32 s10, $0x1F  }
0x12: {  	s22 =	smul.u32 $0x18800, s22;
	s23 =	sand.u32 $0xFFFFFF00, s23;
	s24 =	sand.u32 $0x80, s24  }
0x13: {  	s20 =	sadd.s32 s21, s20;
	s27 =	sand.u32 s27, s10;
	s29 =	sor.u32 s25, s24  }
0x14: {  	v5 =	vld [tilespmem:s18+$0xFFFFFFD0];
	[tilespmem:s19+$0x2040 ss:$0x81] =	vst.msk $0xffff, v4;
	s25 =	sand.u32 s31, s11;
	s22 =	sadd.s32 s22, s23;
	s23 =	smov.u32 s11  }
0x15: {  	v58 =	vld [tilespmem:s18+$0xFFFFFFE0];
	[tilespmem:s19+$0x2850 ss:$0x81] =	vst.msk $0xffff, v3;
	s25 =	sxor.u32 $0xFFFFFFFF, s25;
	s23 =	simm.s32 @!p1 $0x1;
	p1 =	sgt.s32 s10, $0xC380  }
0x16: {  	v59 =	vld [tilespmem:s18+$0xFFFFFFF0];
	[tilespmem:s19+$0x3060 ss:$0x81] =	vst.msk $0xffff, v2;
	s21 =	sor.u32 s22, s29;
	s22 =	smulhi.u32 $0x5397829D, s22;
	s26 =	simm.s32 @!p1 $0xC380  }
0x17: {  	[tilespmem:s19+$0x0 ss:$0x81] =	vst.msk $0xffff, v1;
	v60 =	vld [tilespmem:s18+$0x0];
	s30 =	smulhi.u32 $0x5397829D, s21;
	s25 =	sadd.s32 s25, s23;
	s27 =	ssub.s32 s26, s27  }
0x18: {  	v61 =	vld [tilespmem:s18+$0x10];
	[tilespmem:s20+$0x3870 ss:$0x81] =	vst.msk $0xffff, v0;
	p1 =	sgt.s32 s25, $0x0;
	s19 =	ssub.s32 $0x1, s25;
	s22 =	sshrl.u32 s22, $0xE  }
0x19: {  	v62 =	vld [tilespmem:s18+$0x20];
	[tilespmem:s20+$0x810 ss:$0x81] =	vst.msk $0xffff, v5;
	s28 =	sadd.s32 $0xFFFF3C80, s27;
	s24 =	sshrl.u32 s30, $0xE;
	s19 =	smul.u32 $0x60, s19  }
0x1a: {  	v63 =	vld [tilespmem:s18+$0xFFFFFFC0];
	[tilespmem:s20+$0x1020 ss:$0x81] =	vst.msk $0xffff, v58;
	s23 =	ssub.s32 $0xC400, s27;
	p2 =	sgt.s32 s28, $0x7F;
	s29 =	smul.u32 $0xC400, s24  }
0x1b: {  	[tilespmem:s20+$0x1830 ss:$0x81] =	vst.msk $0xffff, v59;
	s22 =	sand.u32 $0x1, s22;
	s19 =	simm.s32 @p1 $0x0;
	s23 =	simm.s32 @p2 $0x0  }
0x1c: {  	[tilespmem:s20+$0x2040 ss:$0x81] =	vst.msk $0xffff, v60;
	p1 =	seq.s32 s22, $0x1;
	s18 =	ssub.s32 s21, s29;
	s19 =	smul.u32 s19, s23  }
0x1d: {  	[tilespmem:s20+$0x2850 ss:$0x81] =	vst.msk $0xffff, v61;
	s21 =	simm.s32 $0x1880;
	s30 =	sshrl.u32 s18, $0x3;
	s18 =	sand.u32 $0x7, s18  }
0x1e: {  	[tilespmem:s20+$0x3060 ss:$0x81] =	vst.msk $0xffff, v62;
	s21 =	simm.s32 @!p1 $0x0;
	s22 =	sadd.s32 s4, s30;
	s18 =	sshll.u32 s18, $0x12  }
0x1f: {  	[tilespmem:s20+$0x0 ss:$0x81] =	vst.msk $0xffff, v63;
	s19 =	sand.u32 $0x3FFFFFE0, s19;
	s31 =	sadd.s32 s21, s22;
	s18 =	sor.u32 $0x80, s18  }
0x20: {  	[hbm4b:s31+s18] =	stream.strided.scatter [tilespmem:s17], [sflag:$0x2], s19, s9, s18, $0x20;
	[tilespmem:$0x10100] =	vst v63  }
.LBB1_5:
0x21: {  	p1 =	slt.u32 s14, $0x2  }
0x22: {  	p2 =	sgt.s32 @!p1 s16, $0x1  }
0x23: {  	s17 =	smov.u32 s16;
	s18 =	sshra.s32 @!p1 s16, $0x1F;
	p2 =	por !p2, p1  }
0x24: {  	s19 =	sshra.s32 @!p1 s15, $0x1F;
	s17 =	simm.s32 @p2 $0x1;
	p2 =	sgt.s32 @!p1 s15, $0xC380  }
0x25: {  	s16 =	sand.u32 @!p1 s18, s16;
	s18 =	smov.u32 s15;
	p2 =	por !p2, p1  }
0x26: {  	s16 =	sxor.u32 @!p1 $0xFFFFFFFF, s16;
	s15 =	sand.u32 @!p1 s19, s15;
	s18 =	simm.s32 @p2 $0xC380  }
0x27: {  	s16 =	sadd.s32 @!p1 s16, s17;
	s15 =	ssub.s32 @!p1 s18, s15  }
0x28: {  	s19 =	smov.u32 s13;
	s17 =	ssub.s32 @!p1 $0x1, s16;
	s18 =	sadd.s32 @!p1 $0xFFFF3C80, s15  }
0x29: {  	p2 =	sgt.s32 @!p1 s16, $0x0;
	s16 =	smul.u32 @!p1 $0x60, s17;
	p3 =	sgt.s32 @!p1 s18, $0x7F  }
0x2a: {  	p2 =	por !p2, p1;
	s15 =	ssub.s32 @!p1 $0xC400, s15;
	p3 =	por !p3, p1  }
0x2b: {  	s17 =	sadd.s32 $0x800, s12;
	s16 =	simm.s32 @!p2 $0x0;
	s15 =	simm.s32 @!p3 $0x0  }
0x2c: {  	p2 =	sgt.s32 s17, $0xC3FF;
	s15 =	smul.u32 @!p1 s16, s15;
	s16 =	sadd.s32 $0x2, s13  }
0x2d: {  	s19 =	smov.u32 @p2 s16  }
0x2e: {  	s17 =	smov.u32 @p2 s1;
	p2 =	sgt.s32 s19, $0x1  }
0x2f: {  	s19 =	smov.u32 @p2 s2;
	p2 =	sne.s32 s14, s8  }
.Ltmp1:
0x30: {  	p0 =	por !p0, !p0;
	s18 =	simm.s32 @!p1 $0x2;
	(pc) =	sbr.rel @!p2 .LBB1_6-.Ltmp1, $4  }
0x31: {  	s16 =	smov.u32 s11;
	s11 =	smov.u32 s13;
	s15 =	sand.u32 @!p1 $0x3FFFFFE0, s15  }
0x32: {  	_ =	swait.ge @!p1 [sflag:s18], s15;
	s20 =	ssub.s32 @!p1 $0x0, s15;
	s15 =	smov.u32 s10  }
0x33: {  	s14 =	sadd.s32 $0x1, s14;
	s10 =	smov.u32 s12;
	[sflag:s18] =	ssyncset.done @!p1 $0x0  }
0x34: {  	s12 =	smov.u32 s17;
	s13 =	smov.u32 s19;
	[sflag:s18] =	ssyncadd.s32 @!p1 s20  }
.LBB1_1:
0x35: {  	p1 =	sge.u32 s14, s6  }
0x36: {  	s17 =	sand.u32 @!p1 $0x1FFFFFF, s12  }
0x37: {  	s18 =	smulhi.u32 @!p1 $0x14E5E0B, s17;
	_ =	sdelay $0x1  }
0x38: {  	s18 =	sshrl.u32 @!p1 s18, $0x8  }
0x39: {  	s18 =	smul.u32 @!p1 $0xC400, s18  }
0x3a: {  	s19 =	smul.u32 @!p1 $0xC4000, s13  }
0x3b: {  	s31 =	sadd.s32 $0xFFFFFFFF, s14;
	s17 =	ssub.s32 @!p1 s17, s18;
	s18 =	sxor.u32 @!p1 $0xFFFFFFFF, s14  }
0x3c: {  	s19 =	sadd.s32 @!p1 s7, s19;
	s18 =	sshll.u32 @!p1 s18, $0xE;
	s17 =	sshll.u32 @!p1 s17, $0x4  }
0x3d: {  	s18 =	sand.u32 @!p1 $0x4000, s18;
	s17 =	sadd.s32 @!p1 s17, s19;
	s19 =	simm.s32 @!p1 $0x0  }
0x3e: {  	[tilespmem:s18], [sflag:$0x1] =	stream.linear.gather @!p1 [hbm4b:s17+s19], $0x4000, $0x38;
	[tilespmem:$0x10100] =	vst v63  }
0x3f: {  	p1 =	sge.u32 s31, s6  }
.Ltmp2:
0x40: {  	_ = 	snop;
	(pc) =	sbr.rel @p1 .LBB1_5-.Ltmp2, $1  }
0x41: {  	_ =	sdelay $0x3  }
0x42: {  	s17 =	simm.s32 $0x1  }
0x43: {  	_ =	swait.ge [sflag:s5], $0x4000;
	s17 =	simm.s32 @!p0 $0x0  }
0x44: {  	[sflag:s5] =	ssyncset.done $0x0;
	s18 =	sshll.u32 s17, $0xE  }
0x45: {  	[sflag:s5] =	ssyncadd.s32 $0xFFFFC000;
	s18 =	sor.u32 $0x40, s18  }
0x46: {  	s17 =	smul.u32 $0x10200, s17;
	v0 =	vld [tilespmem:s18+$0x30]  }
0x47: {  	v1 =	vld [tilespmem:s18+$0xFFFFFFD0]  }
0x48: {  	s17 =	sshrl.u32 s17, $0x2;
	v5 =	vld [tilespmem:s18+$0xFFFFFFE0]  }
0x49: {  	v6 =	vld [tilespmem:s18+$0xFFFFFFF0];
	s20 =	sor.u32 $0x8000, s17  }
0x4a: {  	s31 =	sand.u32 $0x1, s14;
	v4 =	vld [tilespmem:s18+$0x0];
	s19 =	sadd.s32 $0x0, s20  }
0x4b: {  	v3 =	vld [tilespmem:s18+$0x10];
	s17 =	smul.u32 $0x10200, s31;
	[tilespmem:s19+$0x3870 ss:$0x81] =	vst.msk $0xffff, v0  }
0x4c: {  	v2 =	vld [tilespmem:s18+$0x20];
	[tilespmem:s19+$0x810 ss:$0x81] =	vst.msk $0xffff, v1  }
0x4d: {  	s17 =	sshrl.u32 s17, $0x2;
	v1 =	vld [tilespmem:s18+$0xFFFFFFC0];
	[tilespmem:s19+$0x1020 ss:$0x81] =	vst.msk $0xffff, v5;
	s18 =	sadd.s32 $0x80, s18  }
0x4e: {  	s21 =	simm.s32 $0x4;
	s22 =	simm.s32 $0x8;
	s17 =	sor.u32 $0x8000, s17;
	[tilespmem:s19+$0x1830 ss:$0x81] =	vst.msk $0xffff, v6;
	v0 =	vld [tilespmem:s18+$0x30]  }
.LBB1_3:
0x4f: {  	p1 =	sne.s32 s22, $0x1FC;
	v5 =	vld [tilespmem:s18+$0xFFFFFFD0];
	[tilespmem:s19+$0x2040 ss:$0x81] =	vst.msk $0xffff, v4  }
0x50: {  	v6 =	vld [tilespmem:s18+$0xFFFFFFE0];
	[tilespmem:s19+$0x2850 ss:$0x81] =	vst.msk $0xffff, v3  }
0x51: {  	s23 =	sshra.s32 s21, $0x2;
	s21 =	smov.u32 s22;
	v7 =	vld [tilespmem:s18+$0xFFFFFFF0];
	[tilespmem:s19+$0x3060 ss:$0x81] =	vst.msk $0xffff, v2  }
.Ltmp3:
0x52: {  	v4 =	vld [tilespmem:s18+$0x0];
	[tilespmem:s19+$0x0 ss:$0x81] =	vst.msk $0xffff, v1;
	s19 =	sadd.s32 s23, s20;
	(pc) =	sbr.rel @p1 .LBB1_3-.Ltmp3, $4  }
0x53: {  	v3 =	vld [tilespmem:s18+$0x10];
	[tilespmem:s19+$0x3870 ss:$0x81] =	vst.msk $0xffff, v0  }
0x54: {  	[tilespmem:s19+$0x810 ss:$0x81] =	vst.msk $0xffff, v5;
	v2 =	vld [tilespmem:s18+$0x20]  }
0x55: {  	v1 =	vld [tilespmem:s18+$0xFFFFFFC0];
	[tilespmem:s19+$0x1020 ss:$0x81] =	vst.msk $0xffff, v6;
	s18 =	sadd.s32 $0x80, s18  }
0x56: {  	s22 =	sadd.s32 $0x4, s22;
	v0 =	vld [tilespmem:s18+$0x30];
	[tilespmem:s19+$0x1830 ss:$0x81] =	vst.msk $0xffff, v7  }
.Ltmp4:
0x57: {  	_ = 	snop;
	(pc) =	sbr.rel .LBB1_4-.Ltmp4, $1  }
0x58: {  	_ =	sdelay $0x3  }
.LBB1_6:
0x59: {  	_ =	sfence.sel $0x180000  }
0x5a: {  	s1 =	simm.s32 $0x1;
	[bflag:$0x0] =	sbarrier.arrive $0xFFFF  }
0x5b: {  	s31 =	simm.s32 $0x2;
	[sflag:s1] =	ssyncpa.u1 $0x1  }
0x5c: {  	[sflag:s31] =	ssyncpa.u1 $0x1  }
0x5d: {  	p0 =	sne.s32 s0, $0x0;
	_ =	strace $0x90000053  }
0x5e: {  	s0 =	sadd.s32 @!p0 $0x100000, s3;
	[bflag:$0x2] =	sbarrier.arrive $0xFFFF  }
0x5f: {  	[sflag:s0] =	ssyncadd.tile.s32 @!p0 $0x1;
	_ =	shalt  }
.Lfunc_end1:
_tile_overlayer_lowered:
.L_overlay_start_2:
0x60: {  	(tag) =	ssettag $0x2  }
0x61: {  	s0 =	rddreg [dreg:$0x0];
	s2 =	stileid.u32  }
0x62: {  	s1 =	rddreg [dreg:$0x1];
	p0 =	sne.s32 s2, $0x0  }
0x63: {  	s3 =	rddreg [dreg:$0x2];
	[bflag:$0x3] =	sbarrier.arrive $0xFFFF;
	s2 =	simm.s32 @!p0 $0x1C01  }
0x64: {  	[timem:s3], [sflag:s2] =	dma.local @!p0 [hbm:s0], s1  }
0x65: {  	s0 =	simm.s32 @!p0 $0x1  }
0x66: {  	_ =	swait.ge @!p0 [sflag:s0], s1  }
0x67: {  	s1 =	ssub.s32 @!p0 $0x0, s1;
	[sflag:s0] =	ssyncset.done @!p0 $0x0  }
0x68: {  	[sflag:s0] =	ssyncadd.s32 @!p0 s1  }
0x69: {  	[bflag:$0x3] =	sbarrier.arrive $0xFFFF  }
0x6a: {  	_ =	shalt  }

// kernel: sparse-core-data-format-call.3.cloned.1.call-start
scs
called_computation.3_lowered:
.L_overlay_start_0:
0x0: {  	s2 =	sld [smem:$0x3FD9]  }
0x1: {  	s3 =	sld [smem:$0x3FFE];
	_ =	sdelay $0x1  }
0x2: {  	s1 =	srdreg.scid  }
0x3: {  	s0 =	sand.u32 $0x1, s1  }
0x4: {  	s18 =	sshll.u32 s0, $0xA;
	s2 =	sadd.s32 s3, s2  }
0x5: {  	s2 =	sadd.s32 s2, s18  }
0x6: {  	[smem:$0x3FBC] =	sst s2  }
0x7: {  	_ = 	snop  }
0x8: {  	(tm) =	ssettm $0x1  }
0x9: {  	s19 =	sld [smem:$0x3FFB];
	_ =	sdelay $0x3  }
0xa: {  	_ =	strace s19  }
0xb: {  	s2 =	sld [smem:$0x3FFC];
	_ =	sdelay $0x3  }
0xc: {  	_ =	strace s2  }
0xd: {  	s2 =	sld [smem:$0x3FFD];
	_ =	sdelay $0x3  }
0xe: {  	_ =	strace s2  }
0xf: {  	_ =	strace $0x8FFFFFFF  }
0x10: {  	s20 =	sld [smem:$0x3FDB];
	_ =	sdelay $0x1  }
0x11: {  	s21 =	simm.s32 $_scs_section_size  }
0x12: {  	s4 =	simm.s32 $_size__tile_overlayer_lowered;
	s5 =	simm.s32 $_tile_overlayer_lowered  }
0x13: {  	s6 =	simm.s32 $0x1BFF;
	s22 =	sshll.u32 s5, $0x1;
	s3 =	sadd.s32 s21, s20  }
0x14: {  	s23 =	simm.s32 $0x0;
	s4 =	sshll.u32 s4, $0x1;
	s5 =	sadd.s32 s22, s3  }
0x15: {  	[timem:s23], [sflag:s6] =	dma.local [hbm:s5], s4  }
0x16: {  	_ =	swait.ge [sflag:s6], s4  }
0x17: {  	s4 =	ssub.s32 $0x0, s4;
	[sflag:s6] =	ssyncset.done $0x0  }
0x18: {  	[sflag:s6] =	ssyncadd.s32 s4;
	_ =	sdelay $0x1  }
0x19: {  	s24 =	simm.s32 $0x1B8B  }
0x1a: {  	_ =	swait.ge [sflag:s24], $0x1  }
0x1b: {  	[sflag:s24] =	ssyncset.done $0x0  }
0x1c: {  	[sflag:s24] =	ssyncadd.s32 $0xFFFFFFFF  }
0x1d: {  	s4 =	sld [smem:$0x0]  }
0x1e: {  	s5 =	sand.u32 $0xFFFFFFFE, s1  }
0x1f: {  	p0 =	sne.s32 s1, s5  }
0x20: {  	s5 =	sshll.u32 @p0 s5, $0xE  }
0x21: {  	s5 =	sadd.s32 @p0 $0x11B8D, s5;
	s6 =	sshll.u32 @p0 s4, $0x11  }
0x22: {  	s5 =	sor.u32 @p0 s6, s5  }
0x23: {  	[sflag:s5] =	ssyncadd.remote.s32 @p0 $0x1;
	_ =	sdelay $0x1  }
0x24: {  	s5 =	simm.s32 @p0 $0x1B8D  }
0x25: {  	_ =	swait.eq @p0 [sflag:s5], $0x1  }
0x26: {  	[sflag:s5] =	ssyncadd.s32 @p0 $0xFFFFFFFF  }
0x27: {  	s6 =	sshll.u32 @!p0 s1, $0xE  }
0x28: {  	s6 =	sor.u32 @!p0 $0x4000, s6;
	s5 =	simm.s32 @!p0 $0x1B8D  }
0x29: {  	s4 =	sshll.u32 @!p0 s4, $0x11;
	s6 =	sadd.s32 @!p0 $0x11B8D, s6;
	_ =	swait.eq @!p0 [sflag:s5], $0x1  }
0x2a: {  	s4 =	sor.u32 @!p0 s4, s6;
	[sflag:s5] =	ssyncadd.s32 @!p0 $0xFFFFFFFF  }
0x2b: {  	s26 =	simm.s32 $0x1B8E;
	s25 =	sld [smem:$0x3FFE];
	[sflag:s4] =	ssyncadd.remote.s32 @!p0 $0x1  }
0x2c: {  	s27 =	simm.s32 $execute0_lowered;
	[smem:$0x3FD2] =	sst s26  }
0x2d: {  	s5 =	sshll.u32 s27, $0x1;
	_ =	strace $0x80000055;
	[dreg:$0x1] =	wrdreg $0xFFFFFFFF  }
0x2e: {  	s28 =	simm.s32 $_size_execute0_lowered;
	s3 =	sadd.s32 s3, s5;
	[dreg:$0x0] =	wrdreg $0x0  }
0x2f: {  	s5 =	sshll.u32 s28, $0x1;
	[dreg:$0x2] =	wrdreg s3  }
0x30: {  	[dreg:$0x3] =	wrdreg s5  }
0x31: {  	[dreg:$0x4] =	wrdreg $0xC0  }
0x32: {  	_ =	task [dreg:s23], $0x5FFFF  }
0x33: {  	[dreg:$0x1] =	wrdreg $0xFFFFFFFF  }
0x34: {  	[dreg:$0x0] =	wrdreg $0x60  }
0x35: {  	[dreg:$0x2] =	wrdreg s25  }
0x36: {  	[dreg:$0x3] =	wrdreg $0xA  }
0x37: {  	_ =	task.clear_ibuf [dreg:s23], $0x4FFFF;
	_ =	strace $0x90000055  }
0x38: {  	s29 =	simm.s32 $0xA;
	_ =	strace $0x80000057  }
0x39: {  	_ =	swait.ge [sflag:s29], $0x1  }
0x3a: {  	[sflag:s29] =	ssyncadd.s32 $0xFFFFFFFF  }
0x3b: {  	_ =	strace $0x90000057  }
0x3c: {  	_ =	sfence  }
0x3d: {  	s30 =	sld [smem:$0x0];
	_ =	sdelay $0x2  }
0x3e: {  	s31 =	sshll.u32 s1, $0xD;
	s1 =	sshrl.u32 s1, $0x2  }
0x3f: {  	s4 =	sand.u32 $0x4000, s31;
	s1 =	sadd.s32 s1, s30  }
0x40: {  	s0 =	sor.u32 s4, s0;
	s1 =	sshll.u32 s1, $0x11  }
0x41: {  	s0 =	sor.u32 s1, s0  }
0x42: {  	s0 =	sadd.s32 $0x8F2B, s0  }
0x43: {  	[sflag:s0] =	ssyncadd.remote.s32 $0x1  }
0x44: {  	_ =	sfence.sel $0xFFFF  }
0x45: {  	[dreg:$0x0] =	wrdreg $0xFFFFFFFF;
	(pc) =	sbr.abs _section_cstart, $3  }
0x46: {  	[dreg:$0x1] =	wrdreg $0xFFFFFFFF  }
0x47: {  	_ =	task.clear_ibuf [dreg:s23], $0x2FFFF;
	_ =	strace $0x9FFFFFFF  }
0x48: {  	(tm) =	ssettm $0x7FFFFFFF  }
0x49: {  	_ =	shalt  }
tec
execute0_lowered:
.L_overlay_start_1:
0x0: {  	(tag) =	ssettag $0x1  }
0x1: {  	s0 =	stileid.u32;
	s1 =	srdreg.scid  }
0x2: {  	s7 =	rddreg [dreg:$0x0];
	s31 =	simm.s32 $0x2;
	s15 =	simm.s32 $0x0  }
0x3: {  	s9 =	simm.s32 $0x80;
	s2 =	sshll.u32 s0, $0x6;
	s1 =	sshll.u32 s1, $0xA  }
0x4: {  	s10 =	simm.s32 $0x100;
	s1 =	sor.u32 s2, s1;
	s2 =	sand.u32 $0x1, s0  }
0x5: {  	s11 =	simm.s32 $0x0;
	s1 =	sand.u32 $0x780, s1;
	s4 =	ssub.s32 $0x2, s2  }
0x6: {  	s16 =	simm.s32 $0x0;
	s3 =	ssub.s32 $0xC400, s1;
	s6 =	sshrl.u32 s4, $0x1  }
0x7: {  	s4 =	sand.u32 $0x1, s4;
	s5 =	sand.u32 $0x780, s3;
	s8 =	sshrl.u32 s3, $0xB  }
0x8: {  	s3 =	rddreg [dreg:$0x1];
	p0 =	sne.s32 s5, $0x0;
	s5 =	simm.s32 $0x1  }
.Ltmp0:
0x9: {  	s6 =	sadd.s32 s4, s6;
	s5 =	simm.s32 @!p0 $0x0;
	(pc) =	sbr.rel .LBB1_1-.Ltmp0, $4  }
0xa: {  	_ =	strace $0x80000056;
	s4 =	simm.s32 $0x1;
	s5 =	sadd.s32 s5, s8  }
0xb: {  	s14 =	simm.s32 $0x0;
	[sflag:s4] =	ssyncpa.u1 $0x0;
	s5 =	smul.u32 s6, s5  }
0xc: {  	s13 =	smov.u32 s2;
	s12 =	smov.u32 s1;
	[sflag:s31] =	ssyncpa.u1 $0x0  }
0xd: {  	s6 =	sadd.s32 $0x310000, s7;
	s7 =	sadd.s32 $0x498000, s7;
	s8 =	sadd.s32 $0x1, s5  }
.LBB1_4:
0xe: {  	_ =	sdelay $0x3  }
0xf: {  	[tilespmem:v0+s18+$0xFFFFFFA0 ss:$0x1] =	vst.idx.msk $0xffff, v6  }
0x10: {  	v56 =	vld.idx.msk [tilespmem:v1+s19+$0x30 ss:$0x1], $0xffff;
	[tilespmem:v0+s18+$0xFFFFFFB0 ss:$0x1] =	vst.idx.msk $0xffff, v4  }
0x11: {  	v57 =	vld.idx.msk [tilespmem:v1+s19+$0xFFFFFFC0 ss:$0x1], $0xffff;
	[tilespmem:v0+s18+$0xFFFFFFC0 ss:$0x1] =	vst.idx.msk $0xffff, v2  }
0x12: {  	v58 =	vld.idx.msk [tilespmem:v1+s19+$0xFFFFFFD0 ss:$0x1], $0xffff;
	[tilespmem:v0+s18+$0xFFFFFFD0 ss:$0x1] =	vst.idx.msk $0xffff, v3  }
0x13: {  	v59 =	vld.idx.msk [tilespmem:v1+s19+$0xFFFFFFE0 ss:$0x1], $0xffff;
	[tilespmem:v0+s18+$0xFFFFFFE0 ss:$0x1] =	vst.idx.msk $0xffff, v5  }
0x14: {  	v60 =	vld.idx.msk [tilespmem:v1+s19+$0xFFFFFFF0 ss:$0x1], $0xffff;
	[tilespmem:v0+s18+$0xFFFFFFF0 ss:$0x1] =	vst.idx.msk $0xffff, v7  }
0x15: {  	v61 =	vld.idx.msk [tilespmem:v1+s19+$0x0 ss:$0x1], $0xffff;
	[tilespmem:v0+s19+$0x0 ss:$0x1] =	vst.idx.msk $0xffff, v56  }
0x16: {  	v62 =	vld.idx.msk [tilespmem:v1+s19+$0x10 ss:$0x1], $0xffff;
	[tilespmem:v0+s19+$0xFFFFFF90 ss:$0x1] =	vst.idx.msk $0xffff, v57  }
0x17: {  	v63 =	vld.idx.msk [tilespmem:v1+s19+$0x20 ss:$0x1], $0xffff;
	[tilespmem:v0+s19+$0xFFFFFFA0 ss:$0x1] =	vst.idx.msk $0xffff, v58  }
0x18: {  	[tilespmem:v0+s19+$0xFFFFFFB0 ss:$0x1] =	vst.idx.msk $0xffff, v59  }
0x19: {  	s16 =	sshll.u32 s16, $0x4;
	[tilespmem:v0+s19+$0xFFFFFFC0 ss:$0x1] =	vst.idx.msk $0xffff, v60  }
0x1a: {  	s16 =	sand.u32 $0x10, s16;
	[tilespmem:v0+s19+$0xFFFFFFD0 ss:$0x1] =	vst.idx.msk $0xffff, v61  }
0x1b: {  	s15 =	sshll.u32 s15, $0x5;
	s16 =	sadd.s32 s7, s16;
	[tilespmem:v0+s19+$0xFFFFFFE0 ss:$0x1] =	vst.idx.msk $0xffff, v62  }
0x1c: {  	s15 =	sadd.s32 s15, s16;
	[tilespmem:v0+s19+$0xFFFFFFF0 ss:$0x1] =	vst.idx.msk $0xffff, v63  }
0x1d: {  	[hbm4b:s15+s9] =	stream.strided.scatter [tilespmem:s17], [sflag:$0x2], $0x4000, s10, s9, $0x38;
	[tilespmem:$0x10000] =	vst v63  }
.LBB1_5:
0x1e: {  	s17 =	sadd.s32 $0x800, s12  }
0x1f: {  	s15 =	sadd.s32 $0x2, s13;
	s19 =	smov.u32 s13;
	p1 =	sgt.s32 s17, $0xC3FF  }
0x20: {  	s19 =	smov.u32 @p1 s15  }
0x21: {  	s17 =	smov.u32 @p1 s1;
	p1 =	sgt.s32 s19, $0x1  }
0x22: {  	s19 =	smov.u32 @p1 s2;
	p1 =	sne.s32 s14, s8  }
.Ltmp1:
0x23: {  	p0 =	slt.u32 s14, $0x2;
	(pc) =	sbr.rel @!p1 .LBB1_6-.Ltmp1, $4  }
0x24: {  	s18 =	simm.s32 @!p0 $0x2  }
0x25: {  	s16 =	smov.u32 s13;
	s11 =	sadd.s32 $0x4000, s11;
	_ =	swait.ge @!p0 [sflag:s18], $0x4000  }
0x26: {  	s15 =	smov.u32 s12;
	[sflag:s18] =	ssyncset.done @!p0 $0x0;
	s12 =	smov.u32 s17  }
0x27: {  	s14 =	sadd.s32 $0x1, s14;
	[sflag:s18] =	ssyncadd.s32 @!p0 $0xFFFFC000;
	s13 =	smov.u32 s19  }
.LBB1_1:
0x28: {  	p0 =	sge.u32 s14, s5  }
0x29: {  	s17 =	sand.u32 @!p0 $0x1FFFFFF, s12  }
0x2a: {  	s18 =	smulhi.u32 @!p0 $0x14E5E0B, s17;
	_ =	sdelay $0x1  }
0x2b: {  	s18 =	sshrl.u32 @!p0 s18, $0x8  }
0x2c: {  	s18 =	smul.u32 @!p0 $0xC400, s18  }
0x2d: {  	s19 =	smul.u32 @!p0 $0xC4000, s13  }
0x2e: {  	s31 =	sadd.s32 $0xFFFFFFFF, s14;
	s17 =	ssub.s32 @!p0 s17, s18;
	s18 =	sxor.u32 @!p0 $0xFFFFFFFF, s14  }
0x2f: {  	s19 =	sadd.s32 @!p0 s6, s19;
	s18 =	sshll.u32 @!p0 s18, $0xE;
	s17 =	sshll.u32 @!p0 s17, $0x4  }
0x30: {  	s18 =	sand.u32 @!p0 $0x4000, s18;
	s17 =	sadd.s32 @!p0 s17, s19;
	s19 =	simm.s32 @!p0 $0x0  }
0x31: {  	[tilespmem:s18], [sflag:$0x1] =	stream.linear.gather @!p0 [hbm4b:s17+s19], $0x4000, $0x38;
	[tilespmem:$0x10000] =	vst v63  }
0x32: {  	p0 =	sge.u32 s31, s5  }
.Ltmp2:
0x33: {  	_ = 	snop;
	(pc) =	sbr.rel @p0 .LBB1_5-.Ltmp2, $1  }
0x34: {  	_ =	sdelay $0x3  }
0x35: {  	s17 =	sand.u32 $0x4000, s11  }
0x36: {  	s18 =	sor.u32 $0x40, s17  }
0x37: {  	v1 =	vmov s18;
	_ =	sdelay $0x1  }
0x38: {  	_ =	swait.ge [sflag:s4], $0x4000  }
0x39: {  	[sflag:s4] =	ssyncset.done $0x0  }
0x3a: {  	[sflag:s4] =	ssyncadd.s32 $0xFFFFC000;
	s18 =	simm.s32 $0x0  }
0x3b: {  	s17 =	sor.u32 $0x8070, s17;
	v7 =	vld.idx.msk [tilespmem:v1+s18+$0x30 ss:$0x1], $0xffff  }
0x3c: {  	v0 =	vmov s17;
	v8 =	vld.idx.msk [tilespmem:v1+s18+$0xFFFFFFC0 ss:$0x1], $0xffff  }
0x3d: {  	v6 =	vld.idx.msk [tilespmem:v1+s18+$0xFFFFFFD0 ss:$0x1], $0xffff  }
0x3e: {  	v4 =	vld.idx.msk [tilespmem:v1+s18+$0xFFFFFFE0 ss:$0x1], $0xffff  }
0x3f: {  	v2 =	vld.idx.msk [tilespmem:v1+s18+$0xFFFFFFF0 ss:$0x1], $0xffff  }
0x40: {  	s31 =	sshll.u32 s14, $0xE;
	v3 =	vld.idx.msk [tilespmem:v1+s18+$0x0 ss:$0x1], $0xffff  }
0x41: {  	s17 =	sand.u32 $0x4000, s31;
	v5 =	vld.idx.msk [tilespmem:v1+s18+$0x10 ss:$0x1], $0xffff;
	[tilespmem:v0+s18+$0x0 ss:$0x1] =	vst.idx.msk $0xffff, v7  }
0x42: {  	s19 =	simm.s32 $0x80;
	s20 =	simm.s32 $0x400;
	s17 =	sor.u32 $0x8000, s17;
	[tilespmem:v0+s18+$0xFFFFFF90 ss:$0x1] =	vst.idx.msk $0xffff, v8;
	v7 =	vld.idx.msk [tilespmem:v1+s18+$0x20 ss:$0x1], $0xffff  }
.LBB1_3:
0x43: {  	p0 =	sne.s32 s20, $0xFE00;
	v8 =	vld.idx.msk [tilespmem:v1+s19+$0x30 ss:$0x1], $0xffff;
	[tilespmem:v0+s18+$0xFFFFFFA0 ss:$0x1] =	vst.idx.msk $0xffff, v6  }
0x44: {  	v9 =	vld.idx.msk [tilespmem:v1+s19+$0xFFFFFFC0 ss:$0x1], $0xffff;
	[tilespmem:v0+s18+$0xFFFFFFB0 ss:$0x1] =	vst.idx.msk $0xffff, v4  }
0x45: {  	v6 =	vld.idx.msk [tilespmem:v1+s19+$0xFFFFFFD0 ss:$0x1], $0xffff;
	[tilespmem:v0+s18+$0xFFFFFFC0 ss:$0x1] =	vst.idx.msk $0xffff, v2  }
.Ltmp3:
0x46: {  	v4 =	vld.idx.msk [tilespmem:v1+s19+$0xFFFFFFE0 ss:$0x1], $0xffff;
	[tilespmem:v0+s18+$0xFFFFFFD0 ss:$0x1] =	vst.idx.msk $0xffff, v3;
	(pc) =	sbr.rel @p0 .LBB1_3-.Ltmp3, $4  }
0x47: {  	v2 =	vld.idx.msk [tilespmem:v1+s19+$0xFFFFFFF0 ss:$0x1], $0xffff;
	[tilespmem:v0+s18+$0xFFFFFFE0 ss:$0x1] =	vst.idx.msk $0xffff, v5  }
0x48: {  	v3 =	vld.idx.msk [tilespmem:v1+s19+$0x0 ss:$0x1], $0xffff;
	[tilespmem:v0+s18+$0xFFFFFFF0 ss:$0x1] =	vst.idx.msk $0xffff, v7;
	s18 =	smov.u32 s19  }
0x49: {  	v5 =	vld.idx.msk [tilespmem:v1+s18+$0x10 ss:$0x1], $0xffff;
	[tilespmem:v0+s18+$0x0 ss:$0x1] =	vst.idx.msk $0xffff, v8  }
0x4a: {  	s19 =	sshra.s32 s20, $0x2;
	s20 =	sadd.s32 $0x200, s20;
	[tilespmem:v0+s18+$0xFFFFFF90 ss:$0x1] =	vst.idx.msk $0xffff, v9;
	v7 =	vld.idx.msk [tilespmem:v1+s18+$0x20 ss:$0x1], $0xffff  }
.Ltmp4:
0x4b: {  	_ = 	snop;
	(pc) =	sbr.rel .LBB1_4-.Ltmp4, $1  }
0x4c: {  	_ =	sdelay $0x3  }
.LBB1_6:
0x4d: {  	_ =	sfence.sel $0x180000  }
0x4e: {  	s1 =	simm.s32 $0x1;
	[bflag:$0x0] =	sbarrier.arrive $0xFFFF  }
0x4f: {  	s31 =	simm.s32 $0x2;
	[sflag:s1] =	ssyncpa.u1 $0x1  }
0x50: {  	[sflag:s31] =	ssyncpa.u1 $0x1  }
0x51: {  	p0 =	sne.s32 s0, $0x0;
	_ =	strace $0x90000056  }
0x52: {  	s0 =	sadd.s32 @!p0 $0x100000, s3;
	[bflag:$0x2] =	sbarrier.arrive $0xFFFF  }
0x53: {  	[sflag:s0] =	ssyncadd.tile.s32 @!p0 $0x1;
	_ =	shalt  }
.Lfunc_end1:
_tile_overlayer_lowered:
.L_overlay_start_2:
0x54: {  	(tag) =	ssettag $0x2  }
0x55: {  	s0 =	rddreg [dreg:$0x0];
	s2 =	stileid.u32  }
0x56: {  	s1 =	rddreg [dreg:$0x1];
	p0 =	sne.s32 s2, $0x0  }
0x57: {  	s3 =	rddreg [dreg:$0x2];
	[bflag:$0x3] =	sbarrier.arrive $0xFFFF;
	s2 =	simm.s32 @!p0 $0x1C01  }
0x58: {  	[timem:s3], [sflag:s2] =	dma.local @!p0 [hbm:s0], s1  }
0x59: {  	s0 =	simm.s32 @!p0 $0x1  }
0x5a: {  	_ =	swait.ge @!p0 [sflag:s0], s1  }
0x5b: {  	s1 =	ssub.s32 @!p0 $0x0, s1;
	[sflag:s0] =	ssyncset.done @!p0 $0x0  }
0x5c: {  	[sflag:s0] =	ssyncadd.s32 @!p0 s1  }
0x5d: {  	[bflag:$0x3] =	sbarrier.arrive $0xFFFF  }
0x5e: {  	_ =	shalt  }

// kernel: sparse-core-data-format-call.4.cloned.1.call-start
scs
called_computation.4_lowered:
.L_overlay_start_0:
0x0: {  	s1 =	sld [smem:$0x3FD9]  }
0x1: {  	s2 =	sld [smem:$0x3FFE];
	_ =	sdelay $0x1  }
0x2: {  	s3 =	srdreg.scid  }
0x3: {  	s0 =	sand.u32 $0x1, s3  }
0x4: {  	s17 =	sshll.u32 s0, $0xA;
	s1 =	sadd.s32 s2, s1  }
0x5: {  	s1 =	sadd.s32 s1, s17  }
0x6: {  	[smem:$0x3FBC] =	sst s1  }
0x7: {  	_ = 	snop  }
0x8: {  	(tm) =	ssettm $0x1  }
0x9: {  	s18 =	sld [smem:$0x3FFB];
	_ =	sdelay $0x3  }
0xa: {  	_ =	strace s18  }
0xb: {  	s1 =	sld [smem:$0x3FFC];
	_ =	sdelay $0x3  }
0xc: {  	_ =	strace s1  }
0xd: {  	s1 =	sld [smem:$0x3FFD];
	_ =	sdelay $0x3  }
0xe: {  	_ =	strace s1  }
0xf: {  	_ =	strace $0x8FFFFFFF  }
0x10: {  	s19 =	sld [smem:$0x3FDB];
	_ =	sdelay $0x1  }
0x11: {  	s20 =	simm.s32 $_scs_section_size  }
0x12: {  	s4 =	simm.s32 $_size__tile_overlayer_lowered;
	s5 =	simm.s32 $_tile_overlayer_lowered  }
0x13: {  	s23 =	simm.s32 $0x1BFF;
	s22 =	sshll.u32 s5, $0x1;
	s1 =	sadd.s32 s20, s19  }
0x14: {  	s6 =	simm.s32 $0x0;
	s21 =	sshll.u32 s4, $0x1;
	s4 =	sadd.s32 s22, s1  }
0x15: {  	[timem:s6], [sflag:s23] =	dma.local [hbm:s4], s21  }
0x16: {  	_ =	swait.ge [sflag:s23], s21  }
0x17: {  	s2 =	ssub.s32 $0x0, s21;
	[sflag:s23] =	ssyncset.done $0x0  }
0x18: {  	[sflag:s23] =	ssyncadd.s32 s2;
	_ =	sdelay $0x1  }
0x19: {  	s24 =	simm.s32 $0x1B8B  }
0x1a: {  	_ =	swait.ge [sflag:s24], $0x1  }
0x1b: {  	[sflag:s24] =	ssyncset.done $0x0  }
0x1c: {  	s26 =	simm.s32 $0x1B8E;
	s25 =	sld [smem:$0x3FFE];
	[sflag:s24] =	ssyncadd.s32 $0xFFFFFFFF  }
0x1d: {  	s27 =	simm.s32 $execute0_lowered;
	[smem:$0x3FD2] =	sst s26  }
0x1e: {  	s4 =	sshll.u32 s27, $0x1;
	_ =	strace $0x80000046;
	[dreg:$0x1] =	wrdreg $0xFFFFFFFF  }
0x1f: {  	s28 =	simm.s32 $_size_execute0_lowered;
	s1 =	sadd.s32 s1, s4;
	[dreg:$0x0] =	wrdreg $0x0  }
0x20: {  	s4 =	sshll.u32 s28, $0x1;
	[dreg:$0x2] =	wrdreg s1  }
0x21: {  	[dreg:$0x3] =	wrdreg s4  }
0x22: {  	[dreg:$0x4] =	wrdreg $0xC0  }
0x23: {  	_ =	task [dreg:s6], $0x5FFFF  }
0x24: {  	[dreg:$0x1] =	wrdreg $0xFFFFFFFF  }
0x25: {  	[dreg:$0x0] =	wrdreg $0x60  }
0x26: {  	[dreg:$0x2] =	wrdreg s25  }
0x27: {  	[dreg:$0x3] =	wrdreg $0xA  }
0x28: {  	_ =	task.clear_ibuf [dreg:s6], $0x4FFFF;
	_ =	strace $0x90000046  }
0x29: {  	s29 =	simm.s32 $0xA;
	_ =	strace $0x80000048  }
0x2a: {  	_ =	swait.ge [sflag:s29], $0x1  }
0x2b: {  	[sflag:s29] =	ssyncadd.s32 $0xFFFFFFFF  }
0x2c: {  	_ =	strace $0x90000048  }
0x2d: {  	_ =	sfence  }
0x2e: {  	s30 =	sld [smem:$0x0];
	_ =	sdelay $0x2  }
0x2f: {  	s31 =	sshll.u32 s3, $0xD;
	s3 =	sshrl.u32 s3, $0x2  }
0x30: {  	s2 =	sand.u32 $0x4000, s31;
	s1 =	sadd.s32 s3, s30  }
0x31: {  	s0 =	sor.u32 s2, s0;
	s1 =	sshll.u32 s1, $0x11  }
0x32: {  	s0 =	sor.u32 s1, s0  }
0x33: {  	s0 =	sadd.s32 $0x8F2B, s0  }
0x34: {  	[sflag:s0] =	ssyncadd.remote.s32 $0x1  }
0x35: {  	_ =	sfence.sel $0xFFFF  }
0x36: {  	[dreg:$0x0] =	wrdreg $0xFFFFFFFF;
	(pc) =	sbr.abs _section_cstart, $3  }
0x37: {  	[dreg:$0x1] =	wrdreg $0xFFFFFFFF  }
0x38: {  	_ =	task.clear_ibuf [dreg:s6], $0x2FFFF;
	_ =	strace $0x9FFFFFFF  }
0x39: {  	(tm) =	ssettm $0x7FFFFFFF  }
tec
execute0_lowered:
.L_overlay_start_1:
0x0: {  	(tag) =	ssettag $0x1  }
0x1: {  	s0 =	srdreg.scid  }
0x2: {  	s1 =	sshll.u32 s0, $0x4  }
0x3: {  	s4 =	rddreg [dreg:$0x0];
	s0 =	stileid.u32;
	s1 =	sand.u32 $0x10, s1  }
0x4: {  	s7 =	simm.s32 $0x1;
	s8 =	simm.s32 $0x2;
	s1 =	sor.u32 s0, s1  }
0x5: {  	s12 =	simm.s32 $0x0;
	s9 =	simm.s32 $0x620000;
	s2 =	sshll.u32 s1, $0x6  }
0x6: {  	s11 =	simm.s32 $0x0;
	s3 =	sadd.s32 $0x310000, s4;
	s6 =	ssub.s32 $0xC400, s2  }
.Ltmp0:
0x7: {  	s4 =	sadd.s32 $0x498000, s4;
	s5 =	sand.u32 $0x7C0, s6;
	(pc) =	sbr.rel .LBB1_1-.Ltmp0, $4  }
0x8: {  	s1 =	rddreg [dreg:$0x1];
	_ =	strace $0x80000047;
	p0 =	sne.s32 s5, $0x0  }
0x9: {  	s6 =	sshrl.u32 s6, $0xB;
	s5 =	simm.s32 $0x1;
	s7 =	simm.s32 @!p0 $0x0  }
0xa: {  	s10 =	smov.u32 s2;
	[sflag:s5] =	ssyncpa.u1 $0x0;
	s6 =	sadd.s32 s7, s6  }
0xb: {  	[sflag:s8] =	ssyncpa.u1 $0x0;
	s8 =	simm.s32 $0x2000;
	s7 =	sadd.s32 $0x1, s6  }
.LBB1_7:
0xc: {  	s14 =	sadd.s32 $0x800, s10  }
0xd: {  	p1 =	sgt.s32 s14, $0xC3FF  }
0xe: {  	s14 =	smov.u32 @p1 s2;
	p1 =	sne.s32 s11, s7  }
.Ltmp1:
0xf: {  	p0 =	slt.u32 s11, $0x2;
	(pc) =	sbr.rel @!p1 .LBB1_8-.Ltmp1, $4  }
0x10: {  	s13 =	simm.s32 @!p0 $0x2  }
0x11: {  	_ =	swait.ge @!p0 [sflag:s13], $0x4000  }
0x12: {  	s15 =	sadd.s32 $0x1, s11;
	s12 =	smov.u32 s10;
	[sflag:s13] =	ssyncset.done @!p0 $0x0  }
0x13: {  	s11 =	smov.u32 s15;
	s10 =	smov.u32 s14;
	[sflag:s13] =	ssyncadd.s32 @!p0 $0xFFFFC000  }
.LBB1_1:
0x14: {  	p0 =	sge.u32 s11, s6  }
0x15: {  	s13 =	sxor.u32 @!p0 $0xFFFFFFFF, s11  }
0x16: {  	s31 =	sadd.s32 $0xFFFFFFFF, s11;
	s14 =	sshll.u32 @!p0 s10, $0x5;
	s13 =	sshll.u32 @!p0 s13, $0xE  }
0x17: {  	s15 =	simm.s32 @!p0 $0x0;
	s14 =	sadd.s32 @!p0 s3, s14;
	s13 =	sand.u32 @!p0 $0x4000, s13  }
0x18: {  	[tilespmem:s13], [sflag:$0x1] =	stream.linear.gather @!p0 [hbm4b:s14+s15], $0x4000, $0x38;
	[tilespmem:$0x10000] =	vst v63  }
0x19: {  	p0 =	sge.u32 s31, s6  }
.Ltmp2:
0x1a: {  	_ = 	snop;
	(pc) =	sbr.rel @p0 .LBB1_7-.Ltmp2, $1  }
0x1b: {  	_ =	sdelay $0x3  }
0x1c: {  	_ =	swait.ge [sflag:s5], $0x4000;
	s13 =	sshll.u32 s11, $0xE  }
0x1d: {  	[sflag:s5] =	ssyncset.done $0x0;
	s14 =	sand.u32 $0x4000, s13  }
0x1e: {  	s15 =	simm.s32 $0x0;
	[sflag:s5] =	ssyncadd.s32 $0xFFFFC000;
	s13 =	sor.u32 $0x8000, s14  }
.LBB1_3:
0x1f: {  	s16 =	sshll.u32 s15, $0x8  }
0x20: {  	s16 =	sand.u32 $0x3FFFFF00, s16  }
0x21: {  	s17 =	sshll.u32 s15, $0x7;
	s16 =	sadd.s32 s16, s14  }
0x22: {  	s17 =	sand.u32 $0x3FFFFF80, s17;
	v0 =	vmov s16  }
0x23: {  	s17 =	sadd.s32 s17, s13  }
0x24: {  	p0 =	por $0x1, $0x1;
	v1 =	vmov s17;
	s16 =	simm.s32 $0x0  }
.LBB1_4:
0x25: {  	s17 =	sshll.u32 s16, $0x7  }
0x26: {  	s17 =	sand.u32 $0x3FFFFF80, s17  }
0x27: {  	v2 =	vld.idx.msk [tilespmem:v0+s17+$0x0 ss:$0x1], $0xffff  }
0x28: {  	v3 =	vld.idx.msk [tilespmem:v0+s17+$0x10 ss:$0x1], $0xffff  }
0x29: {  	v4 =	vld.idx.msk [tilespmem:v0+s17+$0x20 ss:$0x1], $0xffff  }
0x2a: {  	s31 =	sshll.u32 s16, $0xD;
	v5 =	vld.idx.msk [tilespmem:v0+s17+$0x30 ss:$0x1], $0xffff  }
0x2b: {  	s16 =	sand.u32 $0x3FFFE000, s31;
	v6 =	vld.idx.msk [tilespmem:v0+s17+$0x40 ss:$0x1], $0xffff  }
0x2c: {  	v63 =	vld.idx.msk [tilespmem:v0+s17+$0x70 ss:$0x1], $0xffff;
	[tilespmem:v1+s16+$0x0 ss:$0x1] =	vst.idx.msk $0xffff, v2  }
0x2d: {  	v2 =	vld.idx.msk [tilespmem:v0+s17+$0x50 ss:$0x1], $0xffff;
	[tilespmem:v1+s16+$0x10 ss:$0x1] =	vst.idx.msk $0xffff, v3  }
0x2e: {  	p1 =	por p0, p0;
	v3 =	vld.idx.msk [tilespmem:v0+s17+$0x60 ss:$0x1], $0xffff;
	[tilespmem:v1+s16+$0x20 ss:$0x1] =	vst.idx.msk $0xffff, v4  }
.Ltmp3:
0x2f: {  	[tilespmem:v1+s16+$0x30 ss:$0x1] =	vst.idx.msk $0xffff, v5;
	(pc) =	sbr.rel @p1 .LBB1_4-.Ltmp3, $4  }
0x30: {  	[tilespmem:v1+s16+$0x40 ss:$0x1] =	vst.idx.msk $0xffff, v6  }
0x31: {  	[tilespmem:v1+s16+$0x70 ss:$0x1] =	vst.idx.msk $0xffff, v63  }
0x32: {  	[tilespmem:v1+s16+$0x50 ss:$0x1] =	vst.idx.msk $0xffff, v2  }
0x33: {  	p0 =	por $0x0, $0x0;
	[tilespmem:v1+s16+$0x60 ss:$0x1] =	vst.idx.msk $0xffff, v3;
	s16 =	simm.s32 $0x1  }
0x34: {  	s15 =	sadd.s32 $0x1, s15  }
0x35: {  	p0 =	sne.s32 s15, $0x40  }
.Ltmp4:
0x36: {  	_ = 	snop;
	(pc) =	sbr.rel @p0 .LBB1_3-.Ltmp4, $1  }
0x37: {  	_ =	sdelay $0x3  }
0x38: {  	s12 =	sand.u32 $0x1FFFFFF, s12  }
0x39: {  	s14 =	smulhi.u32 $0x14E5E0B, s12;
	_ =	sdelay $0x1  }
0x3a: {  	s14 =	sshrl.u32 s14, $0x8  }
0x3b: {  	s14 =	smul.u32 $0xC400, s14  }
.Ltmp5:
0x3c: {  	_ = 	snop;
	(pc) =	sbr.rel .LBB1_7-.Ltmp5, $4  }
0x3d: {  	s12 =	ssub.s32 s12, s14  }
0x3e: {  	s12 =	sshll.u32 s12, $0x4  }
0x3f: {  	s12 =	sadd.s32 s4, s12  }
0x40: {  	[hbm4b:s12+s8] =	stream.strided.scatter [tilespmem:s13], [sflag:$0x2], $0x4000, s9, s8, $0x38;
	[tilespmem:$0x10000] =	vst v63  }
.LBB1_8:
0x41: {  	_ =	sfence.sel $0x180000  }
0x42: {  	s2 =	simm.s32 $0x1;
	[bflag:$0x0] =	sbarrier.arrive $0xFFFF  }
0x43: {  	s31 =	simm.s32 $0x2;
	[sflag:s2] =	ssyncpa.u1 $0x1  }
0x44: {  	[sflag:s31] =	ssyncpa.u1 $0x1  }
0x45: {  	p0 =	sne.s32 s0, $0x0;
	_ =	strace $0x90000047  }
0x46: {  	s0 =	sadd.s32 @!p0 $0x100000, s1;
	[bflag:$0x2] =	sbarrier.arrive $0xFFFF  }
0x47: {  	[sflag:s0] =	ssyncadd.tile.s32 @!p0 $0x1;
	_ =	shalt  }
.Lfunc_end1:
_tile_overlayer_lowered:
.L_overlay_start_2:
0x48: {  	(tag) =	ssettag $0x2  }
0x49: {  	s0 =	rddreg [dreg:$0x0];
	s2 =	stileid.u32  }
0x4a: {  	s1 =	rddreg [dreg:$0x1];
	p0 =	sne.s32 s2, $0x0  }
0x4b: {  	s3 =	rddreg [dreg:$0x2];
	[bflag:$0x3] =	sbarrier.arrive $0xFFFF;
	s2 =	simm.s32 @!p0 $0x1C01  }
0x4c: {  	[timem:s3], [sflag:s2] =	dma.local @!p0 [hbm:s0], s1  }
0x4d: {  	s0 =	simm.s32 @!p0 $0x1  }
0x4e: {  	_ =	swait.ge @!p0 [sflag:s0], s1  }
0x4f: {  	s1 =	ssub.s32 @!p0 $0x0, s1;
	[sflag:s0] =	ssyncset.done @!p0 $0x0  }
0x50: {  	[sflag:s0] =	ssyncadd.s32 @!p0 s1  }
0x51: {  	[bflag:$0x3] =	sbarrier.arrive $0xFFFF  }
0x52: {  	_ =	shalt  }

// kernel: sparse-core-data-format-call.5.cloned.1.call-start
scs
called_computation.5_lowered:
.L_overlay_start_0:
0x0: {  	s2 =	sld [smem:$0x3FD9]  }
0x1: {  	s3 =	sld [smem:$0x3FFE];
	_ =	sdelay $0x1  }
0x2: {  	s1 =	srdreg.scid  }
0x3: {  	s0 =	sand.u32 $0x1, s1  }
0x4: {  	s18 =	sshll.u32 s0, $0xA;
	s2 =	sadd.s32 s3, s2  }
0x5: {  	s2 =	sadd.s32 s2, s18  }
0x6: {  	[smem:$0x3FBC] =	sst s2  }
0x7: {  	_ = 	snop  }
0x8: {  	s19 =	sld [smem:$0x3FD0];
	(tm) =	ssettm $0x1  }
0x9: {  	s20 =	sld [smem:$0x3FFB];
	_ =	sdelay $0x3  }
0xa: {  	_ =	strace s20  }
0xb: {  	s2 =	sld [smem:$0x3FFC];
	_ =	sdelay $0x3  }
0xc: {  	_ =	strace s2  }
0xd: {  	s2 =	sld [smem:$0x3FFD];
	_ =	sdelay $0x3  }
0xe: {  	_ =	strace s2  }
0xf: {  	_ =	strace $0x8FFFFFFF  }
0x10: {  	s21 =	sld [smem:$0x3FDB];
	_ =	sdelay $0x1  }
0x11: {  	s4 =	simm.s32 $_scs_section_size  }
0x12: {  	s5 =	simm.s32 $_size__tile_overlayer_lowered;
	s6 =	simm.s32 $_tile_overlayer_lowered  }
0x13: {  	s7 =	simm.s32 $0x1BFF;
	s22 =	sshll.u32 s6, $0x1;
	s4 =	sadd.s32 s4, s21  }
0x14: {  	s23 =	simm.s32 $0x0;
	s5 =	sshll.u32 s5, $0x1;
	s6 =	sadd.s32 s22, s4  }
0x15: {  	[timem:s23], [sflag:s7] =	dma.local [hbm:s6], s5  }
0x16: {  	_ =	swait.ge [sflag:s7], s5  }
0x17: {  	s5 =	ssub.s32 $0x0, s5;
	[sflag:s7] =	ssyncset.done $0x0  }
0x18: {  	[sflag:s7] =	ssyncadd.s32 s5;
	_ =	sdelay $0x1  }
0x19: {  	s24 =	simm.s32 $0x1B8B  }
0x1a: {  	_ =	swait.ge [sflag:s24], $0x1  }
0x1b: {  	[sflag:s24] =	ssyncset.done $0x0  }
0x1c: {  	[sflag:s24] =	ssyncadd.s32 $0xFFFFFFFF  }
0x1d: {  	s5 =	sld [smem:$0x0]  }
0x1e: {  	s6 =	sand.u32 $0xFFFFFFFE, s1  }
0x1f: {  	p0 =	sne.s32 s1, s6  }
0x20: {  	s6 =	sshll.u32 @p0 s6, $0xE  }
0x21: {  	s6 =	sadd.s32 @p0 $0x11B8D, s6;
	s7 =	sshll.u32 @p0 s5, $0x11  }
0x22: {  	s6 =	sor.u32 @p0 s7, s6  }
0x23: {  	[sflag:s6] =	ssyncadd.remote.s32 @p0 $0x1;
	_ =	sdelay $0x1  }
0x24: {  	s6 =	simm.s32 @p0 $0x1B8D  }
0x25: {  	_ =	swait.eq @p0 [sflag:s6], $0x1  }
0x26: {  	[sflag:s6] =	ssyncadd.s32 @p0 $0xFFFFFFFF  }
0x27: {  	s7 =	sshll.u32 @!p0 s1, $0xE  }
0x28: {  	s7 =	sor.u32 @!p0 $0x4000, s7;
	s6 =	simm.s32 @!p0 $0x1B8D  }
0x29: {  	s5 =	sshll.u32 @!p0 s5, $0x11;
	s7 =	sadd.s32 @!p0 $0x11B8D, s7;
	_ =	swait.eq @!p0 [sflag:s6], $0x1  }
0x2a: {  	s5 =	sor.u32 @!p0 s5, s7;
	[sflag:s6] =	ssyncadd.s32 @!p0 $0xFFFFFFFF  }
0x2b: {  	s26 =	simm.s32 $0x1B8E;
	s25 =	sld [smem:$0x3FFE];
	[sflag:s5] =	ssyncadd.remote.s32 @!p0 $0x1  }
0x2c: {  	s27 =	simm.s32 $execute0_lowered;
	[smem:$0x3FD2] =	sst s26  }
0x2d: {  	s6 =	sshll.u32 s27, $0x1;
	_ =	strace $0x8000004F;
	[dreg:$0x1] =	wrdreg $0xFFFFFFFF  }
0x2e: {  	s28 =	simm.s32 $_size_execute0_lowered;
	s4 =	sadd.s32 s4, s6;
	[dreg:$0x0] =	wrdreg $0x0  }
0x2f: {  	s6 =	sshll.u32 s28, $0x1;
	[dreg:$0x2] =	wrdreg s4  }
0x30: {  	[dreg:$0x3] =	wrdreg s6  }
0x31: {  	[dreg:$0x4] =	wrdreg $0xC0  }
0x32: {  	_ =	task [dreg:s23], $0x5FFFF  }
0x33: {  	[dreg:$0x1] =	wrdreg $0xFFFFFFFF  }
0x34: {  	[dreg:$0x0] =	wrdreg $0x60  }
0x35: {  	[dreg:$0x2] =	wrdreg s19  }
0x36: {  	[dreg:$0x3] =	wrdreg s25  }
0x37: {  	[dreg:$0x4] =	wrdreg $0x9  }
0x38: {  	_ =	task.clear_ibuf [dreg:s23], $0x5FFFF;
	_ =	strace $0x9000004F  }
0x39: {  	s29 =	simm.s32 $0x9;
	_ =	strace $0x80000051  }
0x3a: {  	_ =	swait.ge [sflag:s29], $0x1  }
0x3b: {  	[sflag:s29] =	ssyncadd.s32 $0xFFFFFFFF  }
0x3c: {  	_ =	strace $0x90000051  }
0x3d: {  	_ =	sfence  }
0x3e: {  	s30 =	sld [smem:$0x0];
	_ =	sdelay $0x2  }
0x3f: {  	s31 =	sshll.u32 s1, $0xD;
	s1 =	sshrl.u32 s1, $0x2  }
0x40: {  	s4 =	sand.u32 $0x4000, s31;
	s1 =	sadd.s32 s1, s30  }
0x41: {  	s0 =	sor.u32 s4, s0;
	s1 =	sshll.u32 s1, $0x11  }
0x42: {  	s0 =	sor.u32 s1, s0  }
0x43: {  	s0 =	sadd.s32 $0x8F2B, s0  }
0x44: {  	[sflag:s0] =	ssyncadd.remote.s32 $0x1  }
0x45: {  	_ =	sfence.sel $0xFFFF  }
0x46: {  	[dreg:$0x0] =	wrdreg $0xFFFFFFFF;
	(pc) =	sbr.abs _section_cstart, $3  }
0x47: {  	[dreg:$0x1] =	wrdreg $0xFFFFFFFF  }
0x48: {  	_ =	task.clear_ibuf [dreg:s23], $0x2FFFF;
	_ =	strace $0x9FFFFFFF  }
0x49: {  	(tm) =	ssettm $0x7FFFFFFF  }
tec
execute0_lowered:
.L_overlay_start_1:
0x0: {  	(tag) =	ssettag $0x1  }
0x1: {  	s0 =	stileid.u32;
	s1 =	srdreg.scid  }
0x2: {  	s7 =	rddreg [dreg:$0x1];
	s31 =	simm.s32 $0x2;
	s15 =	simm.s32 $0x0  }
0x3: {  	s13 =	simm.s32 $0x0;
	s2 =	sshll.u32 s0, $0x6;
	s1 =	sshll.u32 s1, $0xA  }
0x4: {  	s14 =	simm.s32 $0x0;
	s3 =	sand.u32 $0x1, s0;
	s1 =	sor.u32 s2, s1  }
0x5: {  	s10 =	simm.s32 $0x0;
	s5 =	ssub.s32 $0x2, s3;
	s1 =	sand.u32 $0x780, s1  }
0x6: {  	s8 =	sshrl.u32 s5, $0x1;
	s5 =	sand.u32 $0x1, s5;
	s4 =	ssub.s32 $0xC400, s1  }
0x7: {  	s2 =	rddreg [dreg:$0x0];
	s8 =	sadd.s32 s5, s8;
	s6 =	sand.u32 $0x780, s4  }
0x8: {  	s5 =	simm.s32 $0x1;
	p0 =	sne.s32 s6, $0x0;
	s6 =	simm.s32 $0x1  }
.Ltmp0:
0x9: {  	s9 =	sshrl.u32 s4, $0xB;
	s6 =	simm.s32 @!p0 $0x0;
	(pc) =	sbr.rel .LBB1_1-.Ltmp0, $4  }
0xa: {  	s4 =	rddreg [dreg:$0x2];
	_ =	strace $0x80000050;
	s6 =	sadd.s32 s6, s9  }
0xb: {  	s12 =	simm.s32 $0x0;
	[sflag:s5] =	ssyncpa.u1 $0x0;
	s6 =	smul.u32 s8, s6  }
0xc: {  	s7 =	sadd.s32 $0x310000, s7;
	s11 =	smov.u32 s3;
	[sflag:s31] =	ssyncpa.u1 $0x0  }
0xd: {  	p0 =	por $0x0, $0x0;
	s9 =	smov.u32 s1;
	s8 =	sadd.s32 $0x1, s6  }
.LBB1_4:
0xe: {  	s15 =	sshll.u32 s15, $0x7;
	s21 =	sshll.u32 s13, $0x3  }
0xf: {  	v5 =	vld [tilespmem:s19+$0xFFFFFFD0];
	[tilespmem:s18+$0x2040 ss:$0x81] =	vst.msk $0xffff, v4;
	s22 =	sand.u32 $0xFFFFFC00, s15;
	s21 =	sand.u32 $0xFFFFFC00, s21  }
0x10: {  	v58 =	vld [tilespmem:s19+$0xFFFFFFE0];
	[tilespmem:s18+$0x2850 ss:$0x81] =	vst.msk $0xffff, v2;
	s15 =	sand.u32 $0x380, s15;
	s21 =	sadd.s32 s21, s22  }
0x11: {  	s20 =	sshra.s32 s20, $0x2;
	v59 =	vld [tilespmem:s19+$0xFFFFFFF0];
	[tilespmem:s18+$0x3060 ss:$0x81] =	vst.msk $0xffff, v3;
	s15 =	sor.u32 s15, s21  }
0x12: {  	v60 =	vld [tilespmem:s19+$0x0];
	[tilespmem:s18+$0x0 ss:$0x81] =	vst.msk $0xffff, v0;
	s17 =	sadd.s32 s20, s17;
	s15 =	sshrl.u32 s15, $0x7  }
0x13: {  	v61 =	vld [tilespmem:s19+$0x10];
	[tilespmem:s17+$0x3870 ss:$0x81] =	vst.msk $0xffff, v1;
	s28 =	smulhi.u32 $0x14E5E0B, s15  }
0x14: {  	v62 =	vld [tilespmem:s19+$0x20];
	[tilespmem:s17+$0x810 ss:$0x81] =	vst.msk $0xffff, v5  }
0x15: {  	v63 =	vld [tilespmem:s19+$0xFFFFFFC0];
	s14 =	smul.u32 $0xC4000, s14;
	[tilespmem:s17+$0x1020 ss:$0x81] =	vst.msk $0xffff, v58;
	s18 =	sshrl.u32 s28, $0x8  }
0x16: {  	[tilespmem:s17+$0x1830 ss:$0x81] =	vst.msk $0xffff, v59;
	s18 =	smul.u32 $0xC400, s18  }
0x17: {  	s29 =	sshrl.u32 s13, $0x3;
	[tilespmem:s17+$0x2040 ss:$0x81] =	vst.msk $0xffff, v60  }
0x18: {  	s30 =	sand.u32 $0xF, s29;
	s14 =	sadd.s32 s7, s14;
	[tilespmem:s17+$0x2850 ss:$0x81] =	vst.msk $0xffff, v61;
	s15 =	ssub.s32 s15, s18  }
0x19: {  	s14 =	sadd.s32 s30, s14;
	[tilespmem:s17+$0x3060 ss:$0x81] =	vst.msk $0xffff, v62;
	s15 =	sshll.u32 s15, $0x4  }
0x1a: {  	s31 =	sand.u32 $0x7, s13;
	[tilespmem:s17+$0x0 ss:$0x81] =	vst.msk $0xffff, v63;
	s14 =	sadd.s32 s15, s14  }
0x1b: {  	[hbm4b:s14+s31] =	stream.linear.scatter [tilespmem:s16], [sflag:$0x2], $0x4000, $0x20;
	[tilespmem:$0x10100] =	vst v63  }
.LBB1_5:
0x1c: {  	s16 =	sadd.s32 $0x800, s9  }
0x1d: {  	s13 =	sadd.s32 $0x80, s10;
	s17 =	smov.u32 s10;
	p2 =	sgt.s32 s16, $0xC3FF  }
0x1e: {  	s17 =	smov.u32 @p2 s13  }
0x1f: {  	s19 =	smov.u32 s11;
	s13 =	sadd.s32 $0x2, s11;
	p3 =	sgt.s32 s17, $0x5F  }
0x20: {  	s19 =	smov.u32 @p3 s13  }
0x21: {  	s16 =	smov.u32 @p2 s1;
	p2 =	sgt.s32 s19, $0x1  }
0x22: {  	p1 =	slt.u32 s12, $0x2;
	s19 =	smov.u32 @p2 s3;
	p2 =	sne.s32 s12, s8  }
.Ltmp1:
0x23: {  	s18 =	simm.s32 @!p1 $0x2;
	(pc) =	sbr.rel @!p2 .LBB1_6-.Ltmp1, $4  }
0x24: {  	s15 =	smov.u32 s9;
	s14 =	smov.u32 s11;
	_ =	swait.ge @!p1 [sflag:s18], $0x4000  }
0x25: {  	p0 =	por !p0, !p0;
	[sflag:s18] =	ssyncset.done @!p1 $0x0;
	s9 =	smov.u32 s16  }
0x26: {  	s17 =	simm.s32 @p3 $0x0;
	s13 =	smov.u32 s10;
	[sflag:s18] =	ssyncadd.s32 @!p1 $0xFFFFC000  }
0x27: {  	s10 =	smov.u32 s17;
	s12 =	sadd.s32 $0x1, s12;
	s11 =	smov.u32 s19  }
.LBB1_1:
0x28: {  	p1 =	sge.u32 s12, s6;
	s20 =	smov.u32 s11;
	s22 =	smov.u32 s9  }
0x29: {  	s16 =	sshrl.u32 @!p1 s10, $0x3;
	s17 =	sshll.u32 @!p1 s9, $0x3;
	s18 =	sshll.u32 @!p1 s10, $0x7  }
0x2a: {  	s19 =	sand.u32 @!p1 $0x7F, s9;
	p2 =	sgt.s32 @!p1 s11, $0x1;
	s21 =	sshra.s32 @!p1 s10, $0x1F  }
0x2b: {  	s16 =	smul.u32 @!p1 $0x62000, s16;
	s17 =	sand.u32 @!p1 $0xFFFFFC00, s17;
	p2 =	por !p2, p1  }
0x2c: {  	s21 =	sand.u32 @!p1 s21, s10;
	s20 =	simm.s32 @p2 $0x1;
	p2 =	sgt.s32 @!p1 s10, $0xFFFFFFE0  }
0x2d: {  	s16 =	sadd.s32 @!p1 s16, s17;
	s17 =	sand.u32 @!p1 $0x380, s18;
	s18 =	sshra.s32 @!p1 s11, $0x1F  }
0x2e: {  	s17 =	sor.u32 @!p1 s19, s17;
	s19 =	smulhi.u32 @!p1 $0x5397829D, s16;
	s18 =	sand.u32 @!p1 s18, s11  }
0x2f: {  	p2 =	por !p2, p1;
	s18 =	sxor.u32 @!p1 $0xFFFFFFFF, s18;
	s16 =	sor.u32 @!p1 s16, s17  }
0x30: {  	s18 =	sadd.s32 @!p1 s18, s20;
	s20 =	smov.u32 s10;
	s19 =	sshrl.u32 @!p1 s19, $0xE  }
0x31: {  	p3 =	sgt.s32 @!p1 s18, $0x0;
	s20 =	simm.s32 @p2 $0xFFFFFFE0;
	s18 =	ssub.s32 @!p1 $0x1, s18  }
0x32: {  	p2 =	sgt.s32 @!p1 s9, $0xC380;
	s17 =	smulhi.u32 @!p1 $0x2AAAAAB, s19;
	s20 =	ssub.s32 @!p1 s20, s21  }
0x33: {  	p3 =	por !p3, p1;
	p2 =	por !p2, p1;
	s21 =	sadd.s32 @!p1 $0x20, s20  }
0x34: {  	s22 =	simm.s32 @p2 $0xC380;
	s20 =	ssub.s32 @!p1 $0x60, s20;
	s17 =	smul.u32 @!p1 $0x60, s17  }
0x35: {  	s18 =	simm.s32 @!p3 $0x0;
	p2 =	sgt.s32 @!p1 s21, $0x7F;
	s21 =	sshra.s32 @!p1 s9, $0x1F  }
0x36: {  	p2 =	por !p2, p1;
	s21 =	sand.u32 @!p1 s21, s9;
	s17 =	ssub.s32 @!p1 s19, s17  }
0x37: {  	s19 =	smul.u32 @!p1 $0x93000, s11;
	s21 =	ssub.s32 @!p1 s22, s21;
	s20 =	simm.s32 @!p2 $0x0  }
0x38: {  	s18 =	smul.u32 @!p1 s18, s20;
	s20 =	sadd.s32 @!p1 $0xFFFF3C80, s21  }
0x39: {  	p2 =	sgt.s32 @!p1 s20, $0x7F;
	s20 =	smulhi.u32 @!p1 $0x5397829D, s16  }
0x3a: {  	s17 =	smul.u32 @!p1 $0x1880, s17  }
0x3b: {  	s21 =	ssub.s32 @!p1 $0xC400, s21;
	p2 =	por !p2, p1;
	s20 =	sshrl.u32 @!p1 s20, $0xE  }
0x3c: {  	s21 =	simm.s32 @!p2 $0x0;
	s20 =	smul.u32 @!p1 $0xC400, s20  }
0x3d: {  	s31 =	sadd.s32 $0xFFFFFFFF, s12;
	s18 =	smul.u32 @!p1 s21, s18;
	s21 =	sxor.u32 @!p1 $0xFFFFFFFF, s12  }
0x3e: {  	s19 =	sadd.s32 @!p1 s2, s19;
	s21 =	sshll.u32 @!p1 s21, $0xE;
	s16 =	ssub.s32 @!p1 s16, s20  }
0x3f: {  	s17 =	sadd.s32 @!p1 s17, s19;
	s21 =	sand.u32 @!p1 $0x4000, s21;
	s20 =	sand.u32 @!p1 $0x7, s16  }
0x40: {  	s18 =	sand.u32 @!p1 $0x3FFFFFFF, s18;
	s16 =	sshrl.u32 @!p1 s16, $0x3;
	s19 =	sshll.u32 @!p1 s20, $0x12  }
0x41: {  	s16 =	sadd.s32 @!p1 s16, s17;
	s17 =	sor.u32 @!p1 $0x400, s19;
	s19 =	simm.s32 @!p1 $0x62000  }
0x42: {  	[tilespmem:s21], [sflag:$0x1] =	stream.strided.gather @!p1 [hbm4b:s16+s17], s18, s19, s17, $0x38;
	[tilespmem:$0x10100] =	vst v63  }
0x43: {  	p1 =	sge.u32 s31, s6  }
.Ltmp2:
0x44: {  	_ = 	snop;
	(pc) =	sbr.rel @p1 .LBB1_5-.Ltmp2, $1  }
0x45: {  	_ =	sdelay $0x3  }
0x46: {  	s16 =	sshra.s32 s14, $0x1F;
	p1 =	sgt.s32 s14, $0x1;
	s17 =	smov.u32 s14  }
0x47: {  	p2 =	sgt.s32 s13, $0xFFFFFFE0;
	s18 =	sshra.s32 s13, $0x1F;
	s16 =	sand.u32 s16, s14  }
0x48: {  	s19 =	sshra.s32 s15, $0x1F;
	s17 =	simm.s32 @!p1 $0x1;
	s16 =	sxor.u32 $0xFFFFFFFF, s16  }
0x49: {  	s18 =	sand.u32 s18, s13;
	s16 =	sadd.s32 s16, s17;
	s17 =	smov.u32 s13  }
0x4a: {  	s19 =	sand.u32 s19, s15;
	p1 =	sgt.s32 s16, $0x0;
	s17 =	simm.s32 @!p2 $0xFFFFFFE0  }
0x4b: {  	p2 =	sgt.s32 s15, $0xC380;
	s17 =	ssub.s32 s17, s18;
	s18 =	smov.u32 s15  }
0x4c: {  	s16 =	ssub.s32 $0x1, s16;
	s20 =	sadd.s32 $0x20, s17;
	s18 =	simm.s32 @!p2 $0xC380  }
0x4d: {  	s17 =	ssub.s32 $0x60, s17;
	p2 =	sgt.s32 s20, $0x7F;
	s18 =	ssub.s32 s18, s19  }
0x4e: {  	s16 =	simm.s32 @p1 $0x0;
	s17 =	simm.s32 @p2 $0x0;
	s19 =	sadd.s32 $0xFFFF3C80, s18  }
0x4f: {  	s16 =	smul.u32 s16, s17;
	p1 =	sgt.s32 s19, $0x7F;
	s17 =	ssub.s32 $0xC400, s18  }
0x50: {  	s17 =	simm.s32 @p1 $0x0  }
0x51: {  	s16 =	smul.u32 s17, s16;
	_ =	sdelay $0x1  }
0x52: {  	s17 =	simm.s32 $0x1;
	s16 =	sand.u32 $0x3FFFFFFF, s16  }
0x53: {  	s17 =	simm.s32 @!p0 $0x0;
	_ =	swait.ge [sflag:s5], s16  }
0x54: {  	s28 =	sshll.u32 s17, $0xE;
	s16 =	ssub.s32 $0x0, s16;
	[sflag:s5] =	ssyncset.done $0x0  }
0x55: {  	s29 =	sor.u32 $0x40, s28;
	[sflag:s5] =	ssyncadd.s32 s16  }
0x56: {  	s30 =	smul.u32 $0x10200, s17;
	v0 =	vld [tilespmem:s29+$0x30]  }
0x57: {  	v1 =	vld [tilespmem:s29+$0xFFFFFFD0]  }
0x58: {  	s16 =	sshrl.u32 s30, $0x2;
	v5 =	vld [tilespmem:s29+$0xFFFFFFE0]  }
0x59: {  	s17 =	sor.u32 $0x8000, s16;
	v6 =	vld [tilespmem:s29+$0xFFFFFFF0]  }
0x5a: {  	s31 =	sand.u32 $0x1, s12;
	v4 =	vld [tilespmem:s29+$0x0];
	s18 =	sadd.s32 $0x0, s17  }
0x5b: {  	s16 =	smul.u32 $0x10200, s31;
	v2 =	vld [tilespmem:s29+$0x10];
	[tilespmem:s18+$0x3870 ss:$0x81] =	vst.msk $0xffff, v0  }
0x5c: {  	v3 =	vld [tilespmem:s29+$0x20];
	[tilespmem:s18+$0x810 ss:$0x81] =	vst.msk $0xffff, v1  }
0x5d: {  	s19 =	sadd.s32 $0x80, s29;
	s16 =	sshrl.u32 s16, $0x2;
	v0 =	vld [tilespmem:s29+$0xFFFFFFC0];
	[tilespmem:s18+$0x1020 ss:$0x81] =	vst.msk $0xffff, v5  }
0x5e: {  	s21 =	simm.s32 $0x8;
	s20 =	simm.s32 $0x4;
	s16 =	sor.u32 $0x8000, s16;
	v1 =	vld [tilespmem:s19+$0x30];
	[tilespmem:s18+$0x1830 ss:$0x81] =	vst.msk $0xffff, v6  }
.LBB1_3:
0x5f: {  	p1 =	sne.s32 s21, $0x1FC;
	v5 =	vld [tilespmem:s19+$0xFFFFFFD0];
	[tilespmem:s18+$0x2040 ss:$0x81] =	vst.msk $0xffff, v4  }
0x60: {  	v6 =	vld [tilespmem:s19+$0xFFFFFFE0];
	[tilespmem:s18+$0x2850 ss:$0x81] =	vst.msk $0xffff, v2  }
0x61: {  	s22 =	sshra.s32 s20, $0x2;
	s20 =	smov.u32 s21;
	v7 =	vld [tilespmem:s19+$0xFFFFFFF0];
	[tilespmem:s18+$0x3060 ss:$0x81] =	vst.msk $0xffff, v3  }
.Ltmp3:
0x62: {  	v4 =	vld [tilespmem:s19+$0x0];
	[tilespmem:s18+$0x0 ss:$0x81] =	vst.msk $0xffff, v0;
	s18 =	sadd.s32 s22, s17;
	(pc) =	sbr.rel @p1 .LBB1_3-.Ltmp3, $4  }
0x63: {  	v2 =	vld [tilespmem:s19+$0x10];
	[tilespmem:s18+$0x3870 ss:$0x81] =	vst.msk $0xffff, v1  }
0x64: {  	[tilespmem:s18+$0x810 ss:$0x81] =	vst.msk $0xffff, v5;
	v3 =	vld [tilespmem:s19+$0x20]  }
0x65: {  	v0 =	vld [tilespmem:s19+$0xFFFFFFC0];
	[tilespmem:s18+$0x1020 ss:$0x81] =	vst.msk $0xffff, v6;
	s19 =	sadd.s32 $0x80, s19  }
0x66: {  	s21 =	sadd.s32 $0x4, s21;
	v1 =	vld [tilespmem:s19+$0x30];
	[tilespmem:s18+$0x1830 ss:$0x81] =	vst.msk $0xffff, v7  }
.Ltmp4:
0x67: {  	_ = 	snop;
	(pc) =	sbr.rel .LBB1_4-.Ltmp4, $1  }
0x68: {  	_ =	sdelay $0x3  }
.LBB1_6:
0x69: {  	_ =	sfence.sel $0x180000  }
0x6a: {  	s1 =	simm.s32 $0x1;
	[bflag:$0x0] =	sbarrier.arrive $0xFFFF  }
0x6b: {  	s31 =	simm.s32 $0x2;
	[sflag:s1] =	ssyncpa.u1 $0x1  }
0x6c: {  	[sflag:s31] =	ssyncpa.u1 $0x1  }
0x6d: {  	p0 =	sne.s32 s0, $0x0;
	_ =	strace $0x90000050  }
0x6e: {  	s0 =	sadd.s32 @!p0 $0x100000, s4;
	[bflag:$0x2] =	sbarrier.arrive $0xFFFF  }
0x6f: {  	[sflag:s0] =	ssyncadd.tile.s32 @!p0 $0x1;
	_ =	shalt  }
.Lfunc_end1:
_tile_overlayer_lowered:
.L_overlay_start_2:
0x70: {  	(tag) =	ssettag $0x2  }
0x71: {  	s0 =	rddreg [dreg:$0x0];
	s2 =	stileid.u32  }
0x72: {  	s1 =	rddreg [dreg:$0x1];
	p0 =	sne.s32 s2, $0x0  }
0x73: {  	s3 =	rddreg [dreg:$0x2];
	[bflag:$0x3] =	sbarrier.arrive $0xFFFF;
	s2 =	simm.s32 @!p0 $0x1C01  }
0x74: {  	[timem:s3], [sflag:s2] =	dma.local @!p0 [hbm:s0], s1  }
0x75: {  	s0 =	simm.s32 @!p0 $0x1  }
0x76: {  	_ =	swait.ge @!p0 [sflag:s0], s1  }
0x77: {  	s1 =	ssub.s32 @!p0 $0x0, s1;
	[sflag:s0] =	ssyncset.done @!p0 $0x0  }
0x78: {  	[sflag:s0] =	ssyncadd.s32 @!p0 s1  }
0x79: {  	[bflag:$0x3] =	sbarrier.arrive $0xFFFF  }
0x7a: {  	_ =	shalt  }

// kernel: sparse-core-data-format-call.6.cloned.1.call-start
scs
called_computation.6_lowered:
.L_overlay_start_0:
0x0: {  	s2 =	sld [smem:$0x3FD9]  }
0x1: {  	s3 =	sld [smem:$0x3FFE];
	_ =	sdelay $0x1  }
0x2: {  	s1 =	srdreg.scid  }
0x3: {  	s0 =	sand.u32 $0x1, s1  }
0x4: {  	s18 =	sshll.u32 s0, $0xA;
	s2 =	sadd.s32 s3, s2  }
0x5: {  	s2 =	sadd.s32 s2, s18  }
0x6: {  	[smem:$0x3FBC] =	sst s2  }
0x7: {  	_ = 	snop  }
0x8: {  	s19 =	sld [smem:$0x3FD0];
	(tm) =	ssettm $0x1  }
0x9: {  	s20 =	sld [smem:$0x3FFB];
	_ =	sdelay $0x3  }
0xa: {  	_ =	strace s20  }
0xb: {  	s2 =	sld [smem:$0x3FFC];
	_ =	sdelay $0x3  }
0xc: {  	_ =	strace s2  }
0xd: {  	s2 =	sld [smem:$0x3FFD];
	_ =	sdelay $0x3  }
0xe: {  	_ =	strace s2  }
0xf: {  	_ =	strace $0x8FFFFFFF  }
0x10: {  	s21 =	sld [smem:$0x3FDB];
	_ =	sdelay $0x1  }
0x11: {  	s4 =	simm.s32 $_scs_section_size  }
0x12: {  	s5 =	simm.s32 $_size__tile_overlayer_lowered;
	s6 =	simm.s32 $_tile_overlayer_lowered  }
0x13: {  	s7 =	simm.s32 $0x1BFF;
	s22 =	sshll.u32 s6, $0x1;
	s4 =	sadd.s32 s4, s21  }
0x14: {  	s23 =	simm.s32 $0x0;
	s5 =	sshll.u32 s5, $0x1;
	s6 =	sadd.s32 s22, s4  }
0x15: {  	[timem:s23], [sflag:s7] =	dma.local [hbm:s6], s5  }
0x16: {  	_ =	swait.ge [sflag:s7], s5  }
0x17: {  	s5 =	ssub.s32 $0x0, s5;
	[sflag:s7] =	ssyncset.done $0x0  }
0x18: {  	[sflag:s7] =	ssyncadd.s32 s5;
	_ =	sdelay $0x1  }
0x19: {  	s24 =	simm.s32 $0x1B8B  }
0x1a: {  	_ =	swait.ge [sflag:s24], $0x1  }
0x1b: {  	[sflag:s24] =	ssyncset.done $0x0  }
0x1c: {  	[sflag:s24] =	ssyncadd.s32 $0xFFFFFFFF  }
0x1d: {  	s5 =	sld [smem:$0x0]  }
0x1e: {  	s6 =	sand.u32 $0xFFFFFFFE, s1  }
0x1f: {  	p0 =	sne.s32 s1, s6  }
0x20: {  	s6 =	sshll.u32 @p0 s6, $0xE  }
0x21: {  	s6 =	sadd.s32 @p0 $0x11B8D, s6;
	s7 =	sshll.u32 @p0 s5, $0x11  }
0x22: {  	s6 =	sor.u32 @p0 s7, s6  }
0x23: {  	[sflag:s6] =	ssyncadd.remote.s32 @p0 $0x1;
	_ =	sdelay $0x1  }
0x24: {  	s6 =	simm.s32 @p0 $0x1B8D  }
0x25: {  	_ =	swait.eq @p0 [sflag:s6], $0x1  }
0x26: {  	[sflag:s6] =	ssyncadd.s32 @p0 $0xFFFFFFFF  }
0x27: {  	s7 =	sshll.u32 @!p0 s1, $0xE  }
0x28: {  	s7 =	sor.u32 @!p0 $0x4000, s7;
	s6 =	simm.s32 @!p0 $0x1B8D  }
0x29: {  	s5 =	sshll.u32 @!p0 s5, $0x11;
	s7 =	sadd.s32 @!p0 $0x11B8D, s7;
	_ =	swait.eq @!p0 [sflag:s6], $0x1  }
0x2a: {  	s5 =	sor.u32 @!p0 s5, s7;
	[sflag:s6] =	ssyncadd.s32 @!p0 $0xFFFFFFFF  }
0x2b: {  	s26 =	simm.s32 $0x1B8E;
	s25 =	sld [smem:$0x3FFE];
	[sflag:s5] =	ssyncadd.remote.s32 @!p0 $0x1  }
0x2c: {  	s27 =	simm.s32 $execute0_lowered;
	[smem:$0x3FD2] =	sst s26  }
0x2d: {  	s6 =	sshll.u32 s27, $0x1;
	_ =	strace $0x80000049;
	[dreg:$0x1] =	wrdreg $0xFFFFFFFF  }
0x2e: {  	s28 =	simm.s32 $_size_execute0_lowered;
	s4 =	sadd.s32 s4, s6;
	[dreg:$0x0] =	wrdreg $0x0  }
0x2f: {  	s6 =	sshll.u32 s28, $0x1;
	[dreg:$0x2] =	wrdreg s4  }
0x30: {  	[dreg:$0x3] =	wrdreg s6  }
0x31: {  	[dreg:$0x4] =	wrdreg $0xC0  }
0x32: {  	_ =	task [dreg:s23], $0x5FFFF  }
0x33: {  	[dreg:$0x1] =	wrdreg $0xFFFFFFFF  }
0x34: {  	[dreg:$0x0] =	wrdreg $0x60  }
0x35: {  	[dreg:$0x2] =	wrdreg s25  }
0x36: {  	[dreg:$0x3] =	wrdreg s19  }
0x37: {  	[dreg:$0x4] =	wrdreg $0x9  }
0x38: {  	_ =	task.clear_ibuf [dreg:s23], $0x5FFFF;
	_ =	strace $0x90000049  }
0x39: {  	s29 =	simm.s32 $0x9;
	_ =	strace $0x8000004B  }
0x3a: {  	_ =	swait.ge [sflag:s29], $0x1  }
0x3b: {  	[sflag:s29] =	ssyncadd.s32 $0xFFFFFFFF  }
0x3c: {  	_ =	strace $0x9000004B  }
0x3d: {  	_ =	sfence  }
0x3e: {  	s30 =	sld [smem:$0x0];
	_ =	sdelay $0x2  }
0x3f: {  	s31 =	sshll.u32 s1, $0xD;
	s1 =	sshrl.u32 s1, $0x2  }
0x40: {  	s4 =	sand.u32 $0x4000, s31;
	s1 =	sadd.s32 s1, s30  }
0x41: {  	s0 =	sor.u32 s4, s0;
	s1 =	sshll.u32 s1, $0x11  }
0x42: {  	s0 =	sor.u32 s1, s0  }
0x43: {  	s0 =	sadd.s32 $0x8F2B, s0  }
0x44: {  	[sflag:s0] =	ssyncadd.remote.s32 $0x1  }
0x45: {  	_ =	sfence.sel $0xFFFF  }
0x46: {  	[dreg:$0x0] =	wrdreg $0xFFFFFFFF;
	(pc) =	sbr.abs _section_cstart, $3  }
0x47: {  	[dreg:$0x1] =	wrdreg $0xFFFFFFFF  }
0x48: {  	_ =	task.clear_ibuf [dreg:s23], $0x2FFFF;
	_ =	strace $0x9FFFFFFF  }
0x49: {  	(tm) =	ssettm $0x7FFFFFFF  }
tec
execute0_lowered:
.L_overlay_start_1:
0x0: {  	(tag) =	ssettag $0x1  }
0x1: {  	s7 =	rddreg [dreg:$0x0]  }
0x2: {  	s0 =	stileid.u32;
	s3 =	rddreg [dreg:$0x1]  }
0x3: {  	s4 =	srdreg.scid;
	s1 =	rddreg [dreg:$0x2]  }
0x4: {  	_ =	strace $0x8000004A;
	s31 =	simm.s32 $0x2;
	s13 =	simm.s32 $0x0  }
0x5: {  	s14 =	simm.s32 $0x0;
	s10 =	simm.s32 $0x0;
	s2 =	sshll.u32 s0, $0x7  }
0x6: {  	s12 =	simm.s32 $0x0;
	s4 =	sand.u32 $0x1, s4;
	s5 =	ssub.s32 $0xC400, s2  }
0x7: {  	s8 =	ssub.s32 $0x2, s4;
	s30 =	sshll.u32 s4, $0x4;
	s6 =	sand.u32 $0x780, s5  }
0x8: {  	s5 =	sshrl.u32 s5, $0xB;
	p0 =	sne.s32 s6, $0x0;
	s6 =	simm.s32 $0x1  }
.Ltmp0:
0x9: {  	s9 =	sshrl.u32 s8, $0x1;
	s6 =	simm.s32 @!p0 $0x0;
	(pc) =	sbr.rel .LBB1_1-.Ltmp0, $4  }
0xa: {  	s11 =	smov.u32 s2;
	s8 =	ssub.s32 s8, s9;
	s6 =	sadd.s32 s6, s5  }
0xb: {  	s7 =	sadd.s32 s30, s7;
	s5 =	simm.s32 $0x1;
	s6 =	smul.u32 s8, s6  }
0xc: {  	s7 =	sadd.s32 $0x310000, s7;
	s9 =	simm.s32 $0x62000;
	[sflag:s5] =	ssyncpa.u1 $0x0  }
0xd: {  	p0 =	por $0x0, $0x0;
	[sflag:s31] =	ssyncpa.u1 $0x0;
	s8 =	sadd.s32 $0x1, s6  }
.LBB1_4:
0xe: {  	s20 =	sshll.u32 s10, $0x3  }
0xf: {  	s21 =	sand.u32 $0x7F, s10;
	s22 =	sand.u32 $0xFFFFFC00, s20;
	s20 =	smulhi.u32 $0x5397829D, s20  }
0x10: {  	v5 =	vld [tilespmem:s16+$0xFFFFFFD0];
	[tilespmem:s18+$0x2040 ss:$0x81] =	vst.msk $0xffff, v3;
	s21 =	sor.u32 s21, s22  }
0x11: {  	v58 =	vld [tilespmem:s16+$0xFFFFFFE0];
	[tilespmem:s18+$0x2850 ss:$0x81] =	vst.msk $0xffff, v4;
	s22 =	smulhi.u32 $0x5397829D, s21;
	s20 =	sshrl.u32 s20, $0xE  }
0x12: {  	s19 =	sshra.s32 s19, $0x2;
	v59 =	vld [tilespmem:s16+$0xFFFFFFF0];
	[tilespmem:s18+$0x3060 ss:$0x81] =	vst.msk $0xffff, v2;
	s23 =	smulhi.u32 $0x2AAAAAB, s20  }
0x13: {  	v60 =	vld [tilespmem:s16+$0x0];
	[tilespmem:s18+$0x0 ss:$0x81] =	vst.msk $0xffff, v0;
	p1 =	sgt.s32 s10, $0xC380;
	s27 =	sshra.s32 s10, $0x1F;
	s17 =	sadd.s32 s19, s17  }
0x14: {  	v61 =	vld [tilespmem:s16+$0x10];
	[tilespmem:s17+$0x3870 ss:$0x81] =	vst.msk $0xffff, v1;
	s25 =	sshrl.u32 s22, $0xE;
	s22 =	smov.u32 s10;
	s26 =	smul.u32 $0x60, s23  }
0x15: {  	v62 =	vld [tilespmem:s16+$0x20];
	s14 =	smul.u32 $0x93000, s14;
	[tilespmem:s17+$0x810 ss:$0x81] =	vst.msk $0xffff, v5;
	s22 =	simm.s32 @!p1 $0xC380;
	s23 =	sand.u32 s27, s10  }
0x16: {  	v63 =	vld [tilespmem:s16+$0xFFFFFFC0];
	[tilespmem:s17+$0x1020 ss:$0x81] =	vst.msk $0xffff, v58;
	s18 =	smul.u32 $0xC400, s25;
	s29 =	ssub.s32 s22, s23;
	s28 =	ssub.s32 s20, s26  }
0x17: {  	s14 =	sadd.s32 s3, s14;
	[tilespmem:s17+$0x1830 ss:$0x81] =	vst.msk $0xffff, v59;
	s30 =	ssub.s32 $0xC400, s29;
	s16 =	smul.u32 $0x1880, s28  }
0x18: {  	[tilespmem:s17+$0x2040 ss:$0x81] =	vst.msk $0xffff, v60;
	s18 =	ssub.s32 s21, s18;
	s19 =	sadd.s32 $0xFFFF3C80, s29;
	s20 =	smul.u32 $0x60, s30  }
0x19: {  	[tilespmem:s17+$0x2850 ss:$0x81] =	vst.msk $0xffff, v61;
	p1 =	sgt.s32 s19, $0x7F;
	s31 =	sand.u32 $0x7, s18;
	s18 =	sshrl.u32 s18, $0x3  }
0x1a: {  	[tilespmem:s17+$0x3060 ss:$0x81] =	vst.msk $0xffff, v62;
	s14 =	sadd.s32 s16, s14;
	s19 =	sand.u32 $0x3FFFFFE0, s20;
	s16 =	sshll.u32 s31, $0x12  }
0x1b: {  	[tilespmem:s17+$0x0 ss:$0x81] =	vst.msk $0xffff, v63;
	s19 =	simm.s32 @p1 $0x0;
	s14 =	sadd.s32 s18, s14;
	s16 =	sor.u32 $0x400, s16  }
0x1c: {  	[hbm4b:s14+s16] =	stream.strided.scatter [tilespmem:s15], [sflag:$0x2], s19, s9, s16, $0x20;
	[tilespmem:$0x10100] =	vst v63  }
.LBB1_5:
0x1d: {  	p1 =	slt.u32 s12, $0x2  }
0x1e: {  	p2 =	sgt.s32 @!p1 s13, $0xC380  }
0x1f: {  	s14 =	smov.u32 s13;
	s15 =	sshra.s32 @!p1 s13, $0x1F;
	p2 =	por !p2, p1  }
0x20: {  	s13 =	sand.u32 @!p1 s15, s13;
	s14 =	simm.s32 @p2 $0xC380  }
0x21: {  	s13 =	ssub.s32 @!p1 s14, s13  }
0x22: {  	s14 =	ssub.s32 @!p1 $0xC400, s13  }
0x23: {  	s13 =	sadd.s32 @!p1 $0xFFFF3C80, s13;
	s14 =	smul.u32 @!p1 $0x60, s14  }
0x24: {  	p2 =	sgt.s32 @!p1 s13, $0x7F  }
0x25: {  	s15 =	sadd.s32 $0x800, s11;
	p2 =	por !p2, p1;
	s13 =	sand.u32 @!p1 $0x3FFFFFE0, s14  }
0x26: {  	s13 =	simm.s32 @!p2 $0x0;
	p2 =	sgt.s32 s15, $0xC3FF  }
0x27: {  	s15 =	smov.u32 @p2 s2;
	p2 =	sne.s32 s12, s8  }
.Ltmp1:
0x28: {  	_ = 	snop;
	(pc) =	sbr.rel @!p2 .LBB1_6-.Ltmp1, $4  }
0x29: {  	p0 =	por !p0, !p0;
	s14 =	simm.s32 @!p1 $0x2  }
0x2a: {  	_ =	swait.ge @!p1 [sflag:s14], s13;
	s16 =	ssub.s32 @!p1 $0x0, s13;
	s13 =	smov.u32 s10  }
0x2b: {  	s12 =	sadd.s32 $0x1, s12;
	s10 =	smov.u32 s11;
	[sflag:s14] =	ssyncset.done @!p1 $0x0  }
0x2c: {  	s11 =	smov.u32 s15;
	[sflag:s14] =	ssyncadd.s32 @!p1 s16;
	s14 =	smov.u32 s4  }
.LBB1_1:
0x2d: {  	p1 =	sge.u32 s12, s6  }
0x2e: {  	s31 =	sadd.s32 $0xFFFFFFFF, s12;
	s15 =	sxor.u32 @!p1 $0xFFFFFFFF, s12  }
0x2f: {  	s16 =	sshll.u32 @!p1 s11, $0x5;
	s17 =	simm.s32 @!p1 $0x80;
	s15 =	sshll.u32 @!p1 s15, $0xE  }
0x30: {  	s18 =	simm.s32 @!p1 $0x100;
	s16 =	sadd.s32 @!p1 s16, s7;
	s15 =	sand.u32 @!p1 $0x4000, s15  }
0x31: {  	[tilespmem:s15], [sflag:$0x1] =	stream.strided.gather @!p1 [hbm4b:s16+s17], $0x4000, s18, s17, $0x38;
	[tilespmem:$0x10100] =	vst v63  }
0x32: {  	p1 =	sge.u32 s31, s6  }
.Ltmp2:
0x33: {  	_ = 	snop;
	(pc) =	sbr.rel @p1 .LBB1_5-.Ltmp2, $1  }
0x34: {  	_ =	sdelay $0x3  }
0x35: {  	s15 =	simm.s32 $0x1  }
0x36: {  	_ =	swait.ge [sflag:s5], $0x4000;
	s15 =	simm.s32 @!p0 $0x0  }
0x37: {  	[sflag:s5] =	ssyncset.done $0x0;
	s16 =	sshll.u32 s15, $0xE  }
0x38: {  	[sflag:s5] =	ssyncadd.s32 $0xFFFFC000;
	s16 =	sor.u32 $0x40, s16  }
0x39: {  	s15 =	smul.u32 $0x10200, s15;
	v0 =	vld [tilespmem:s16+$0x30]  }
0x3a: {  	v1 =	vld [tilespmem:s16+$0xFFFFFFD0]  }
0x3b: {  	s15 =	sshrl.u32 s15, $0x2;
	v5 =	vld [tilespmem:s16+$0xFFFFFFE0]  }
0x3c: {  	v6 =	vld [tilespmem:s16+$0xFFFFFFF0];
	s17 =	sor.u32 $0x8000, s15  }
0x3d: {  	s31 =	sand.u32 $0x1, s12;
	v3 =	vld [tilespmem:s16+$0x0];
	s18 =	sadd.s32 $0x0, s17  }
0x3e: {  	v4 =	vld [tilespmem:s16+$0x10];
	s15 =	smul.u32 $0x10200, s31;
	[tilespmem:s18+$0x3870 ss:$0x81] =	vst.msk $0xffff, v0  }
0x3f: {  	v2 =	vld [tilespmem:s16+$0x20];
	[tilespmem:s18+$0x810 ss:$0x81] =	vst.msk $0xffff, v1  }
0x40: {  	s15 =	sshrl.u32 s15, $0x2;
	v0 =	vld [tilespmem:s16+$0xFFFFFFC0];
	[tilespmem:s18+$0x1020 ss:$0x81] =	vst.msk $0xffff, v5;
	s16 =	sadd.s32 $0x80, s16  }
0x41: {  	s19 =	simm.s32 $0x4;
	s20 =	simm.s32 $0x8;
	s15 =	sor.u32 $0x8000, s15;
	[tilespmem:s18+$0x1830 ss:$0x81] =	vst.msk $0xffff, v6;
	v1 =	vld [tilespmem:s16+$0x30]  }
.LBB1_3:
0x42: {  	p1 =	sne.s32 s20, $0x1FC;
	v5 =	vld [tilespmem:s16+$0xFFFFFFD0];
	[tilespmem:s18+$0x2040 ss:$0x81] =	vst.msk $0xffff, v3  }
0x43: {  	v6 =	vld [tilespmem:s16+$0xFFFFFFE0];
	[tilespmem:s18+$0x2850 ss:$0x81] =	vst.msk $0xffff, v4  }
0x44: {  	s21 =	sshra.s32 s19, $0x2;
	s19 =	smov.u32 s20;
	v7 =	vld [tilespmem:s16+$0xFFFFFFF0];
	[tilespmem:s18+$0x3060 ss:$0x81] =	vst.msk $0xffff, v2  }
.Ltmp3:
0x45: {  	v3 =	vld [tilespmem:s16+$0x0];
	[tilespmem:s18+$0x0 ss:$0x81] =	vst.msk $0xffff, v0;
	s18 =	sadd.s32 s21, s17;
	(pc) =	sbr.rel @p1 .LBB1_3-.Ltmp3, $4  }
0x46: {  	v4 =	vld [tilespmem:s16+$0x10];
	[tilespmem:s18+$0x3870 ss:$0x81] =	vst.msk $0xffff, v1  }
0x47: {  	[tilespmem:s18+$0x810 ss:$0x81] =	vst.msk $0xffff, v5;
	v2 =	vld [tilespmem:s16+$0x20]  }
0x48: {  	v0 =	vld [tilespmem:s16+$0xFFFFFFC0];
	[tilespmem:s18+$0x1020 ss:$0x81] =	vst.msk $0xffff, v6;
	s16 =	sadd.s32 $0x80, s16  }
0x49: {  	s20 =	sadd.s32 $0x4, s20;
	v1 =	vld [tilespmem:s16+$0x30];
	[tilespmem:s18+$0x1830 ss:$0x81] =	vst.msk $0xffff, v7  }
.Ltmp4:
0x4a: {  	_ = 	snop;
	(pc) =	sbr.rel .LBB1_4-.Ltmp4, $1  }
0x4b: {  	_ =	sdelay $0x3  }
.LBB1_6:
0x4c: {  	_ =	sfence.sel $0x180000  }
0x4d: {  	s2 =	simm.s32 $0x1;
	[bflag:$0x0] =	sbarrier.arrive $0xFFFF  }
0x4e: {  	s31 =	simm.s32 $0x2;
	[sflag:s2] =	ssyncpa.u1 $0x1  }
0x4f: {  	[sflag:s31] =	ssyncpa.u1 $0x1  }
0x50: {  	p0 =	sne.s32 s0, $0x0;
	_ =	strace $0x9000004A  }
0x51: {  	s0 =	sadd.s32 @!p0 $0x100000, s1;
	[bflag:$0x2] =	sbarrier.arrive $0xFFFF  }
0x52: {  	[sflag:s0] =	ssyncadd.tile.s32 @!p0 $0x1;
	_ =	shalt  }
.Lfunc_end1:
_tile_overlayer_lowered:
.L_overlay_start_2:
0x53: {  	(tag) =	ssettag $0x2  }
0x54: {  	s0 =	rddreg [dreg:$0x0];
	s2 =	stileid.u32  }
0x55: {  	s1 =	rddreg [dreg:$0x1];
	p0 =	sne.s32 s2, $0x0  }
0x56: {  	s3 =	rddreg [dreg:$0x2];
	[bflag:$0x3] =	sbarrier.arrive $0xFFFF;
	s2 =	simm.s32 @!p0 $0x1C01  }
0x57: {  	[timem:s3], [sflag:s2] =	dma.local @!p0 [hbm:s0], s1  }
0x58: {  	s0 =	simm.s32 @!p0 $0x1  }
0x59: {  	_ =	swait.ge @!p0 [sflag:s0], s1  }
0x5a: {  	s1 =	ssub.s32 @!p0 $0x0, s1;
	[sflag:s0] =	ssyncset.done @!p0 $0x0  }
0x5b: {  	[sflag:s0] =	ssyncadd.s32 @!p0 s1  }
0x5c: {  	[bflag:$0x3] =	sbarrier.arrive $0xFFFF  }
0x5d: {  	_ =	shalt  }

// kernel: sparse-core-data-format-call.cloned.1.call-start
scs
called_computation_lowered:
.L_overlay_start_0:
0x0: {  	s2 =	sld [smem:$0x3FD9]  }
0x1: {  	s3 =	sld [smem:$0x3FFE];
	_ =	sdelay $0x1  }
0x2: {  	s1 =	srdreg.scid  }
0x3: {  	s0 =	sand.u32 $0x1, s1  }
0x4: {  	s18 =	sshll.u32 s0, $0xA;
	s2 =	sadd.s32 s3, s2  }
0x5: {  	s2 =	sadd.s32 s2, s18  }
0x6: {  	[smem:$0x3FBC] =	sst s2  }
0x7: {  	_ = 	snop  }
0x8: {  	s2 =	sld [smem:$0x3FD0];
	(tm) =	ssettm $0x1  }
0x9: {  	s19 =	sld [smem:$0x3FFB];
	_ =	sdelay $0x3  }
0xa: {  	_ =	strace s19  }
0xb: {  	s3 =	sld [smem:$0x3FFC];
	_ =	sdelay $0x3  }
0xc: {  	_ =	strace s3  }
0xd: {  	s3 =	sld [smem:$0x3FFD];
	_ =	sdelay $0x3  }
0xe: {  	_ =	strace s3  }
0xf: {  	_ =	strace $0x8FFFFFFF  }
0x10: {  	s20 =	sld [smem:$0x3FDB];
	_ =	sdelay $0x1  }
0x11: {  	s4 =	simm.s32 $_scs_section_size  }
0x12: {  	s5 =	simm.s32 $_size__tile_overlayer_lowered;
	s6 =	simm.s32 $_tile_overlayer_lowered  }
0x13: {  	s23 =	simm.s32 $0x1BFF;
	s22 =	sshll.u32 s6, $0x1;
	s3 =	sadd.s32 s4, s20  }
0x14: {  	s7 =	simm.s32 $0x0;
	s21 =	sshll.u32 s5, $0x1;
	s5 =	sadd.s32 s22, s3  }
0x15: {  	[timem:s7], [sflag:s23] =	dma.local [hbm:s5], s21  }
0x16: {  	_ =	swait.ge [sflag:s23], s21  }
0x17: {  	s4 =	ssub.s32 $0x0, s21;
	[sflag:s23] =	ssyncset.done $0x0  }
0x18: {  	[sflag:s23] =	ssyncadd.s32 s4;
	_ =	sdelay $0x1  }
0x19: {  	s24 =	simm.s32 $0x1B8B  }
0x1a: {  	_ =	swait.ge [sflag:s24], $0x1  }
0x1b: {  	[sflag:s24] =	ssyncset.done $0x0  }
0x1c: {  	s26 =	simm.s32 $0x1B8E;
	s25 =	sld [smem:$0x3FFE];
	[sflag:s24] =	ssyncadd.s32 $0xFFFFFFFF  }
0x1d: {  	s27 =	simm.s32 $execute0_lowered;
	[smem:$0x3FD2] =	sst s26  }
0x1e: {  	s5 =	sshll.u32 s27, $0x1;
	_ =	strace $0x8000005B;
	[dreg:$0x1] =	wrdreg $0xFFFFFFFF  }
0x1f: {  	s28 =	simm.s32 $_size_execute0_lowered;
	s3 =	sadd.s32 s3, s5;
	[dreg:$0x0] =	wrdreg $0x0  }
0x20: {  	s5 =	sshll.u32 s28, $0x1;
	[dreg:$0x2] =	wrdreg s3  }
0x21: {  	[dreg:$0x3] =	wrdreg s5  }
0x22: {  	[dreg:$0x4] =	wrdreg $0xC0  }
0x23: {  	_ =	task [dreg:s7], $0x5FFFF  }
0x24: {  	[dreg:$0x1] =	wrdreg $0xFFFFFFFF  }
0x25: {  	[dreg:$0x0] =	wrdreg $0x60  }
0x26: {  	[dreg:$0x2] =	wrdreg s25  }
0x27: {  	[dreg:$0x3] =	wrdreg s2  }
0x28: {  	[dreg:$0x4] =	wrdreg $0x9  }
0x29: {  	_ =	task.clear_ibuf [dreg:s7], $0x5FFFF;
	_ =	strace $0x9000005B  }
0x2a: {  	s29 =	simm.s32 $0x9;
	_ =	strace $0x8000005D  }
0x2b: {  	_ =	swait.ge [sflag:s29], $0x1  }
0x2c: {  	[sflag:s29] =	ssyncadd.s32 $0xFFFFFFFF  }
0x2d: {  	_ =	strace $0x9000005D  }
0x2e: {  	_ =	sfence  }
0x2f: {  	s30 =	sld [smem:$0x0];
	_ =	sdelay $0x2  }
0x30: {  	s31 =	sshll.u32 s1, $0xD;
	s1 =	sshrl.u32 s1, $0x2  }
0x31: {  	s3 =	sand.u32 $0x4000, s31;
	s1 =	sadd.s32 s1, s30  }
0x32: {  	s0 =	sor.u32 s3, s0;
	s1 =	sshll.u32 s1, $0x11  }
0x33: {  	s0 =	sor.u32 s1, s0  }
0x34: {  	s0 =	sadd.s32 $0x8F2B, s0  }
0x35: {  	[sflag:s0] =	ssyncadd.remote.s32 $0x1  }
0x36: {  	_ =	sfence.sel $0xFFFF  }
0x37: {  	[dreg:$0x0] =	wrdreg $0xFFFFFFFF;
	(pc) =	sbr.abs _section_cstart, $3  }
0x38: {  	[dreg:$0x1] =	wrdreg $0xFFFFFFFF  }
0x39: {  	_ =	task.clear_ibuf [dreg:s7], $0x2FFFF;
	_ =	strace $0x9FFFFFFF  }
0x3a: {  	(tm) =	ssettm $0x7FFFFFFF  }
0x3b: {  	_ =	shalt  }
tec
execute0_lowered:
.L_overlay_start_1:
0x0: {  	(tag) =	ssettag $0x1  }
0x1: {  	s3 =	stileid.u32;
	s0 =	srdreg.scid;
	_ =	strace $0x8000005C  }
0x2: {  	s29 =	simm.s32 $0x1;
	s31 =	simm.s32 $0x2;
	s22 =	simm.s32 $0x0  }
0x3: {  	s24 =	simm.s32 $0x0;
	s23 =	simm.s32 $0x0;
	s25 =	simm.s32 $0x0  }
0x4: {  	s13 =	simm.s32 $0x0;
	s14 =	simm.s32 $0x0;
	s15 =	simm.s32 $0x0  }
0x5: {  	s17 =	simm.s32 $0x0;
	s16 =	simm.s32 $0x0;
	s8 =	sand.u32 $0x1, s3  }
0x6: {  	s0 =	sshll.u32 s0, $0x4;
	s30 =	sshll.u32 s3, $0x6;
	[sflag:s29] =	ssyncpa.u1 $0x0  }
0x7: {  	s1 =	ssub.s32 $0x2, s8;
	s0 =	sand.u32 $0x10, s0;
	s11 =	sand.u32 $0x80, s30  }
0x8: {  	[dreg:$0x3] =	wrdreg s8;
	s2 =	sshrl.u32 s1, $0x1;
	s1 =	sand.u32 $0x1, s1  }
.Ltmp0:
0x9: {  	s0 =	sor.u32 s3, s0;
	s1 =	sadd.s32 s1, s2;
	(pc) =	sbr.rel .LBB1_1-.Ltmp0, $4  }
0xa: {  	[dreg:$0x6] =	wrdreg s11;
	s9 =	sshrl.u32 s0, $0x2;
	s10 =	smul.u32 $0x18, s1  }
0xb: {  	s21 =	simm.s32 $0x0;
	[sflag:s31] =	ssyncpa.u1 $0x0;
	[dreg:$0x4] =	wrdreg s9  }
0xc: {  	s20 =	smov.u32 s8;
	s12 =	sor.u32 $0x1, s10;
	[dreg:$0x5] =	wrdreg s10  }
0xd: {  	s19 =	smov.u32 s11;
	s18 =	smov.u32 s9;
	[dreg:$0x7] =	wrdreg s12  }
.LBB1_18:
0xe: {  	s13 =	rddreg [dreg:$0x8]  }
0xf: {  	s15 =	rddreg [dreg:$0xa]  }
0x10: {  	s4 =	rddreg [dreg:$0x17]  }
0x11: {  	s19 =	rddreg [dreg:$0x18]  }
0x12: {  	s20 =	rddreg [dreg:$0x15]  }
0x13: {  	s22 =	rddreg [dreg:$0x16]  }
0x14: {  	s17 =	rddreg [dreg:$0xc]  }
0x15: {  	s14 =	rddreg [dreg:$0x9]  }
0x16: {  	s26 =	rddreg [dreg:$0x1]  }
0x17: {  	s29 =	rddreg [dreg:$0x19]  }
0x18: {  	s8 =	rddreg [dreg:$0x3]  }
0x19: {  	s9 =	rddreg [dreg:$0x4]  }
0x1a: {  	s10 =	rddreg [dreg:$0x5]  }
0x1b: {  	s11 =	rddreg [dreg:$0x6]  }
0x1c: {  	s12 =	rddreg [dreg:$0x7]  }
0x1d: {  	s31 =	simm.s32 $0x800;
	s16 =	rddreg [dreg:$0xb];
	s0 =	sshll.u32 s13, $0x8  }
0x1e: {  	p0 =	sgt.s32 s15, $0x80;
	s1 =	smov.u32 s15;
	s2 =	sshll.u32 s15, $0x3  }
0x1f: {  	s3 =	sshll.u32 s13, $0x7;
	s23 =	sand.u32 $0x78, s15;
	s24 =	smul.u32 $0xA8000, s17  }
0x20: {  	s25 =	smul.u32 $0x1C00, s14;
	s27 =	sand.u32 $0x7, s15;
	s0 =	sand.u32 $0xFFFFF800, s0  }
0x21: {  	s1 =	simm.s32 @!p0 $0x80;
	s2 =	sand.u32 $0xFFFFFC00, s2;
	s18 =	sand.u32 $0x300, s3  }
0x22: {  	p0 =	sgt.s32 s13, $0x60;
	s3 =	sand.u32 $0x80, s3;
	s28 =	sshll.u32 s27, $0x12  }
0x23: {  	s1 =	sadd.s32 s4, s1;
	s0 =	sadd.s32 s2, s0;
	s30 =	sor.u32 $0x400, s28  }
0x24: {  	s4 =	sadd.s32 $0xFFFFFF80, s1;
	s1 =	ssub.s32 $0x100, s1;
	s0 =	sor.u32 s18, s0  }
0x25: {  	s18 =	rddreg [dreg:$0xd];
	p1 =	sgt.s32 s4, $0x7F;
	s4 =	smov.u32 s13  }
0x26: {  	s0 =	sshrl.u32 s0, $0x8;
	s4 =	simm.s32 @!p0 $0x60;
	s1 =	simm.s32 @p1 $0x0  }
0x27: {  	s21 =	smulhi.u32 $0x124924A, s0;
	s2 =	sadd.s32 s19, s4;
	s19 =	rddreg [dreg:$0xe]  }
0x28: {  	s1 =	smul.u32 s20, s1;
	s20 =	rddreg [dreg:$0xf];
	s5 =	sadd.s32 $0xFFFFFFA0, s2  }
0x29: {  	s2 =	ssub.s32 $0xE0, s2;
	s4 =	smul.u32 $0xE0, s21;
	s21 =	rddreg [dreg:$0x10]  }
0x2a: {  	p0 =	sgt.s32 s5, $0x7F;
	s1 =	smul.u32 s22, s1;
	s22 =	rddreg [dreg:$0x11]  }
0x2b: {  	s2 =	simm.s32 @p0 $0x0;
	s0 =	ssub.s32 s0, s4;
	s4 =	sadd.s32 s26, s24  }
0x2c: {  	s24 =	rddreg [dreg:$0x13];
	s1 =	smul.u32 s2, s1;
	s2 =	sor.u32 s23, s3  }
0x2d: {  	s3 =	sadd.s32 s25, s4;
	s0 =	sshll.u32 s0, $0x5;
	s2 =	sshrl.u32 s2, $0x3  }
0x2e: {  	s4 =	sor.u32 $0x8000, s29;
	s23 =	rddreg [dreg:$0x12];
	s2 =	sadd.s32 s2, s3  }
0x2f: {  	s25 =	rddreg [dreg:$0x14];
	s1 =	sand.u32 $0x3FFFFFFF, s1;
	s0 =	sadd.s32 s0, s2  }
0x30: {  	[hbm4b:s0+s30] =	stream.strided.scatter [tilespmem:s4], [sflag:$0x2], s1, s31, s30, $0x20;
	[tilespmem:$0x10100] =	vst v63  }
.LBB1_19:
0x31: {  	p0 =	slt.u32 s21, $0x2  }
0x32: {  	s1 =	smov.u32 s25;
	p1 =	sgt.s32 @!p0 s25, $0x1;
	s0 =	sshra.s32 @!p0 s25, $0x1F  }
0x33: {  	s2 =	sshra.s32 @!p0 s24, $0x1F;
	s3 =	sshra.s32 @!p0 s23, $0x1F;
	s4 =	sshra.s32 @!p0 s22, $0x1F  }
0x34: {  	p1 =	por !p1, p0;
	s0 =	sand.u32 @!p0 s0, s25;
	s2 =	sand.u32 @!p0 s2, s24  }
0x35: {  	s3 =	sand.u32 @!p0 s3, s23;
	s4 =	sand.u32 @!p0 s4, s22;
	s25 =	smov.u32 s17  }
0x36: {  	s1 =	simm.s32 @p1 $0x1;
	s0 =	sxor.u32 @!p0 $0xFFFFFFFF, s0;
	p1 =	sgt.s32 @!p0 s24, $0x5F  }
0x37: {  	s0 =	sadd.s32 @!p0 s0, s1;
	p1 =	por !p1, p0;
	s1 =	smov.u32 s24  }
0x38: {  	s17 =	smov.u32 s20;
	p2 =	sgt.s32 @!p0 s0, $0x0;
	s1 =	simm.s32 @p1 $0x5F  }
0x39: {  	s0 =	ssub.s32 @!p0 $0x1, s0;
	p1 =	por !p2, p0;
	s1 =	ssub.s32 @!p0 s1, s2  }
0x3a: {  	s0 =	simm.s32 @!p1 $0x0;
	s2 =	sadd.s32 @!p0 $0xFFFFFFA1, s1;
	p1 =	sgt.s32 @!p0 s23, $0x80  }
0x3b: {  	p2 =	sgt.s32 @!p0 s2, $0x0;
	p1 =	por !p1, p0;
	s2 =	smov.u32 s23  }
0x3c: {  	s1 =	ssub.s32 @!p0 $0x60, s1;
	s2 =	simm.s32 @p1 $0x80;
	p1 =	sgt.s32 @!p0 s22, $0x60  }
0x3d: {  	p2 =	por !p2, p0;
	s2 =	ssub.s32 @!p0 s2, s3;
	p1 =	por !p1, p0  }
0x3e: {  	s3 =	smov.u32 s22;
	s1 =	simm.s32 @!p2 $0x0;
	s5 =	sadd.s32 @!p0 $0xFFFFFF80, s2  }
0x3f: {  	s3 =	simm.s32 @p1 $0x60;
	s2 =	ssub.s32 @!p0 $0x100, s2;
	p1 =	sgt.s32 @!p0 s5, $0x7F  }
0x40: {  	s3 =	ssub.s32 @!p0 s3, s4;
	s5 =	smov.u32 s18;
	p1 =	por !p1, p0  }
0x41: {  	s4 =	sadd.s32 @!p0 $0xFFFFFFA0, s3;
	s3 =	ssub.s32 @!p0 $0xE0, s3;
	s2 =	simm.s32 @!p1 $0x0  }
0x42: {  	p1 =	sgt.s32 @!p0 s4, $0x7F;
	s0 =	smul.u32 @!p0 s0, s2;
	s2 =	sadd.s32 $0x80, s16  }
0x43: {  	s4 =	sadd.s32 $0x8, s18;
	p1 =	por !p1, p0;
	p2 =	sgt.s32 s2, $0xDF  }
0x44: {  	s3 =	simm.s32 @!p1 $0x0;
	s0 =	smul.u32 @!p0 s1, s0;
	s5 =	smov.u32 @p2 s4  }
0x45: {  	s1 =	sadd.s32 $0x100, s19;
	s4 =	smov.u32 s19;
	p1 =	sgt.s32 s5, $0x5F  }
0x46: {  	s2 =	simm.s32 @p2 $0x0;
	s0 =	smul.u32 @!p0 s3, s0;
	s4 =	smov.u32 @p1 s1  }
0x47: {  	s1 =	sadd.s32 $0x2, s20;
	s3 =	smov.u32 s20;
	p2 =	sgt.s32 s4, $0xDF  }
0x48: {  	s24 =	smov.u32 s14;
	s14 =	smov.u32 s18;
	s3 =	smov.u32 @p2 s1  }
0x49: {  	s23 =	smov.u32 s15;
	s5 =	smov.u32 @p1 s9;
	p1 =	sgt.s32 s3, $0x1  }
0x4a: {  	s15 =	smov.u32 s19;
	s3 =	smov.u32 @p1 s8;
	p1 =	sne.s32 s21, s12  }
.Ltmp1:
0x4b: {  	s22 =	smov.u32 s13;
	s13 =	smov.u32 s16;
	(pc) =	sbr.rel @!p1 .LBB1_20-.Ltmp1, $4  }
0x4c: {  	s16 =	smov.u32 s2;
	s0 =	sand.u32 @!p0 $0x3FFFFFFF, s0;
	s1 =	simm.s32 @!p0 $0x2  }
0x4d: {  	s18 =	smov.u32 s5;
	s4 =	smov.u32 @p2 s11;
	_ =	swait.ge @!p0 [sflag:s1], s0  }
0x4e: {  	s0 =	ssub.s32 @!p0 $0x0, s0;
	s19 =	smov.u32 s4;
	[sflag:s1] =	ssyncset.done @!p0 $0x0  }
0x4f: {  	s21 =	sadd.s32 $0x1, s21;
	[sflag:s1] =	ssyncadd.s32 @!p0 s0;
	s20 =	smov.u32 s3  }
.LBB1_1:
0x50: {  	p0 =	sge.u32 s21, s10  }
.Ltmp2:
0x51: {  	_ = 	snop;
	(pc) =	sbr.rel @p0 .LBB1_3-.Ltmp2, $1  }
0x52: {  	_ =	sdelay $0x3  }
0x53: {  	s0 =	sand.u32 $0x78, s16;
	s1 =	sshll.u32 s18, $0x8;
	s2 =	sshll.u32 s16, $0x3  }
0x54: {  	s3 =	sshll.u32 s18, $0x7;
	p0 =	sgt.s32 s20, $0x1;
	s6 =	sshra.s32 s20, $0x1F  }
0x55: {  	s4 =	smov.u32 s19;
	s26 =	sshra.s32 s18, $0x1F;
	s28 =	sshra.s32 s16, $0x1F  }
0x56: {  	s29 =	sxor.u32 $0xFFFFFFFF, s21;
	s31 =	smul.u32 $0xA8000, s20;
	s1 =	sand.u32 $0xFFFFF800, s1  }
0x57: {  	s2 =	sand.u32 $0xFFFFFC00, s2;
	s5 =	sand.u32 $0x300, s3;
	s3 =	sand.u32 $0x80, s3  }
0x58: {  	s27 =	sand.u32 s26, s18;
	s1 =	sadd.s32 s1, s2;
	s0 =	sor.u32 s0, s3  }
0x59: {  	s2 =	smov.u32 s20;
	s3 =	sand.u32 s6, s20;
	s1 =	sor.u32 s5, s1  }
0x5a: {  	s2 =	simm.s32 @!p0 $0x1;
	p0 =	sgt.s32 s19, $0x60;
	s5 =	sshra.s32 s19, $0x1F  }
0x5b: {  	s3 =	sxor.u32 $0xFFFFFFFF, s3;
	s0 =	sshrl.u32 s0, $0x3;
	s1 =	sshrl.u32 s1, $0x8  }
0x5c: {  	s4 =	simm.s32 @!p0 $0x60;
	s5 =	sand.u32 s5, s19;
	s2 =	sadd.s32 s3, s2  }
0x5d: {  	s6 =	smulhi.u32 $0x2AAAAAB, s1;
	s7 =	ssub.s32 s4, s5;
	p0 =	sgt.s32 s2, $0x0  }
0x5e: {  	s2 =	ssub.s32 $0x1, s2;
	s5 =	sand.u32 s28, s16;
	s4 =	sadd.s32 $0xFFFFFFA0, s7  }
0x5f: {  	s2 =	simm.s32 @p0 $0x0;
	s3 =	ssub.s32 $0xE0, s7;
	p0 =	sgt.s32 s4, $0x7F  }
0x60: {  	s28 =	sand.u32 $0x7, s16;
	s6 =	smul.u32 $0x60, s6;
	s3 =	simm.s32 @p0 $0x0  }
0x61: {  	s4 =	smov.u32 s18;
	p0 =	sgt.s32 s18, $0x5F;
	s2 =	smul.u32 s2, s3  }
0x62: {  	s4 =	simm.s32 @!p0 $0x5F;
	p0 =	sgt.s32 s16, $0x80;
	s1 =	ssub.s32 s1, s6  }
0x63: {  	s3 =	ssub.s32 s4, s27;
	s4 =	smov.u32 s16;
	s27 =	rddreg [dreg:$0x0]  }
0x64: {  	s1 =	sshll.u32 s1, $0x5;
	s7 =	sadd.s32 $0xFFFFFFA1, s3;
	s4 =	simm.s32 @!p0 $0x80  }
0x65: {  	s3 =	ssub.s32 $0x60, s3;
	p0 =	sgt.s32 s7, $0x0;
	s4 =	ssub.s32 s4, s5  }
0x66: {  	s7 =	smul.u32 $0xC00, s19;
	s3 =	simm.s32 @p0 $0x0;
	s30 =	sadd.s32 $0xFFFFFF80, s4  }
0x67: {  	s2 =	smul.u32 s3, s2;
	p0 =	sgt.s32 s30, $0x7F;
	s3 =	ssub.s32 $0x100, s4  }
0x68: {  	s5 =	sshll.u32 s29, $0xE;
	s4 =	sadd.s32 s27, s31;
	s3 =	simm.s32 @p0 $0x0  }
0x69: {  	s29 =	sshll.u32 s28, $0x12;
	s4 =	sadd.s32 s7, s4;
	s2 =	smul.u32 s3, s2  }
0x6a: {  	s26 =	sand.u32 $0x4000, s5;
	s30 =	sor.u32 $0x80, s29;
	s0 =	sadd.s32 s0, s4  }
0x6b: {  	s31 =	simm.s32 $0x6000;
	s0 =	sadd.s32 s1, s0;
	s2 =	sand.u32 $0x3FFFFFFF, s2  }
0x6c: {  	[tilespmem:s26], [sflag:$0x1] =	stream.strided.gather [hbm4b:s0+s30], s2, s31, s30, $0x38;
	[tilespmem:$0x10100] =	vst v63  }
.LBB1_3:
0x6d: {  	s0 =	sadd.s32 $0xFFFFFFFF, s21  }
0x6e: {  	p0 =	sge.u32 s0, s10  }
.Ltmp3:
0x6f: {  	_ = 	snop;
	(pc) =	sbr.rel @p0 .LBB1_19-.Ltmp3, $1  }
0x70: {  	_ =	sdelay $0x3  }
0x71: {  	[dreg:$0x14] =	wrdreg s25  }
0x72: {  	[dreg:$0x13] =	wrdreg s24  }
0x73: {  	[dreg:$0x12] =	wrdreg s23  }
0x74: {  	[dreg:$0x11] =	wrdreg s22  }
0x75: {  	[dreg:$0xf] =	wrdreg s20  }
0x76: {  	[dreg:$0xe] =	wrdreg s19  }
0x77: {  	[dreg:$0xd] =	wrdreg s18  }
0x78: {  	[dreg:$0xb] =	wrdreg s16;
	s0 =	sshra.s32 s17, $0x1F  }
0x79: {  	p0 =	sgt.s32 s17, $0x1;
	s1 =	smov.u32 s17;
	s19 =	ssub.s32 $0x0, s15  }
0x7a: {  	s2 =	sshra.s32 s15, $0x1F;
	p1 =	sgt.s32 s14, $0x5F;
	s3 =	smov.u32 s14  }
0x7b: {  	s4 =	sshra.s32 s14, $0x1F;
	p2 =	sgt.s32 s15, $0x60;
	[dreg:$0x8] =	wrdreg s13  }
0x7c: {  	s5 =	smov.u32 s15;
	s25 =	ssub.s32 $0x0, s13;
	[dreg:$0xc] =	wrdreg s17  }
0x7d: {  	s26 =	sshra.s32 s13, $0x1F;
	[dreg:$0xa] =	wrdreg s15;
	s0 =	sand.u32 s0, s17  }
0x7e: {  	s1 =	simm.s32 @!p0 $0x1;
	s3 =	simm.s32 @!p1 $0x5F;
	s4 =	sand.u32 s4, s14  }
0x7f: {  	s2 =	sand.u32 s19, s2;
	s5 =	simm.s32 @!p2 $0x60;
	p1 =	sgt.s32 s13, $0x80  }
0x80: {  	s27 =	sand.u32 s25, s26;
	s0 =	sxor.u32 $0xFFFFFFFF, s0;
	s20 =	ssub.s32 s3, s4  }
0x81: {  	[dreg:$0x17] =	wrdreg s2;
	s22 =	sadd.s32 s2, s5;
	s5 =	smov.u32 s13  }
0x82: {  	s2 =	sadd.s32 $0x1, s17;
	s0 =	sadd.s32 s0, s1;
	s23 =	sadd.s32 $0xFFFFFFA1, s20  }
0x83: {  	s24 =	sadd.s32 $0xFFFFFFA0, s22;
	s7 =	ssub.s32 $0x60, s20;
	s5 =	simm.s32 @!p1 $0x80  }
0x84: {  	p0 =	sgt.s32 s0, $0x0;
	s6 =	ssub.s32 $0x1, s0;
	p1 =	sgt.s32 s24, $0x7F  }
0x85: {  	s1 =	sadd.s32 s27, s5;
	s6 =	simm.s32 @p0 $0x0;
	p0 =	sgt.s32 s23, $0x0  }
0x86: {  	s0 =	ssub.s32 $0xE0, s22;
	s28 =	sadd.s32 $0xFFFFFF80, s1;
	s7 =	simm.s32 @p0 $0x0  }
0x87: {  	s1 =	ssub.s32 $0x100, s1;
	p0 =	sgt.s32 s28, $0x7F;
	s29 =	smul.u32 s6, s7  }
0x88: {  	s0 =	simm.s32 @p1 $0x0;
	s1 =	simm.s32 @p0 $0x0;
	p0 =	slt.s32 s2, $0x2  }
0x89: {  	s3 =	sadd.s32 $0x80, s15;
	s2 =	simm.s32 @!p0 $0x2;
	s0 =	smul.u32 s0, s29  }
0x8a: {  	[dreg:$0x9] =	wrdreg s14;
	p0 =	slt.s32 s3, $0xE0;
	s2 =	ssub.s32 s2, s17  }
0x8b: {  	s3 =	simm.s32 @!p0 $0xE0;
	s0 =	smul.u32 s1, s0;
	s1 =	sadd.s32 $0x1, s14  }
0x8c: {  	s3 =	ssub.s32 s3, s15;
	p0 =	slt.s32 s2, $0x1;
	p1 =	slt.s32 s1, $0x60  }
0x8d: {  	[dreg:$0x10] =	wrdreg s21;
	s1 =	simm.s32 @!p1 $0x60;
	p1 =	slt.s32 @!p0 s3, $0x1  }
0x8e: {  	[dreg:$0x18] =	wrdreg s27;
	s1 =	ssub.s32 s1, s14;
	p1 =	por p0, p1  }
0x8f: {  	[dreg:$0x15] =	wrdreg s6;
	p2 =	slt.s32 @!p1 s1, $0x1  }
0x90: {  	[dreg:$0x16] =	wrdreg s7;
	p1 =	por p1, p2  }
.Ltmp4:
0x91: {  	s30 =	simm.s32 $0x1;
	[dreg:$0x1a] =	wrdreg s2;
	(pc) =	sbr.rel @p1 .LBB1_18-.Ltmp4, $4  }
0x92: {  	[dreg:$0x1b] =	wrdreg s3;
	s0 =	sand.u32 $0x3FFFFFFF, s0;
	s3 =	sand.u32 $0x1, s21  }
0x93: {  	_ =	swait.ge [sflag:s30], s0;
	s31 =	smul.u32 $0x4080, s3  }
0x94: {  	s0 =	ssub.s32 $0x0, s0;
	[sflag:s30] =	ssyncset.done $0x0  }
0x95: {  	[sflag:s30] =	ssyncadd.s32 s0;
	[dreg:$0x19] =	wrdreg s31  }
0x96: {  	s2 =	rddreg [dreg:$0x8]  }
0x97: {  	s0 =	sadd.s32 $0x80, s2  }
0x98: {  	p1 =	slt.s32 s0, $0xE0  }
.Ltmp5:
0x99: {  	s0 =	simm.s32 @!p1 $0xE0;
	(pc) =	sbr.rel .LBB1_6-.Ltmp5, $4  }
0x9a: {  	s3 =	sshll.u32 @!p0 s3, $0xE;
	s0 =	ssub.s32 s0, s2  }
0x9b: {  	s11 =	simm.s32 $0x0;
	[dreg:$0x1c] =	wrdreg s3;
	s4 =	sadd.s32 $0xF, s0  }
0x9c: {  	s3 =	rddreg [dreg:$0x19];
	s0 =	sand.u32 $0xFFFFFFF0, s4;
	s2 =	sand.u32 @!p0 $0xFFFFFF00, s4  }
0x9d: {  	s10 =	sor.u32 @!p0 $0x8000, s3;
	p0 =	slt.s32 s4, $0x100;
	p1 =	sge.s32 s2, s0  }
.LBB1_17:
0x9e: {  	s11 =	sadd.s32 $0x1, s11;
	s3 =	rddreg [dreg:$0x1a]  }
0x9f: {  	p2 =	sne.s32 s11, s3  }
.Ltmp6:
0xa0: {  	_ = 	snop;
	(pc) =	sbr.rel @!p2 .LBB1_18-.Ltmp6, $1  }
0xa1: {  	_ =	sdelay $0x3  }
.LBB1_6:
.Ltmp7:
0xa2: {  	(pc) =	sbr.rel .LBB1_7-.Ltmp7, $4  }
0xa3: {  	_ = 	snop  }
0xa4: {  	s3 =	sshll.u32 s11, $0x10  }
0xa5: {  	s4 =	rddreg [dreg:$0x1c];
	s3 =	sshra.s32 s3, $0x2  }
0xa6: {  	s9 =	simm.s32 $0x0;
	s6 =	sadd.s32 s3, s4  }
.LBB1_16:
0xa7: {  	s9 =	sadd.s32 $0x1, s9;
	s3 =	rddreg [dreg:$0x1b]  }
0xa8: {  	p2 =	sne.s32 s9, s3  }
.Ltmp8:
0xa9: {  	_ = 	snop;
	(pc) =	sbr.rel @!p2 .LBB1_17-.Ltmp8, $1  }
0xaa: {  	_ =	sdelay $0x3  }
.LBB1_7:
0xab: {  	s5 =	sshrl.u32 s9, $0x4  }
0xac: {  	s3 =	sshll.u32 s9, $0x3;
	s7 =	sand.u32 $0x78, s5  }
0xad: {  	s8 =	sadd.s32 $0x800, s3;
	s13 =	sadd.s32 $0x1000, s3;
	s14 =	sadd.s32 $0x1800, s3  }
0xae: {  	s25 =	sadd.s32 $0x2800, s3;
	s30 =	sadd.s32 $0x3000, s3;
	s3 =	sadd.s32 $0x3800, s3  }
0xaf: {  	s12 =	smul.u32 $0x204, s7;
	s8 =	sshrl.u32 s8, $0x7;
	s7 =	sxor.u32 $0x40, s7  }
0xb0: {  	s13 =	sshrl.u32 s13, $0x7;
	s8 =	sand.u32 $0x78, s8;
	s16 =	smul.u32 $0x204, s7  }
0xb1: {  	s22 =	sshrl.u32 s14, $0x7;
	s21 =	sand.u32 $0x78, s13;
	s15 =	smul.u32 $0x204, s8  }
0xb2: {  	s26 =	sshrl.u32 s25, $0x7;
	s24 =	sand.u32 $0x78, s22;
	s23 =	smul.u32 $0x204, s21  }
0xb3: {  	s3 =	sshrl.u32 s3, $0x7;
	s7 =	sand.u32 $0x78, s26;
	s13 =	smul.u32 $0x204, s24  }
0xb4: {  	s4 =	sshll.u32 s9, $0x9;
	s3 =	sand.u32 $0x78, s3;
	s17 =	smul.u32 $0x204, s7  }
0xb5: {  	s29 =	simm.s32 $0x0;
	s4 =	sshra.s32 s4, $0x2;
	s3 =	smul.u32 $0x204, s3  }
.Ltmp9:
0xb6: {  	s4 =	sadd.s32 s4, s6;
	s8 =	sshrl.u32 s30, $0x7;
	(pc) =	sbr.rel .LBB1_8-.Ltmp9, $4  }
0xb7: {  	s27 =	sshrl.u32 s12, $0x2;
	s31 =	sand.u32 $0x78, s8;
	s8 =	sand.u32 $0x7F, s9  }
0xb8: {  	s21 =	sshrl.u32 s16, $0x2;
	s18 =	smul.u32 $0x204, s31;
	s7 =	sadd.s32 s8, s10  }
0xb9: {  	s28 =	sshrl.u32 s15, $0x2;
	s25 =	sshrl.u32 s23, $0x2;
	s26 =	sshrl.u32 s13, $0x2  }
0xba: {  	s13 =	sshrl.u32 s17, $0x2;
	s22 =	sshrl.u32 s3, $0x2;
	s16 =	sshrl.u32 s18, $0x2  }
.LBB1_15:
0xbb: {  	s29 =	sadd.s32 $0x1, s29  }
0xbc: {  	p2 =	sne.s32 s29, s1  }
.Ltmp10:
0xbd: {  	_ = 	snop;
	(pc) =	sbr.rel @!p2 .LBB1_16-.Ltmp10, $1  }
0xbe: {  	_ =	sdelay $0x3  }
.LBB1_8:
.Ltmp11:
0xbf: {  	(pc) =	sbr.rel @p0 .LBB1_12-.Ltmp11, $2  }
0xc0: {  	_ =	sdelay $0x2  }
0xc1: {  	s23 =	sshll.u32 s29, $0x7;
	s24 =	sadd.s32 s11, s29  }
0xc2: {  	s12 =	sand.u32 $0x380, s23  }
0xc3: {  	s3 =	smul.u32 $0x10200, s24;
	s15 =	sadd.s32 s12, s4  }
0xc4: {  	v3 =	vld [tilespmem:s15+$0x60]  }
0xc5: {  	s3 =	sshra.s32 s3, $0x2;
	v2 =	vld [tilespmem:s15+$0x40]  }
0xc6: {  	v4 =	vld [tilespmem:s15+$0x30];
	s3 =	sadd.s32 s3, s10  }
0xc7: {  	v5 =	vld [tilespmem:s15+$0x20];
	s14 =	sadd.s32 s27, s3;
	s17 =	sadd.s32 s28, s3;
	s30 =	sadd.s32 s16, s3  }
0xc8: {  	v6 =	vld [tilespmem:s15+$0x10];
	s19 =	sadd.s32 s8, s17;
	s17 =	sadd.s32 s21, s3;
	s30 =	sadd.s32 s8, s30  }
0xc9: {  	v7 =	vld [tilespmem:s15+$0x0];
	s18 =	sadd.s32 s8, s14;
	s14 =	sadd.s32 s26, s3;
	s17 =	sadd.s32 s8, s17;
	[tilespmem:s30+$0x0 ss:$0x81] =	vst.msk $0xffff, v3  }
0xca: {  	s20 =	sadd.s32 s25, s3;
	s12 =	sadd.s32 s8, s14;
	[tilespmem:s17+$0x0 ss:$0x81] =	vst.msk $0xffff, v2  }
0xcb: {  	s20 =	sadd.s32 s8, s20;
	[tilespmem:s12+$0x0 ss:$0x81] =	vst.msk $0xffff, v4  }
0xcc: {  	[tilespmem:s20+$0x0 ss:$0x81] =	vst.msk $0xffff, v5  }
0xcd: {  	v0 =	vld [tilespmem:s15+$0x70];
	[tilespmem:s19+$0x0 ss:$0x81] =	vst.msk $0xffff, v6  }
0xce: {  	p2 =	sgt.s32 s2, $0x100;
	v1 =	vld [tilespmem:s15+$0x50];
	[tilespmem:s18+$0x0 ss:$0x81] =	vst.msk $0xffff, v7  }
.Ltmp12:
0xcf: {  	[tilespmem:s18+$0x0 ss:$0x81] =	vst.msk $0xffff, v7;
	(pc) =	sbr.rel @!p2 .LBB1_11-.Ltmp12, $4  }
0xd0: {  	s14 =	sadd.s32 s13, s3;
	s3 =	sadd.s32 s22, s3;
	[tilespmem:s19+$0x0 ss:$0x81] =	vst.msk $0xffff, v6  }
0xd1: {  	s3 =	sadd.s32 s8, s3;
	[tilespmem:s20+$0x0 ss:$0x81] =	vst.msk $0xffff, v5  }
0xd2: {  	s14 =	sadd.s32 s8, s14;
	[tilespmem:s3+$0x0 ss:$0x81] =	vst.msk $0xffff, v0  }
0xd3: {  	s31 =	simm.s32 $0x100;
	[tilespmem:s14+$0x0 ss:$0x81] =	vst.msk $0xffff, v1  }
.LBB1_10:
0xd4: {  	v5 =	vld [tilespmem:s15+$0x70];
	[tilespmem:s12+$0x0 ss:$0x81] =	vst.msk $0xffff, v4  }
0xd5: {  	v6 =	vld [tilespmem:s15+$0x60];
	[tilespmem:s17+$0x0 ss:$0x81] =	vst.msk $0xffff, v2  }
0xd6: {  	[tilespmem:s14+$0x0 ss:$0x81] =	vst.msk $0xffff, v1;
	v1 =	vld [tilespmem:s15+$0x50]  }
0xd7: {  	v2 =	vld [tilespmem:s15+$0x40];
	[tilespmem:s30+$0x0 ss:$0x81] =	vst.msk $0xffff, v3  }
0xd8: {  	v4 =	vld [tilespmem:s15+$0x30];
	[tilespmem:s3+$0x0 ss:$0x81] =	vst.msk $0xffff, v0  }
0xd9: {  	v7 =	vld [tilespmem:s15+$0x20];
	[tilespmem:s3+$0x0 ss:$0x81] =	vst.msk $0xffff, v5;
	v0 =	vmov v5  }
0xda: {  	v5 =	vld [tilespmem:s15+$0x10];
	[tilespmem:s30+$0x0 ss:$0x81] =	vst.msk $0xffff, v6;
	v3 =	vmov v6  }
0xdb: {  	s31 =	sadd.s32 $0x100, s31;
	v6 =	vld [tilespmem:s15+$0x0];
	[tilespmem:s14+$0x0 ss:$0x81] =	vst.msk $0xffff, v1  }
0xdc: {  	p2 =	slt.s32 s31, s2;
	[tilespmem:s17+$0x0 ss:$0x81] =	vst.msk $0xffff, v2  }
0xdd: {  	[tilespmem:s12+$0x0 ss:$0x81] =	vst.msk $0xffff, v4  }
0xde: {  	[tilespmem:s20+$0x0 ss:$0x81] =	vst.msk $0xffff, v7  }
.Ltmp13:
0xdf: {  	[tilespmem:s19+$0x0 ss:$0x81] =	vst.msk $0xffff, v5;
	(pc) =	sbr.rel @p2 .LBB1_10-.Ltmp13, $4  }
0xe0: {  	[tilespmem:s18+$0x0 ss:$0x81] =	vst.msk $0xffff, v6  }
0xe1: {  	[tilespmem:s18+$0x0 ss:$0x81] =	vst.msk $0xffff, v6  }
0xe2: {  	[tilespmem:s19+$0x0 ss:$0x81] =	vst.msk $0xffff, v5  }
0xe3: {  	[tilespmem:s20+$0x0 ss:$0x81] =	vst.msk $0xffff, v7  }
.LBB1_11:
0xe4: {  	[tilespmem:s12+$0x0 ss:$0x81] =	vst.msk $0xffff, v4  }
0xe5: {  	[tilespmem:s17+$0x0 ss:$0x81] =	vst.msk $0xffff, v2  }
0xe6: {  	[tilespmem:s14+$0x0 ss:$0x81] =	vst.msk $0xffff, v1  }
0xe7: {  	[tilespmem:s30+$0x0 ss:$0x81] =	vst.msk $0xffff, v3  }
0xe8: {  	[tilespmem:s3+$0x0 ss:$0x81] =	vst.msk $0xffff, v0  }
.LBB1_12:
.Ltmp14:
0xe9: {  	(pc) =	sbr.rel @p1 .LBB1_15-.Ltmp14, $1  }
0xea: {  	_ =	sdelay $0x3  }
0xeb: {  	s12 =	sand.u32 $0x380, s23  }
0xec: {  	s3 =	smul.u32 $0x10200, s24;
	s12 =	sadd.s32 s12, s4  }
0xed: {  	v0 =	vmov s12  }
0xee: {  	s3 =	sshra.s32 s3, $0x2  }
0xef: {  	s12 =	smov.u32 s2;
	s3 =	sadd.s32 s3, s7  }
.LBB1_14:
0xf0: {  	s15 =	sadd.s32 s12, s5  }
0xf1: {  	s14 =	sand.u32 $0x70, s12;
	s12 =	sadd.s32 $0x10, s12;
	s31 =	sand.u32 $0x78, s15  }
0xf2: {  	v1 =	vld.idx.msk [tilespmem:v0+s14+$0x0 ss:$0x1], $0xffff;
	p2 =	slt.s32 s12, s0;
	s14 =	smul.u32 $0x204, s31  }
.Ltmp15:
0xf3: {  	_ = 	snop;
	(pc) =	sbr.rel @p2 .LBB1_14-.Ltmp15, $4  }
0xf4: {  	_ = 	snop  }
0xf5: {  	s14 =	sshrl.u32 s14, $0x2  }
0xf6: {  	s14 =	sadd.s32 s14, s3  }
0xf7: {  	[tilespmem:s14+$0x0 ss:$0x81] =	vst.msk $0xffff, v1  }
.Ltmp16:
0xf8: {  	_ = 	snop;
	(pc) =	sbr.rel .LBB1_15-.Ltmp16, $1  }
0xf9: {  	_ =	sdelay $0x3  }
.LBB1_20:
0xfa: {  	_ =	sfence.sel $0x180000  }
0xfb: {  	s0 =	simm.s32 $0x1;
	[bflag:$0x0] =	sbarrier.arrive $0xFFFF  }
0xfc: {  	s30 =	simm.s32 $0x2;
	[sflag:s0] =	ssyncpa.u1 $0x1  }
0xfd: {  	[sflag:s30] =	ssyncpa.u1 $0x1  }
0xfe: {  	_ =	strace $0x9000005C  }
0xff: {  	s31 =	stileid.u32;
	[bflag:$0x2] =	sbarrier.arrive $0xFFFF  }
0x100: {  	p0 =	sne.s32 s31, $0x0;
	s0 =	rddreg [dreg:$0x2]  }
0x101: {  	s0 =	sadd.s32 @!p0 $0x100000, s0  }
0x102: {  	[sflag:s0] =	ssyncadd.tile.s32 @!p0 $0x1;
	_ =	shalt  }
.Lfunc_end1:
_tile_overlayer_lowered:
.L_overlay_start_2:
0x103: {  	(tag) =	ssettag $0x2  }
0x104: {  	s0 =	rddreg [dreg:$0x0];
	s2 =	stileid.u32  }
0x105: {  	s1 =	rddreg [dreg:$0x1];
	p0 =	sne.s32 s2, $0x0  }
0x106: {  	s3 =	rddreg [dreg:$0x2];
	[bflag:$0x3] =	sbarrier.arrive $0xFFFF;
	s2 =	simm.s32 @!p0 $0x1C01  }
0x107: {  	[timem:s3], [sflag:s2] =	dma.local @!p0 [hbm:s0], s1  }
0x108: {  	s0 =	simm.s32 @!p0 $0x1  }
0x109: {  	_ =	swait.ge @!p0 [sflag:s0], s1  }
0x10a: {  	s1 =	ssub.s32 @!p0 $0x0, s1;
	[sflag:s0] =	ssyncset.done @!p0 $0x0  }
0x10b: {  	[sflag:s0] =	ssyncadd.s32 @!p0 s1  }
0x10c: {  	[bflag:$0x3] =	sbarrier.arrive $0xFFFF  }
0x10d: {  	_ =	shalt  }

</sc_bundles>
